<compile_context>
chip_gen: v7x
topology: tpu7x:2x2x1
jax: 0.10.2.dev20260603
libtpu: 0.0.44.dev20260713+nightly
codegen_flags: <defaults>
</compile_context>

<pallas_src>
import functools

import jax
import jax.numpy as jnp
from jax import lax
from jax.experimental import pallas as pl
from jax.experimental.pallas import tpu as pltpu
from jax.experimental.pallas import tpu_sc as plsc

N = 10000
E = 320000
D = 128
H = 4
OUT = 128
C = 460

NC = 2
NS = 16
NH = N // NC
NHP = NH + 8
EPT = E // NS
EB = 80
NBATCH = EPT // EB
DW = 16


_BN = 2000


def _proj_body(x_ref, wl_ref, bl_ref, wr_ref, br_ref, ol_ref, or_ref):
    xb = x_ref[...]
    dn = (((1,), (1,)), ((), ()))
    l = lax.dot_general(xb, wl_ref[...], dn, preferred_element_type=jnp.float32)
    r = lax.dot_general(xb, wr_ref[...], dn, preferred_element_type=jnp.float32)
    ol_ref[...] = (l + bl_ref[0])[None]
    or_ref[...] = (r + br_ref[0])[None]


def _project(x, W_l, b_l2, W_r, b_r2):
    return pl.pallas_call(
        _proj_body,
        grid=(H, N // _BN),
        in_specs=[
            pl.BlockSpec((_BN, D), lambda h, n: (n, 0)),
            pl.BlockSpec((OUT, D), lambda h, n: (h, 0)),
            pl.BlockSpec((1, 1, OUT), lambda h, n: (h, 0, 0)),
            pl.BlockSpec((OUT, D), lambda h, n: (h, 0)),
            pl.BlockSpec((1, 1, OUT), lambda h, n: (h, 0, 0)),
        ],
        out_specs=[
            pl.BlockSpec((1, _BN, OUT), lambda h, n: (h, n, 0)),
            pl.BlockSpec((1, _BN, OUT), lambda h, n: (h, n, 0)),
        ],
        out_shape=[
            jax.ShapeDtypeStruct((H, N, OUT), jnp.float32),
            jax.ShapeDtypeStruct((H, N, OUT), jnp.float32),
        ],
    )(x, W_l, b_l2, W_r, b_r2)



_sc_mesh = plsc.VectorSubcoreMesh(core_axis_name="c", subcore_axis_name="s")


@functools.partial(
    pl.kernel,
    out_type=[
        jax.ShapeDtypeStruct((H, N, OUT), jnp.float32),
        jax.ShapeDtypeStruct((H, N, OUT), jnp.float32),
    ],
    mesh=_sc_mesh,
    scratch_types=[
        pltpu.VMEM((EB,), jnp.int32),
        pltpu.VMEM((EB,), jnp.int32),
        pltpu.VMEM((EB,), jnp.int32),
        pltpu.VMEM((EB, OUT), jnp.float32),
        pltpu.VMEM((EB, OUT), jnp.float32),
        pltpu.VMEM((EB, OUT), jnp.float32),
        pltpu.VMEM((H, OUT), jnp.float32),
        pltpu.SemaphoreType.DMA,
        pltpu.SemaphoreType.DMA,
        pltpu.VMEM_SHARED((NHP, OUT), jnp.float32),
        pltpu.VMEM_SHARED((NHP, OUT), jnp.float32),
    ],
)
def _sc_edges(src_hbm, dst_hbm, att_hbm, zacc_hbm, zden_hbm,
              xl0, xl1, xl2, xl3, xr0, xr1, xr2, xr3,
              acc_out, den_out,
              srcv, dstv, dstv2, lrows, rrows, wrow, attv,
              sem0, sem1, acc_s, den_s):
    c = lax.axis_index("c")
    s = lax.axis_index("s")
    cbase = c * NH

    pltpu.sync_copy(att_hbm, attv)

    xls = (xl0, xl1, xl2, xl3)
    xrs = (xr0, xr1, xr2, xr3)

    for h in range(H):
        pltpu.sync_copy(zacc_hbm, acc_s)
        pltpu.sync_copy(zden_hbm, den_s)
        plsc.subcore_barrier()

        def _batch_body(b, carry, h=h):
            base = s * EPT + b * EB
            pltpu.sync_copy(src_hbm.at[pl.ds(base, EB)], srcv)
            pltpu.sync_copy(dst_hbm.at[pl.ds(base, EB)], dstv)
            cp_l = pltpu.async_copy(xls[h].at[srcv], lrows, sem0)
            cp_r = pltpu.async_copy(xrs[h].at[dstv], rrows, sem1)
            cp_l.wait()
            cp_r.wait()

            for g in range(EB // 16):
                dv = dstv[pl.ds(g * 16, 16)]
                local = dv - cbase
                oob = (local < 0) | (local >= NH)
                dstv2[pl.ds(g * 16, 16)] = jnp.where(oob, NH, local)

            def _edge_body(e, ecarry, h=h):
                acc = jnp.zeros((16,), jnp.float32)
                for k in range(OUT // 16):
                    lv = lrows[e, pl.ds(k * 16, 16)]
                    rv = rrows[e, pl.ds(k * 16, 16)]
                    v = lv + rv
                    lr = jnp.maximum(v, 0.2 * v)
                    acc = acc + attv[h, pl.ds(k * 16, 16)] * lr
                lane = lax.iota(jnp.int32, 16)
                for sh in (1, 2, 4, 8):
                    acc = acc + acc.at[lane ^ sh].get(mode="promise_in_bounds")
                wv = jnp.exp(acc)
                for k in range(OUT // 16):
                    wrow[e, pl.ds(k * 16, 16)] = wv
                for k in range(OUT // 16):
                    rrows[e, pl.ds(k * 16, 16)] = lrows[e, pl.ds(k * 16, 16)] * wv
                return ecarry

            lax.fori_loop(0, EB, _edge_body, 0)
            pltpu.sync_copy(rrows, acc_s.at[dstv2], add=True)
            pltpu.sync_copy(wrow, den_s.at[dstv2], add=True)
            return carry

        lax.fori_loop(0, NBATCH, _batch_body, 0)
        plsc.subcore_barrier()

        pltpu.sync_copy(acc_s.at[pl.ds(0, NH)],
                        acc_out.at[h, pl.ds(cbase, NH)])
        pltpu.sync_copy(den_s.at[pl.ds(0, NH)],
                        den_out.at[h, pl.ds(cbase, NH)])
        plsc.subcore_barrier()



_BNF = 1000


def _final_body(acc_ref, den_ref, bias_ref, wfc_ref, bfc_ref, out_ref):
    hsum = jnp.zeros((_BNF, OUT), jnp.float32)
    for h in range(H):
        a = acc_ref[h]
        dsum = den_ref[h]
        hsum = hsum + a / (dsum[:, 0:1] + 1e-16)
    hmean = hsum * (1.0 / H) + bias_ref[...]
    dn = (((1,), (1,)), ((), ()))
    out = lax.dot_general(hmean, wfc_ref[...], dn,
                          preferred_element_type=jnp.float32)
    out_ref[...] = out + bfc_ref[...]


def _finalize(acc, den, bias2, W_fc, b_fc2):
    return pl.pallas_call(
        _final_body,
        grid=(N // _BNF,),
        in_specs=[
            pl.BlockSpec((H, _BNF, OUT), lambda n: (0, n, 0)),
            pl.BlockSpec((H, _BNF, OUT), lambda n: (0, n, 0)),
            pl.BlockSpec((1, OUT), lambda n: (0, 0)),
            pl.BlockSpec((C, OUT), lambda n: (0, 0)),
            pl.BlockSpec((1, C), lambda n: (0, 0)),
        ],
        out_specs=pl.BlockSpec((_BNF, C), lambda n: (n, 0)),
        out_shape=jax.ShapeDtypeStruct((N, C), jnp.float32),
    )(acc, den, bias2, W_fc, b_fc2)


def kernel(x, edge_index, exps, exps_c, W_l, b_l, W_r, b_r, att, bias, W_fc, b_fc):
    src = edge_index[:, 0].astype(jnp.int32)
    dst = edge_index[:, 1].astype(jnp.int32)
    xl3, xr3 = _project(x, W_l, b_l.reshape(H, 1, OUT), W_r, b_r.reshape(H, 1, OUT))
    zacc = jnp.zeros((NHP, OUT), jnp.float32)
    zden = jnp.zeros((NHP, OUT), jnp.float32)
    acc, den = _sc_edges(src, dst, att, zacc, zden,
                         xl3[0], xl3[1], xl3[2], xl3[3],
                         xr3[0], xr3[1], xr3[2], xr3[3])
    h = _finalize(acc, den, bias.reshape(1, OUT), W_fc, b_fc.reshape(1, C))
    return (h, exps, exps_c)

# --- scband reference (transcript-rebuilt; emitter-appended) ---
"""Pipeline reference for scband-gatmodel-3-4535485465121 (READ-ONLY COPY).

The authoritative reference and input builder live on the scoring server;
editing this copy changes nothing except your own understanding.
"""

import jax, jax.numpy as jnp
import numpy as np

N = 10000
E = 320000
D = 128
H = 4
OUT = 128
C = 460

def setup_inputs(seed: int = 0) -> dict:
    key = jax.random.key(seed)
    ks = jax.random.split(key, 12)
    x = jax.random.normal(ks[0], (N, D), dtype=jnp.float32)
    edge_index = jax.random.randint(ks[1], (E, 2), 0, N, dtype=jnp.int64) if jax.config.jax_enable_x64 else jax.random.randint(ks[1], (E, 2), 0, N).astype(jnp.int32)
    exps = jax.random.normal(ks[2], (N, C), dtype=jnp.float32)
    exps_c = jax.random.normal(ks[3], (100, C), dtype=jnp.float32)
    s = 1.0 / np.sqrt(D)
    W_l = jax.random.uniform(ks[4], (H * OUT, D), jnp.float32, -s, s)
    b_l = jnp.zeros((H * OUT,), jnp.float32)
    W_r = jax.random.uniform(ks[5], (H * OUT, D), jnp.float32, -s, s)
    b_r = jnp.zeros((H * OUT,), jnp.float32)
    att = jax.random.uniform(ks[6], (H, OUT), jnp.float32, -s, s)
    bias = jnp.zeros((OUT,), jnp.float32)
    sf = 1.0 / np.sqrt(OUT)
    W_fc = jax.random.uniform(ks[7], (C, OUT), jnp.float32, -sf, sf)
    b_fc = jnp.zeros((C,), jnp.float32)
    return {"x": x, "edge_index": edge_index, "exps": exps, "exps_c": exps_c,
            "W_l": W_l, "b_l": b_l, "W_r": W_r, "b_r": b_r, "att": att,
            "bias": bias, "W_fc": W_fc, "b_fc": b_fc}

def _gatv2(x, edge_index, W_l, b_l, W_r, b_r, att, bias):
    # edge_index stored as [E,2]; model does edge_index.T -> [2,E] with row0=src, row1=dst
    ei = edge_index.T
    src, dst = ei[0], ei[1]
    x_l = (x @ W_l.T + b_l).reshape(N, H, OUT)
    x_r = (x @ W_r.T + b_r).reshape(N, H, OUT)
    xe = x_l[src] + x_r[dst]                       # [E,H,OUT] gather
    xe = jax.nn.leaky_relu(xe, negative_slope=0.2)
    alpha = (xe * att[None, :, :]).sum(-1)          # [E,H]
    amax = jax.ops.segment_max(alpha, dst, num_segments=N)
    amax = jnp.where(jnp.isfinite(amax), amax, 0.0)
    amax = jax.lax.stop_gradient(amax)
    a = jnp.exp(alpha - amax[dst])
    denom = jax.ops.segment_sum(a, dst, num_segments=N)
    a = a / (denom[dst] + 1e-16)
    msg = x_l[src] * a[:, :, None]                  # [E,H,OUT]
    out = jax.ops.segment_sum(msg, dst, num_segments=N)  # scatter-add
    out = out.mean(axis=1) + bias                   # concat=False -> mean over heads
    return out

def reference(x, edge_index, exps, exps_c, W_l, b_l, W_r, b_r, att, bias, W_fc, b_fc):
    # centroid_layer=False path, return_attention=False
    h = _gatv2(x, edge_index, W_l, b_l, W_r, b_r, att, bias)
    h = h @ W_fc.T + b_fc
    # returns (h, exps, h_c=None, exps_c, centroid_index=[]) in torch; None/[] omitted
    return (h, exps, exps_c)

if __name__ == "__main__":
    import jax
    _d = setup_inputs()
    print(jax.jit(kernel)(*tuple(_d.values())))

</pallas_src>

<mosaic_0001>
#map = affine_map<(d0, d1) -> (0)>
#map1 = affine_map<(d0, d1) -> (0, 0)>
#map2 = affine_map<(d0, d1) -> (0, 0, 0)>
module attributes {stable_mosaic.version = 14 : i64} {
  func.func @_sc_edges(%arg0: i32, %arg1: i32, %arg2: memref<320000xi32, #tpu.memory_space<hbm>>, %arg3: memref<320000xi32, #tpu.memory_space<hbm>>, %arg4: memref<4x128xf32, #tpu.memory_space<hbm>>, %arg5: memref<5008x128xf32, #tpu.memory_space<hbm>>, %arg6: memref<5008x128xf32, #tpu.memory_space<hbm>>, %arg7: memref<10000x128xf32, #tpu.memory_space<hbm>>, %arg8: memref<10000x128xf32, #tpu.memory_space<hbm>>, %arg9: memref<10000x128xf32, #tpu.memory_space<hbm>>, %arg10: memref<10000x128xf32, #tpu.memory_space<hbm>>, %arg11: memref<10000x128xf32, #tpu.memory_space<hbm>>, %arg12: memref<10000x128xf32, #tpu.memory_space<hbm>>, %arg13: memref<10000x128xf32, #tpu.memory_space<hbm>>, %arg14: memref<10000x128xf32, #tpu.memory_space<hbm>>, %arg15: memref<4x10000x128xf32, #tpu.memory_space<hbm>>, %arg16: memref<4x10000x128xf32, #tpu.memory_space<hbm>>, %arg17: memref<80xi32, #tpu.memory_space<vmem>>, %arg18: memref<80xi32, #tpu.memory_space<vmem>>, %arg19: memref<80xi32, #tpu.memory_space<vmem>>, %arg20: memref<80x128xf32, #tpu.memory_space<vmem>>, %arg21: memref<80x128xf32, #tpu.memory_space<vmem>>, %arg22: memref<80x128xf32, #tpu.memory_space<vmem>>, %arg23: memref<4x128xf32, #tpu.memory_space<vmem>>, %arg24: memref<!tpu.dma_semaphore, #tpu.memory_space<semaphore_mem>>, %arg25: memref<!tpu.dma_semaphore, #tpu.memory_space<semaphore_mem>>, %arg26: memref<5008x128xf32, #tpu.memory_space<vmem_shared>>, %arg27: memref<5008x128xf32, #tpu.memory_space<vmem_shared>>) attributes {dimension_semantics = [#tpu.dimension_semantics<core_parallel>, #tpu.dimension_semantics<subcore_parallel>], iteration_bounds = array<i64: 2, 16>, scalar_prefetch = 0 : i64, scratch_operands = 11 : i64, tpu.core_type = #tpu.core_type<sc_vector_subcore>, window_params = [{transform_indices = #map}, {transform_indices = #map}, {transform_indices = #map1}, {transform_indices = #map1}, {transform_indices = #map1}, {transform_indices = #map1}, {transform_indices = #map1}, {transform_indices = #map1}, {transform_indices = #map1}, {transform_indices = #map1}, {transform_indices = #map1}, {transform_indices = #map1}, {transform_indices = #map1}, {transform_indices = #map2}, {transform_indices = #map2}]} {
    %mul3A = arith.constant 5000 : i32
    %mul3A_0 = arith.muli %arg0, %mul3A : i32
    "tpu.region"() ({
      %run_scoped3A_42 = tpu.sem_alloc : memref<!tpu.dma_semaphore, #tpu.memory_space<semaphore_mem>>
      tpu.enqueue_dma source(%arg4 : memref<4x128xf32, #tpu.memory_space<hbm>>) target(%arg23 : memref<4x128xf32, #tpu.memory_space<vmem>>) target_semaphore(%run_scoped3A_42 : memref<!tpu.dma_semaphore, #tpu.memory_space<semaphore_mem>>)
      tpu.wait_dma2 semaphore(%run_scoped3A_42 : memref<!tpu.dma_semaphore, #tpu.memory_space<semaphore_mem>>) src(%arg4 : memref<4x128xf32, #tpu.memory_space<hbm>>) dst(%arg23 : memref<4x128xf32, #tpu.memory_space<vmem>>)
      tpu.yield
    }) : () -> ()
    "tpu.region"() ({
      %run_scoped3A_42 = tpu.sem_alloc : memref<!tpu.dma_semaphore, #tpu.memory_space<semaphore_mem>>
      tpu.enqueue_dma source(%arg5 : memref<5008x128xf32, #tpu.memory_space<hbm>>) target(%arg26 : memref<5008x128xf32, #tpu.memory_space<vmem_shared>>) target_semaphore(%run_scoped3A_42 : memref<!tpu.dma_semaphore, #tpu.memory_space<semaphore_mem>>)
      tpu.wait_dma2 semaphore(%run_scoped3A_42 : memref<!tpu.dma_semaphore, #tpu.memory_space<semaphore_mem>>) src(%arg5 : memref<5008x128xf32, #tpu.memory_space<hbm>>) dst(%arg26 : memref<5008x128xf32, #tpu.memory_space<vmem_shared>>)
      tpu.yield
    }) : () -> ()
    "tpu.region"() ({
      %run_scoped3A_42 = tpu.sem_alloc : memref<!tpu.dma_semaphore, #tpu.memory_space<semaphore_mem>>
      tpu.enqueue_dma source(%arg6 : memref<5008x128xf32, #tpu.memory_space<hbm>>) target(%arg27 : memref<5008x128xf32, #tpu.memory_space<vmem_shared>>) target_semaphore(%run_scoped3A_42 : memref<!tpu.dma_semaphore, #tpu.memory_space<semaphore_mem>>)
      tpu.wait_dma2 semaphore(%run_scoped3A_42 : memref<!tpu.dma_semaphore, #tpu.memory_space<semaphore_mem>>) src(%arg6 : memref<5008x128xf32, #tpu.memory_space<hbm>>) dst(%arg27 : memref<5008x128xf32, #tpu.memory_space<vmem_shared>>)
      tpu.yield
    }) : () -> ()
    %barrier3A = arith.constant 0 : index
    tpu.barrier barrier_id(%barrier3A)
    %scan3A = arith.constant 0 : i32
    %scan3A_1 = arith.constant 0 : i32
    %scan3A_2 = arith.constant 250 : i32
    %scan3A_3 = arith.addi %scan3A_1, %scan3A_2 : i32
    %scan3A_4 = arith.constant 1 : i32
    scf.for %scan3A_42 = %scan3A_1 to %scan3A_3 step %scan3A_4  : i32 {
      %mul3A_43 = arith.constant 20000 : i32
      %mul3A_44 = arith.muli %arg1, %mul3A_43 : i32
      %mul3A_45 = arith.constant 80 : i32
      %mul3A_46 = arith.muli %scan3A_42, %mul3A_45 : i32
      %add3A = arith.addi %mul3A_44, %mul3A_46 : i32
      "tpu.region"() ({
        %run_scoped3A_149 = tpu.sem_alloc : memref<!tpu.dma_semaphore, #tpu.memory_space<semaphore_mem>>
        %dma_start3A_150 = tpu.memref_slice %arg2[%add3A] : memref<320000xi32, #tpu.memory_space<hbm>> -> memref<80xi32, #tpu.memory_space<hbm>>
        %dma_start3A_151 = tpu.memref_slice %arg2[%add3A] : memref<320000xi32, #tpu.memory_space<hbm>> -> memref<80xi32, #tpu.memory_space<hbm>>
        tpu.enqueue_dma source(%dma_start3A_151 : memref<80xi32, #tpu.memory_space<hbm>>) target(%arg17 : memref<80xi32, #tpu.memory_space<vmem>>) target_semaphore(%run_scoped3A_149 : memref<!tpu.dma_semaphore, #tpu.memory_space<semaphore_mem>>)
        %dma_wait3A_152 = tpu.memref_slice %arg2[%add3A] : memref<320000xi32, #tpu.memory_space<hbm>> -> memref<80xi32, #tpu.memory_space<hbm>>
        %dma_wait3A_153 = tpu.memref_slice %arg2[%add3A] : memref<320000xi32, #tpu.memory_space<hbm>> -> memref<80xi32, #tpu.memory_space<hbm>>
        tpu.wait_dma2 semaphore(%run_scoped3A_149 : memref<!tpu.dma_semaphore, #tpu.memory_space<semaphore_mem>>) src(%dma_wait3A_153 : memref<80xi32, #tpu.memory_space<hbm>>) dst(%arg17 : memref<80xi32, #tpu.memory_space<vmem>>)
        tpu.yield
      }) : () -> ()
      "tpu.region"() ({
        %run_scoped3A_149 = tpu.sem_alloc : memref<!tpu.dma_semaphore, #tpu.memory_space<semaphore_mem>>
        %dma_start3A_150 = tpu.memref_slice %arg3[%add3A] : memref<320000xi32, #tpu.memory_space<hbm>> -> memref<80xi32, #tpu.memory_space<hbm>>
        %dma_start3A_151 = tpu.memref_slice %arg3[%add3A] : memref<320000xi32, #tpu.memory_space<hbm>> -> memref<80xi32, #tpu.memory_space<hbm>>
        tpu.enqueue_dma source(%dma_start3A_151 : memref<80xi32, #tpu.memory_space<hbm>>) target(%arg18 : memref<80xi32, #tpu.memory_space<vmem>>) target_semaphore(%run_scoped3A_149 : memref<!tpu.dma_semaphore, #tpu.memory_space<semaphore_mem>>)
        %dma_wait3A_152 = tpu.memref_slice %arg3[%add3A] : memref<320000xi32, #tpu.memory_space<hbm>> -> memref<80xi32, #tpu.memory_space<hbm>>
        %dma_wait3A_153 = tpu.memref_slice %arg3[%add3A] : memref<320000xi32, #tpu.memory_space<hbm>> -> memref<80xi32, #tpu.memory_space<hbm>>
        tpu.wait_dma2 semaphore(%run_scoped3A_149 : memref<!tpu.dma_semaphore, #tpu.memory_space<semaphore_mem>>) src(%dma_wait3A_153 : memref<80xi32, #tpu.memory_space<hbm>>) dst(%arg18 : memref<80xi32, #tpu.memory_space<vmem>>)
        tpu.yield
      }) : () -> ()
      %dma_start3A = arith.constant 0 : i32
      %dma_start3A_47 = arith.constant 0 : i32
      %dma_start3A_48 = tpu.memref_slice %arg7[%dma_start3A, %dma_start3A_47] : memref<10000x128xf32, #tpu.memory_space<hbm>> -> memref<10000x128xf32, #tpu.memory_space<hbm>>
      tpu.enqueue_indirect_dma source(%dma_start3A_48 : memref<10000x128xf32, #tpu.memory_space<hbm>>) target(%arg20 : memref<80x128xf32, #tpu.memory_space<vmem>>) offsets(%arg17 : memref<80xi32, #tpu.memory_space<vmem>>) semaphore(%arg24 : memref<!tpu.dma_semaphore, #tpu.memory_space<semaphore_mem>>)
      %dma_start3A_49 = arith.constant 0 : i32
      %dma_start3A_50 = arith.constant 0 : i32
      %dma_start3A_51 = tpu.memref_slice %arg11[%dma_start3A_49, %dma_start3A_50] : memref<10000x128xf32, #tpu.memory_space<hbm>> -> memref<10000x128xf32, #tpu.memory_space<hbm>>
      tpu.enqueue_indirect_dma source(%dma_start3A_51 : memref<10000x128xf32, #tpu.memory_space<hbm>>) target(%arg21 : memref<80x128xf32, #tpu.memory_space<vmem>>) offsets(%arg18 : memref<80xi32, #tpu.memory_space<vmem>>) semaphore(%arg25 : memref<!tpu.dma_semaphore, #tpu.memory_space<semaphore_mem>>)
      %dma_wait3A = arith.constant 0 : i32
      %dma_wait3A_52 = arith.constant 0 : i32
      %dma_wait3A_53 = tpu.memref_slice %arg7[%dma_wait3A, %dma_wait3A_52] : memref<10000x128xf32, #tpu.memory_space<hbm>> -> memref<10000x128xf32, #tpu.memory_space<hbm>>
      tpu.wait_indirect_dma semaphore(%arg24 : memref<!tpu.dma_semaphore, #tpu.memory_space<semaphore_mem>>) src(%dma_wait3A_53 : memref<10000x128xf32, #tpu.memory_space<hbm>>) dst(%arg20 : memref<80x128xf32, #tpu.memory_space<vmem>>)
      %dma_wait3A_54 = arith.constant 0 : i32
      %dma_wait3A_55 = arith.constant 0 : i32
      %dma_wait3A_56 = tpu.memref_slice %arg11[%dma_wait3A_54, %dma_wait3A_55] : memref<10000x128xf32, #tpu.memory_space<hbm>> -> memref<10000x128xf32, #tpu.memory_space<hbm>>
      tpu.wait_indirect_dma semaphore(%arg25 : memref<!tpu.dma_semaphore, #tpu.memory_space<semaphore_mem>>) src(%dma_wait3A_56 : memref<10000x128xf32, #tpu.memory_space<hbm>>) dst(%arg21 : memref<80x128xf32, #tpu.memory_space<vmem>>)
      %get3A = arith.constant 0 : index
      %get3A_57 = tpu.vector_load %arg18[%get3A] {strides = array<i32>} : memref<80xi32, #tpu.memory_space<vmem>>, vector<16xi32>,
      %get3A_58 = vector.shape_cast %get3A_57 : vector<16xi32> to vector<16xi32>
      %sub3A = vector.broadcast %mul3A_0 : i32 to vector<16xi32>
      %sub3A_59 = arith.subi %get3A_58, %sub3A : vector<16xi32>
      %lt3A = arith.constant 0 : i32
      %lt3A_60 = vector.broadcast %lt3A : i32 to vector<16xi32>
      %lt3A_61 = arith.cmpi slt, %sub3A_59, %lt3A_60 : vector<16xi32>
      %ge3A = arith.constant 5000 : i32
      %ge3A_62 = vector.broadcast %ge3A : i32 to vector<16xi32>
      %ge3A_63 = arith.cmpi sge, %sub3A_59, %ge3A_62 : vector<16xi32>
      %or3A = arith.ori %lt3A_61, %ge3A_63 : vector<16xi1>
      %jit3A = arith.constant 5000 : i32
      %broadcast_in_dim3A = vector.broadcast %jit3A : i32 to vector<16xi32>
      %select_n3A = arith.select %or3A, %broadcast_in_dim3A, %sub3A_59 : vector<16xi1>, vector<16xi32>
      %swap3A = arith.constant 0 : index
      %swap3A_64 = tpu.vector_load %arg19[%swap3A] {strides = array<i32>} : memref<80xi32, #tpu.memory_space<vmem>>, vector<16xi32>,
      %swap3A_65 = vector.shape_cast %swap3A_64 : vector<16xi32> to vector<16xi32>
      %swap3A_66 = vector.shape_cast %select_n3A : vector<16xi32> to vector<16xi32>
      tpu.vector_store %arg19[%swap3A], %swap3A_66 {strides = array<i32>} : memref<80xi32, #tpu.memory_space<vmem>>, vector<16xi32>,
      %get3A_67 = arith.constant 16 : index
      %get3A_68 = tpu.vector_load %arg18[%get3A_67] {strides = array<i32>} : memref<80xi32, #tpu.memory_space<vmem>>, vector<16xi32>,
      %get3A_69 = vector.shape_cast %get3A_68 : vector<16xi32> to vector<16xi32>
      %sub3A_70 = vector.broadcast %mul3A_0 : i32 to vector<16xi32>
      %sub3A_71 = arith.subi %get3A_69, %sub3A_70 : vector<16xi32>
      %lt3A_72 = arith.constant 0 : i32
      %lt3A_73 = vector.broadcast %lt3A_72 : i32 to vector<16xi32>
      %lt3A_74 = arith.cmpi slt, %sub3A_71, %lt3A_73 : vector<16xi32>
      %ge3A_75 = arith.constant 5000 : i32
      %ge3A_76 = vector.broadcast %ge3A_75 : i32 to vector<16xi32>
      %ge3A_77 = arith.cmpi sge, %sub3A_71, %ge3A_76 : vector<16xi32>
      %or3A_78 = arith.ori %lt3A_74, %ge3A_77 : vector<16xi1>
      %jit3A_79 = arith.constant 5000 : i32
      %broadcast_in_dim3A_80 = vector.broadcast %jit3A_79 : i32 to vector<16xi32>
      %select_n3A_81 = arith.select %or3A_78, %broadcast_in_dim3A_80, %sub3A_71 : vector<16xi1>, vector<16xi32>
      %swap3A_82 = arith.constant 16 : index
      %swap3A_83 = tpu.vector_load %arg19[%swap3A_82] {strides = array<i32>} : memref<80xi32, #tpu.memory_space<vmem>>, vector<16xi32>,
      %swap3A_84 = vector.shape_cast %swap3A_83 : vector<16xi32> to vector<16xi32>
      %swap3A_85 = vector.shape_cast %select_n3A_81 : vector<16xi32> to vector<16xi32>
      tpu.vector_store %arg19[%swap3A_82], %swap3A_85 {strides = array<i32>} : memref<80xi32, #tpu.memory_space<vmem>>, vector<16xi32>,
      %get3A_86 = arith.constant 32 : index
      %get3A_87 = tpu.vector_load %arg18[%get3A_86] {strides = array<i32>} : memref<80xi32, #tpu.memory_space<vmem>>, vector<16xi32>,
      %get3A_88 = vector.shape_cast %get3A_87 : vector<16xi32> to vector<16xi32>
      %sub3A_89 = vector.broadcast %mul3A_0 : i32 to vector<16xi32>
      %sub3A_90 = arith.subi %get3A_88, %sub3A_89 : vector<16xi32>
      %lt3A_91 = arith.constant 0 : i32
      %lt3A_92 = vector.broadcast %lt3A_91 : i32 to vector<16xi32>
      %lt3A_93 = arith.cmpi slt, %sub3A_90, %lt3A_92 : vector<16xi32>
      %ge3A_94 = arith.constant 5000 : i32
      %ge3A_95 = vector.broadcast %ge3A_94 : i32 to vector<16xi32>
      %ge3A_96 = arith.cmpi sge, %sub3A_90, %ge3A_95 : vector<16xi32>
      %or3A_97 = arith.ori %lt3A_93, %ge3A_96 : vector<16xi1>
      %jit3A_98 = arith.constant 5000 : i32
      %broadcast_in_dim3A_99 = vector.broadcast %jit3A_98 : i32 to vector<16xi32>
      %select_n3A_100 = arith.select %or3A_97, %broadcast_in_dim3A_99, %sub3A_90 : vector<16xi1>, vector<16xi32>
      %swap3A_101 = arith.constant 32 : index
      %swap3A_102 = tpu.vector_load %arg19[%swap3A_101] {strides = array<i32>} : memref<80xi32, #tpu.memory_space<vmem>>, vector<16xi32>,
      %swap3A_103 = vector.shape_cast %swap3A_102 : vector<16xi32> to vector<16xi32>
      %swap3A_104 = vector.shape_cast %select_n3A_100 : vector<16xi32> to vector<16xi32>
      tpu.vector_store %arg19[%swap3A_101], %swap3A_104 {strides = array<i32>} : memref<80xi32, #tpu.memory_space<vmem>>, vector<16xi32>,
      %get3A_105 = arith.constant 48 : index
      %get3A_106 = tpu.vector_load %arg18[%get3A_105] {strides = array<i32>} : memref<80xi32, #tpu.memory_space<vmem>>, vector<16xi32>,
      %get3A_107 = vector.shape_cast %get3A_106 : vector<16xi32> to vector<16xi32>
      %sub3A_108 = vector.broadcast %mul3A_0 : i32 to vector<16xi32>
      %sub3A_109 = arith.subi %get3A_107, %sub3A_108 : vector<16xi32>
      %lt3A_110 = arith.constant 0 : i32
      %lt3A_111 = vector.broadcast %lt3A_110 : i32 to vector<16xi32>
      %lt3A_112 = arith.cmpi slt, %sub3A_109, %lt3A_111 : vector<16xi32>
      %ge3A_113 = arith.constant 5000 : i32
      %ge3A_114 = vector.broadcast %ge3A_113 : i32 to vector<16xi32>
      %ge3A_115 = arith.cmpi sge, %sub3A_109, %ge3A_114 : vector<16xi32>
      %or3A_116 = arith.ori %lt3A_112, %ge3A_115 : vector<16xi1>
      %jit3A_117 = arith.constant 5000 : i32
      %broadcast_in_dim3A_118 = vector.broadcast %jit3A_117 : i32 to vector<16xi32>
      %select_n3A_119 = arith.select %or3A_116, %broadcast_in_dim3A_118, %sub3A_109 : vector<16xi1>, vector<16xi32>
      %swap3A_120 = arith.constant 48 : index
      %swap3A_121 = tpu.vector_load %arg19[%swap3A_120] {strides = array<i32>} : memref<80xi32, #tpu.memory_space<vmem>>, vector<16xi32>,
      %swap3A_122 = vector.shape_cast %swap3A_121 : vector<16xi32> to vector<16xi32>
      %swap3A_123 = vector.shape_cast %select_n3A_119 : vector<16xi32> to vector<16xi32>
      tpu.vector_store %arg19[%swap3A_120], %swap3A_123 {strides = array<i32>} : memref<80xi32, #tpu.memory_space<vmem>>, vector<16xi32>,
      %get3A_124 = arith.constant 64 : index
      %get3A_125 = tpu.vector_load %arg18[%get3A_124] {strides = array<i32>} : memref<80xi32, #tpu.memory_space<vmem>>, vector<16xi32>,
      %get3A_126 = vector.shape_cast %get3A_125 : vector<16xi32> to vector<16xi32>
      %sub3A_127 = vector.broadcast %mul3A_0 : i32 to vector<16xi32>
      %sub3A_128 = arith.subi %get3A_126, %sub3A_127 : vector<16xi32>
      %lt3A_129 = arith.constant 0 : i32
      %lt3A_130 = vector.broadcast %lt3A_129 : i32 to vector<16xi32>
      %lt3A_131 = arith.cmpi slt, %sub3A_128, %lt3A_130 : vector<16xi32>
      %ge3A_132 = arith.constant 5000 : i32
      %ge3A_133 = vector.broadcast %ge3A_132 : i32 to vector<16xi32>
      %ge3A_134 = arith.cmpi sge, %sub3A_128, %ge3A_133 : vector<16xi32>
      %or3A_135 = arith.ori %lt3A_131, %ge3A_134 : vector<16xi1>
      %jit3A_136 = arith.constant 5000 : i32
      %broadcast_in_dim3A_137 = vector.broadcast %jit3A_136 : i32 to vector<16xi32>
      %select_n3A_138 = arith.select %or3A_135, %broadcast_in_dim3A_137, %sub3A_128 : vector<16xi1>, vector<16xi32>
      %swap3A_139 = arith.constant 64 : index
      %swap3A_140 = tpu.vector_load %arg19[%swap3A_139] {strides = array<i32>} : memref<80xi32, #tpu.memory_space<vmem>>, vector<16xi32>,
      %swap3A_141 = vector.shape_cast %swap3A_140 : vector<16xi32> to vector<16xi32>
      %swap3A_142 = vector.shape_cast %select_n3A_138 : vector<16xi32> to vector<16xi32>
      tpu.vector_store %arg19[%swap3A_139], %swap3A_142 {strides = array<i32>} : memref<80xi32, #tpu.memory_space<vmem>>, vector<16xi32>,
      %scan3A_143 = arith.constant 0 : i32
      %scan3A_144 = arith.constant 0 : i32
      %scan3A_145 = arith.constant 80 : i32
      %scan3A_146 = arith.addi %scan3A_144, %scan3A_145 : i32
      %scan3A_147 = arith.constant 1 : i32
      scf.for %scan3A_149 = %scan3A_144 to %scan3A_146 step %scan3A_147  : i32 {
        %broadcast_in_dim3A_150 = arith.constant 0.000000e+00 : f32
        %broadcast_in_dim3A_151 = vector.broadcast %broadcast_in_dim3A_150 : f32 to vector<16xf32>
        %get3A_152 = arith.index_cast %scan3A_149 : i32 to index
        %get3A_153 = arith.constant 0 : index
        %get3A_154 = tpu.vector_load %arg20[%get3A_152, %get3A_153] {strides = array<i32>} : memref<80x128xf32, #tpu.memory_space<vmem>>, vector<1x16xf32>,
        %get3A_155 = vector.shape_cast %get3A_154 : vector<1x16xf32> to vector<16xf32>
        %get3A_156 = arith.index_cast %scan3A_149 : i32 to index
        %get3A_157 = arith.constant 0 : index
        %get3A_158 = tpu.vector_load %arg21[%get3A_156, %get3A_157] {strides = array<i32>} : memref<80x128xf32, #tpu.memory_space<vmem>>, vector<1x16xf32>,
        %get3A_159 = vector.shape_cast %get3A_158 : vector<1x16xf32> to vector<16xf32>
        %add3A_160 = arith.addf %get3A_155, %get3A_159 : vector<16xf32>
        %mul3A_161 = arith.constant 2.000000e-01 : f32
        %mul3A_162 = vector.broadcast %mul3A_161 : f32 to vector<16xf32>
        %mul3A_163 = arith.mulf %mul3A_162, %add3A_160 : vector<16xf32>
        %max3A = arith.maximumf %add3A_160, %mul3A_163 : vector<16xf32>
        %get3A_164 = arith.constant 0 : i32
        %get3A_165 = arith.index_cast %get3A_164 : i32 to index
        %get3A_166 = arith.constant 0 : index
        %get3A_167 = tpu.vector_load %arg23[%get3A_165, %get3A_166] {strides = array<i32>} : memref<4x128xf32, #tpu.memory_space<vmem>>, vector<1x16xf32>,
        %get3A_168 = vector.shape_cast %get3A_167 : vector<1x16xf32> to vector<16xf32>
        %mul3A_169 = arith.mulf %get3A_168, %max3A : vector<16xf32>
        %add3A_170 = arith.addf %broadcast_in_dim3A_151, %mul3A_169 : vector<16xf32>
        %get3A_171 = arith.index_cast %scan3A_149 : i32 to index
        %get3A_172 = arith.constant 16 : index
        %get3A_173 = tpu.vector_load %arg20[%get3A_171, %get3A_172] {strides = array<i32>} : memref<80x128xf32, #tpu.memory_space<vmem>>, vector<1x16xf32>,
        %get3A_174 = vector.shape_cast %get3A_173 : vector<1x16xf32> to vector<16xf32>
        %get3A_175 = arith.index_cast %scan3A_149 : i32 to index
        %get3A_176 = arith.constant 16 : index
        %get3A_177 = tpu.vector_load %arg21[%get3A_175, %get3A_176] {strides = array<i32>} : memref<80x128xf32, #tpu.memory_space<vmem>>, vector<1x16xf32>,
        %get3A_178 = vector.shape_cast %get3A_177 : vector<1x16xf32> to vector<16xf32>
        %add3A_179 = arith.addf %get3A_174, %get3A_178 : vector<16xf32>
        %mul3A_180 = arith.constant 2.000000e-01 : f32
        %mul3A_181 = vector.broadcast %mul3A_180 : f32 to vector<16xf32>
        %mul3A_182 = arith.mulf %mul3A_181, %add3A_179 : vector<16xf32>
        %max3A_183 = arith.maximumf %add3A_179, %mul3A_182 : vector<16xf32>
        %get3A_184 = arith.constant 0 : i32
        %get3A_185 = arith.index_cast %get3A_184 : i32 to index
        %get3A_186 = arith.constant 16 : index
        %get3A_187 = tpu.vector_load %arg23[%get3A_185, %get3A_186] {strides = array<i32>} : memref<4x128xf32, #tpu.memory_space<vmem>>, vector<1x16xf32>,
        %get3A_188 = vector.shape_cast %get3A_187 : vector<1x16xf32> to vector<16xf32>
        %mul3A_189 = arith.mulf %get3A_188, %max3A_183 : vector<16xf32>
        %add3A_190 = arith.addf %add3A_170, %mul3A_189 : vector<16xf32>
        %get3A_191 = arith.index_cast %scan3A_149 : i32 to index
        %get3A_192 = arith.constant 32 : index
        %get3A_193 = tpu.vector_load %arg20[%get3A_191, %get3A_192] {strides = array<i32>} : memref<80x128xf32, #tpu.memory_space<vmem>>, vector<1x16xf32>,
        %get3A_194 = vector.shape_cast %get3A_193 : vector<1x16xf32> to vector<16xf32>
        %get3A_195 = arith.index_cast %scan3A_149 : i32 to index
        %get3A_196 = arith.constant 32 : index
        %get3A_197 = tpu.vector_load %arg21[%get3A_195, %get3A_196] {strides = array<i32>} : memref<80x128xf32, #tpu.memory_space<vmem>>, vector<1x16xf32>,
        %get3A_198 = vector.shape_cast %get3A_197 : vector<1x16xf32> to vector<16xf32>
        %add3A_199 = arith.addf %get3A_194, %get3A_198 : vector<16xf32>
        %mul3A_200 = arith.constant 2.000000e-01 : f32
        %mul3A_201 = vector.broadcast %mul3A_200 : f32 to vector<16xf32>
        %mul3A_202 = arith.mulf %mul3A_201, %add3A_199 : vector<16xf32>
        %max3A_203 = arith.maximumf %add3A_199, %mul3A_202 : vector<16xf32>
        %get3A_204 = arith.constant 0 : i32
        %get3A_205 = arith.index_cast %get3A_204 : i32 to index
        %get3A_206 = arith.constant 32 : index
        %get3A_207 = tpu.vector_load %arg23[%get3A_205, %get3A_206] {strides = array<i32>} : memref<4x128xf32, #tpu.memory_space<vmem>>, vector<1x16xf32>,
        %get3A_208 = vector.shape_cast %get3A_207 : vector<1x16xf32> to vector<16xf32>
        %mul3A_209 = arith.mulf %get3A_208, %max3A_203 : vector<16xf32>
        %add3A_210 = arith.addf %add3A_190, %mul3A_209 : vector<16xf32>
        %get3A_211 = arith.index_cast %scan3A_149 : i32 to index
        %get3A_212 = arith.constant 48 : index
        %get3A_213 = tpu.vector_load %arg20[%get3A_211, %get3A_212] {strides = array<i32>} : memref<80x128xf32, #tpu.memory_space<vmem>>, vector<1x16xf32>,
        %get3A_214 = vector.shape_cast %get3A_213 : vector<1x16xf32> to vector<16xf32>
        %get3A_215 = arith.index_cast %scan3A_149 : i32 to index
        %get3A_216 = arith.constant 48 : index
        %get3A_217 = tpu.vector_load %arg21[%get3A_215, %get3A_216] {strides = array<i32>} : memref<80x128xf32, #tpu.memory_space<vmem>>, vector<1x16xf32>,
        %get3A_218 = vector.shape_cast %get3A_217 : vector<1x16xf32> to vector<16xf32>
        %add3A_219 = arith.addf %get3A_214, %get3A_218 : vector<16xf32>
        %mul3A_220 = arith.constant 2.000000e-01 : f32
        %mul3A_221 = vector.broadcast %mul3A_220 : f32 to vector<16xf32>
        %mul3A_222 = arith.mulf %mul3A_221, %add3A_219 : vector<16xf32>
        %max3A_223 = arith.maximumf %add3A_219, %mul3A_222 : vector<16xf32>
        %get3A_224 = arith.constant 0 : i32
        %get3A_225 = arith.index_cast %get3A_224 : i32 to index
        %get3A_226 = arith.constant 48 : index
        %get3A_227 = tpu.vector_load %arg23[%get3A_225, %get3A_226] {strides = array<i32>} : memref<4x128xf32, #tpu.memory_space<vmem>>, vector<1x16xf32>,
        %get3A_228 = vector.shape_cast %get3A_227 : vector<1x16xf32> to vector<16xf32>
        %mul3A_229 = arith.mulf %get3A_228, %max3A_223 : vector<16xf32>
        %add3A_230 = arith.addf %add3A_210, %mul3A_229 : vector<16xf32>
        %get3A_231 = arith.index_cast %scan3A_149 : i32 to index
        %get3A_232 = arith.constant 64 : index
        %get3A_233 = tpu.vector_load %arg20[%get3A_231, %get3A_232] {strides = array<i32>} : memref<80x128xf32, #tpu.memory_space<vmem>>, vector<1x16xf32>,
        %get3A_234 = vector.shape_cast %get3A_233 : vector<1x16xf32> to vector<16xf32>
        %get3A_235 = arith.index_cast %scan3A_149 : i32 to index
        %get3A_236 = arith.constant 64 : index
        %get3A_237 = tpu.vector_load %arg21[%get3A_235, %get3A_236] {strides = array<i32>} : memref<80x128xf32, #tpu.memory_space<vmem>>, vector<1x16xf32>,
        %get3A_238 = vector.shape_cast %get3A_237 : vector<1x16xf32> to vector<16xf32>
        %add3A_239 = arith.addf %get3A_234, %get3A_238 : vector<16xf32>
        %mul3A_240 = arith.constant 2.000000e-01 : f32
        %mul3A_241 = vector.broadcast %mul3A_240 : f32 to vector<16xf32>
        %mul3A_242 = arith.mulf %mul3A_241, %add3A_239 : vector<16xf32>
        %max3A_243 = arith.maximumf %add3A_239, %mul3A_242 : vector<16xf32>
        %get3A_244 = arith.constant 0 : i32
        %get3A_245 = arith.index_cast %get3A_244 : i32 to index
        %get3A_246 = arith.constant 64 : index
        %get3A_247 = tpu.vector_load %arg23[%get3A_245, %get3A_246] {strides = array<i32>} : memref<4x128xf32, #tpu.memory_space<vmem>>, vector<1x16xf32>,
        %get3A_248 = vector.shape_cast %get3A_247 : vector<1x16xf32> to vector<16xf32>
        %mul3A_249 = arith.mulf %get3A_248, %max3A_243 : vector<16xf32>
        %add3A_250 = arith.addf %add3A_230, %mul3A_249 : vector<16xf32>
        %get3A_251 = arith.index_cast %scan3A_149 : i32 to index
        %get3A_252 = arith.constant 80 : index
        %get3A_253 = tpu.vector_load %arg20[%get3A_251, %get3A_252] {strides = array<i32>} : memref<80x128xf32, #tpu.memory_space<vmem>>, vector<1x16xf32>,
        %get3A_254 = vector.shape_cast %get3A_253 : vector<1x16xf32> to vector<16xf32>
        %get3A_255 = arith.index_cast %scan3A_149 : i32 to index
        %get3A_256 = arith.constant 80 : index
        %get3A_257 = tpu.vector_load %arg21[%get3A_255, %get3A_256] {strides = array<i32>} : memref<80x128xf32, #tpu.memory_space<vmem>>, vector<1x16xf32>,
        %get3A_258 = vector.shape_cast %get3A_257 : vector<1x16xf32> to vector<16xf32>
        %add3A_259 = arith.addf %get3A_254, %get3A_258 : vector<16xf32>
        %mul3A_260 = arith.constant 2.000000e-01 : f32
        %mul3A_261 = vector.broadcast %mul3A_260 : f32 to vector<16xf32>
        %mul3A_262 = arith.mulf %mul3A_261, %add3A_259 : vector<16xf32>
        %max3A_263 = arith.maximumf %add3A_259, %mul3A_262 : vector<16xf32>
        %get3A_264 = arith.constant 0 : i32
        %get3A_265 = arith.index_cast %get3A_264 : i32 to index
        %get3A_266 = arith.constant 80 : index
        %get3A_267 = tpu.vector_load %arg23[%get3A_265, %get3A_266] {strides = array<i32>} : memref<4x128xf32, #tpu.memory_space<vmem>>, vector<1x16xf32>,
        %get3A_268 = vector.shape_cast %get3A_267 : vector<1x16xf32> to vector<16xf32>
        %mul3A_269 = arith.mulf %get3A_268, %max3A_263 : vector<16xf32>
        %add3A_270 = arith.addf %add3A_250, %mul3A_269 : vector<16xf32>
        %get3A_271 = arith.index_cast %scan3A_149 : i32 to index
        %get3A_272 = arith.constant 96 : index
        %get3A_273 = tpu.vector_load %arg20[%get3A_271, %get3A_272] {strides = array<i32>} : memref<80x128xf32, #tpu.memory_space<vmem>>, vector<1x16xf32>,
        %get3A_274 = vector.shape_cast %get3A_273 : vector<1x16xf32> to vector<16xf32>
        %get3A_275 = arith.index_cast %scan3A_149 : i32 to index
        %get3A_276 = arith.constant 96 : index
        %get3A_277 = tpu.vector_load %arg21[%get3A_275, %get3A_276] {strides = array<i32>} : memref<80x128xf32, #tpu.memory_space<vmem>>, vector<1x16xf32>,
        %get3A_278 = vector.shape_cast %get3A_277 : vector<1x16xf32> to vector<16xf32>
        %add3A_279 = arith.addf %get3A_274, %get3A_278 : vector<16xf32>
        %mul3A_280 = arith.constant 2.000000e-01 : f32
        %mul3A_281 = vector.broadcast %mul3A_280 : f32 to vector<16xf32>
        %mul3A_282 = arith.mulf %mul3A_281, %add3A_279 : vector<16xf32>
        %max3A_283 = arith.maximumf %add3A_279, %mul3A_282 : vector<16xf32>
        %get3A_284 = arith.constant 0 : i32
        %get3A_285 = arith.index_cast %get3A_284 : i32 to index
        %get3A_286 = arith.constant 96 : index
        %get3A_287 = tpu.vector_load %arg23[%get3A_285, %get3A_286] {strides = array<i32>} : memref<4x128xf32, #tpu.memory_space<vmem>>, vector<1x16xf32>,
        %get3A_288 = vector.shape_cast %get3A_287 : vector<1x16xf32> to vector<16xf32>
        %mul3A_289 = arith.mulf %get3A_288, %max3A_283 : vector<16xf32>
        %add3A_290 = arith.addf %add3A_270, %mul3A_289 : vector<16xf32>
        %get3A_291 = arith.index_cast %scan3A_149 : i32 to index
        %get3A_292 = arith.constant 112 : index
        %get3A_293 = tpu.vector_load %arg20[%get3A_291, %get3A_292] {strides = array<i32>} : memref<80x128xf32, #tpu.memory_space<vmem>>, vector<1x16xf32>,
        %get3A_294 = vector.shape_cast %get3A_293 : vector<1x16xf32> to vector<16xf32>
        %get3A_295 = arith.index_cast %scan3A_149 : i32 to index
        %get3A_296 = arith.constant 112 : index
        %get3A_297 = tpu.vector_load %arg21[%get3A_295, %get3A_296] {strides = array<i32>} : memref<80x128xf32, #tpu.memory_space<vmem>>, vector<1x16xf32>,
        %get3A_298 = vector.shape_cast %get3A_297 : vector<1x16xf32> to vector<16xf32>
        %add3A_299 = arith.addf %get3A_294, %get3A_298 : vector<16xf32>
        %mul3A_300 = arith.constant 2.000000e-01 : f32
        %mul3A_301 = vector.broadcast %mul3A_300 : f32 to vector<16xf32>
        %mul3A_302 = arith.mulf %mul3A_301, %add3A_299 : vector<16xf32>
        %max3A_303 = arith.maximumf %add3A_299, %mul3A_302 : vector<16xf32>
        %get3A_304 = arith.constant 0 : i32
        %get3A_305 = arith.index_cast %get3A_304 : i32 to index
        %get3A_306 = arith.constant 112 : index
        %get3A_307 = tpu.vector_load %arg23[%get3A_305, %get3A_306] {strides = array<i32>} : memref<4x128xf32, #tpu.memory_space<vmem>>, vector<1x16xf32>,
        %get3A_308 = vector.shape_cast %get3A_307 : vector<1x16xf32> to vector<16xf32>
        %mul3A_309 = arith.mulf %get3A_308, %max3A_303 : vector<16xf32>
        %add3A_310 = arith.addf %add3A_290, %mul3A_309 : vector<16xf32>
        %iota3A = tpu.iota {dimensions = array<i32: 0>} : vector<16xi32>
        %xor3A = arith.constant 1 : i32
        %xor3A_311 = vector.broadcast %xor3A : i32 to vector<16xi32>
        %xor3A_312 = arith.xori %iota3A, %xor3A_311 : vector<16xi32>
        %lt3A_313 = arith.constant 0 : i32
        %lt3A_314 = vector.broadcast %lt3A_313 : i32 to vector<16xi32>
        %lt3A_315 = arith.cmpi slt, %xor3A_312, %lt3A_314 : vector<16xi32>
        %add3A_316 = arith.constant 16 : i32
        %add3A_317 = vector.broadcast %add3A_316 : i32 to vector<16xi32>
        %add3A_318 = arith.addi %xor3A_312, %add3A_317 : vector<16xi32>
        %select_n3A_319 = arith.select %lt3A_315, %add3A_318, %xor3A_312 : vector<16xi1>, vector<16xi32>
        %broadcast_in_dim3A_320 = vector.shape_cast %select_n3A_319 : vector<16xi32> to vector<16x1xi32>
        %gather3A = vector.shape_cast %broadcast_in_dim3A_320 : vector<16x1xi32> to vector<16xi32>
        %gather3A_321 = tpu.dynamic_gather %add3A_310[%gather3A] in [0] : vector<16xf32>, vector<16xi32> -> vector<16xf32>
        %add3A_322 = arith.addf %add3A_310, %gather3A_321 : vector<16xf32>
        %xor3A_323 = arith.constant 2 : i32
        %xor3A_324 = vector.broadcast %xor3A_323 : i32 to vector<16xi32>
        %xor3A_325 = arith.xori %iota3A, %xor3A_324 : vector<16xi32>
        %lt3A_326 = arith.constant 0 : i32
        %lt3A_327 = vector.broadcast %lt3A_326 : i32 to vector<16xi32>
        %lt3A_328 = arith.cmpi slt, %xor3A_325, %lt3A_327 : vector<16xi32>
        %add3A_329 = arith.constant 16 : i32
        %add3A_330 = vector.broadcast %add3A_329 : i32 to vector<16xi32>
        %add3A_331 = arith.addi %xor3A_325, %add3A_330 : vector<16xi32>
        %select_n3A_332 = arith.select %lt3A_328, %add3A_331, %xor3A_325 : vector<16xi1>, vector<16xi32>
        %broadcast_in_dim3A_333 = vector.shape_cast %select_n3A_332 : vector<16xi32> to vector<16x1xi32>
        %gather3A_334 = vector.shape_cast %broadcast_in_dim3A_333 : vector<16x1xi32> to vector<16xi32>
        %gather3A_335 = tpu.dynamic_gather %add3A_322[%gather3A_334] in [0] : vector<16xf32>, vector<16xi32> -> vector<16xf32>
        %add3A_336 = arith.addf %add3A_322, %gather3A_335 : vector<16xf32>
        %xor3A_337 = arith.constant 4 : i32
        %xor3A_338 = vector.broadcast %xor3A_337 : i32 to vector<16xi32>
        %xor3A_339 = arith.xori %iota3A, %xor3A_338 : vector<16xi32>
        %lt3A_340 = arith.constant 0 : i32
        %lt3A_341 = vector.broadcast %lt3A_340 : i32 to vector<16xi32>
        %lt3A_342 = arith.cmpi slt, %xor3A_339, %lt3A_341 : vector<16xi32>
        %add3A_343 = arith.constant 16 : i32
        %add3A_344 = vector.broadcast %add3A_343 : i32 to vector<16xi32>
        %add3A_345 = arith.addi %xor3A_339, %add3A_344 : vector<16xi32>
        %select_n3A_346 = arith.select %lt3A_342, %add3A_345, %xor3A_339 : vector<16xi1>, vector<16xi32>
        %broadcast_in_dim3A_347 = vector.shape_cast %select_n3A_346 : vector<16xi32> to vector<16x1xi32>
        %gather3A_348 = vector.shape_cast %broadcast_in_dim3A_347 : vector<16x1xi32> to vector<16xi32>
        %gather3A_349 = tpu.dynamic_gather %add3A_336[%gather3A_348] in [0] : vector<16xf32>, vector<16xi32> -> vector<16xf32>
        %add3A_350 = arith.addf %add3A_336, %gather3A_349 : vector<16xf32>
        %xor3A_351 = arith.constant 8 : i32
        %xor3A_352 = vector.broadcast %xor3A_351 : i32 to vector<16xi32>
        %xor3A_353 = arith.xori %iota3A, %xor3A_352 : vector<16xi32>
        %lt3A_354 = arith.constant 0 : i32
        %lt3A_355 = vector.broadcast %lt3A_354 : i32 to vector<16xi32>
        %lt3A_356 = arith.cmpi slt, %xor3A_353, %lt3A_355 : vector<16xi32>
        %add3A_357 = arith.constant 16 : i32
        %add3A_358 = vector.broadcast %add3A_357 : i32 to vector<16xi32>
        %add3A_359 = arith.addi %xor3A_353, %add3A_358 : vector<16xi32>
        %select_n3A_360 = arith.select %lt3A_356, %add3A_359, %xor3A_353 : vector<16xi1>, vector<16xi32>
        %broadcast_in_dim3A_361 = vector.shape_cast %select_n3A_360 : vector<16xi32> to vector<16x1xi32>
        %gather3A_362 = vector.shape_cast %broadcast_in_dim3A_361 : vector<16x1xi32> to vector<16xi32>
        %gather3A_363 = tpu.dynamic_gather %add3A_350[%gather3A_362] in [0] : vector<16xf32>, vector<16xi32> -> vector<16xf32>
        %add3A_364 = arith.addf %add3A_350, %gather3A_363 : vector<16xf32>
        %exp3A = math.exp %add3A_364 : vector<16xf32>
        %swap3A_365 = arith.index_cast %scan3A_149 : i32 to index
        %swap3A_366 = arith.constant 0 : index
        %swap3A_367 = tpu.vector_load %arg22[%swap3A_365, %swap3A_366] {strides = array<i32>} : memref<80x128xf32, #tpu.memory_space<vmem>>, vector<1x16xf32>,
        %swap3A_368 = vector.shape_cast %swap3A_367 : vector<1x16xf32> to vector<16xf32>
        %swap3A_369 = vector.shape_cast %exp3A : vector<16xf32> to vector<1x16xf32>
        tpu.vector_store %arg22[%swap3A_365, %swap3A_366], %swap3A_369 {strides = array<i32>} : memref<80x128xf32, #tpu.memory_space<vmem>>, vector<1x16xf32>,
        %swap3A_370 = arith.index_cast %scan3A_149 : i32 to index
        %swap3A_371 = arith.constant 16 : index
        %swap3A_372 = tpu.vector_load %arg22[%swap3A_370, %swap3A_371] {strides = array<i32>} : memref<80x128xf32, #tpu.memory_space<vmem>>, vector<1x16xf32>,
        %swap3A_373 = vector.shape_cast %swap3A_372 : vector<1x16xf32> to vector<16xf32>
        %swap3A_374 = vector.shape_cast %exp3A : vector<16xf32> to vector<1x16xf32>
        tpu.vector_store %arg22[%swap3A_370, %swap3A_371], %swap3A_374 {strides = array<i32>} : memref<80x128xf32, #tpu.memory_space<vmem>>, vector<1x16xf32>,
        %swap3A_375 = arith.index_cast %scan3A_149 : i32 to index
        %swap3A_376 = arith.constant 32 : index
        %swap3A_377 = tpu.vector_load %arg22[%swap3A_375, %swap3A_376] {strides = array<i32>} : memref<80x128xf32, #tpu.memory_space<vmem>>, vector<1x16xf32>,
        %swap3A_378 = vector.shape_cast %swap3A_377 : vector<1x16xf32> to vector<16xf32>
        %swap3A_379 = vector.shape_cast %exp3A : vector<16xf32> to vector<1x16xf32>
        tpu.vector_store %arg22[%swap3A_375, %swap3A_376], %swap3A_379 {strides = array<i32>} : memref<80x128xf32, #tpu.memory_space<vmem>>, vector<1x16xf32>,
        %swap3A_380 = arith.index_cast %scan3A_149 : i32 to index
        %swap3A_381 = arith.constant 48 : index
        %swap3A_382 = tpu.vector_load %arg22[%swap3A_380, %swap3A_381] {strides = array<i32>} : memref<80x128xf32, #tpu.memory_space<vmem>>, vector<1x16xf32>,
        %swap3A_383 = vector.shape_cast %swap3A_382 : vector<1x16xf32> to vector<16xf32>
        %swap3A_384 = vector.shape_cast %exp3A : vector<16xf32> to vector<1x16xf32>
        tpu.vector_store %arg22[%swap3A_380, %swap3A_381], %swap3A_384 {strides = array<i32>} : memref<80x128xf32, #tpu.memory_space<vmem>>, vector<1x16xf32>,
        %swap3A_385 = arith.index_cast %scan3A_149 : i32 to index
        %swap3A_386 = arith.constant 64 : index
        %swap3A_387 = tpu.vector_load %arg22[%swap3A_385, %swap3A_386] {strides = array<i32>} : memref<80x128xf32, #tpu.memory_space<vmem>>, vector<1x16xf32>,
        %swap3A_388 = vector.shape_cast %swap3A_387 : vector<1x16xf32> to vector<16xf32>
        %swap3A_389 = vector.shape_cast %exp3A : vector<16xf32> to vector<1x16xf32>
        tpu.vector_store %arg22[%swap3A_385, %swap3A_386], %swap3A_389 {strides = array<i32>} : memref<80x128xf32, #tpu.memory_space<vmem>>, vector<1x16xf32>,
        %swap3A_390 = arith.index_cast %scan3A_149 : i32 to index
        %swap3A_391 = arith.constant 80 : index
        %swap3A_392 = tpu.vector_load %arg22[%swap3A_390, %swap3A_391] {strides = array<i32>} : memref<80x128xf32, #tpu.memory_space<vmem>>, vector<1x16xf32>,
        %swap3A_393 = vector.shape_cast %swap3A_392 : vector<1x16xf32> to vector<16xf32>
        %swap3A_394 = vector.shape_cast %exp3A : vector<16xf32> to vector<1x16xf32>
        tpu.vector_store %arg22[%swap3A_390, %swap3A_391], %swap3A_394 {strides = array<i32>} : memref<80x128xf32, #tpu.memory_space<vmem>>, vector<1x16xf32>,
        %swap3A_395 = arith.index_cast %scan3A_149 : i32 to index
        %swap3A_396 = arith.constant 96 : index
        %swap3A_397 = tpu.vector_load %arg22[%swap3A_395, %swap3A_396] {strides = array<i32>} : memref<80x128xf32, #tpu.memory_space<vmem>>, vector<1x16xf32>,
        %swap3A_398 = vector.shape_cast %swap3A_397 : vector<1x16xf32> to vector<16xf32>
        %swap3A_399 = vector.shape_cast %exp3A : vector<16xf32> to vector<1x16xf32>
        tpu.vector_store %arg22[%swap3A_395, %swap3A_396], %swap3A_399 {strides = array<i32>} : memref<80x128xf32, #tpu.memory_space<vmem>>, vector<1x16xf32>,
        %swap3A_400 = arith.index_cast %scan3A_149 : i32 to index
        %swap3A_401 = arith.constant 112 : index
        %swap3A_402 = tpu.vector_load %arg22[%swap3A_400, %swap3A_401] {strides = array<i32>} : memref<80x128xf32, #tpu.memory_space<vmem>>, vector<1x16xf32>,
        %swap3A_403 = vector.shape_cast %swap3A_402 : vector<1x16xf32> to vector<16xf32>
        %swap3A_404 = vector.shape_cast %exp3A : vector<16xf32> to vector<1x16xf32>
        tpu.vector_store %arg22[%swap3A_400, %swap3A_401], %swap3A_404 {strides = array<i32>} : memref<80x128xf32, #tpu.memory_space<vmem>>, vector<1x16xf32>,
        %get3A_405 = arith.index_cast %scan3A_149 : i32 to index
        %get3A_406 = arith.constant 0 : index
        %get3A_407 = tpu.vector_load %arg20[%get3A_405, %get3A_406] {strides = array<i32>} : memref<80x128xf32, #tpu.memory_space<vmem>>, vector<1x16xf32>,
        %get3A_408 = vector.shape_cast %get3A_407 : vector<1x16xf32> to vector<16xf32>
        %mul3A_409 = arith.mulf %get3A_408, %exp3A : vector<16xf32>
        %swap3A_410 = arith.index_cast %scan3A_149 : i32 to index
        %swap3A_411 = arith.constant 0 : index
        %swap3A_412 = tpu.vector_load %arg21[%swap3A_410, %swap3A_411] {strides = array<i32>} : memref<80x128xf32, #tpu.memory_space<vmem>>, vector<1x16xf32>,
        %swap3A_413 = vector.shape_cast %swap3A_412 : vector<1x16xf32> to vector<16xf32>
        %swap3A_414 = vector.shape_cast %mul3A_409 : vector<16xf32> to vector<1x16xf32>
        tpu.vector_store %arg21[%swap3A_410, %swap3A_411], %swap3A_414 {strides = array<i32>} : memref<80x128xf32, #tpu.memory_space<vmem>>, vector<1x16xf32>,
        %get3A_415 = arith.index_cast %scan3A_149 : i32 to index
        %get3A_416 = arith.constant 16 : index
        %get3A_417 = tpu.vector_load %arg20[%get3A_415, %get3A_416] {strides = array<i32>} : memref<80x128xf32, #tpu.memory_space<vmem>>, vector<1x16xf32>,
        %get3A_418 = vector.shape_cast %get3A_417 : vector<1x16xf32> to vector<16xf32>
        %mul3A_419 = arith.mulf %get3A_418, %exp3A : vector<16xf32>
        %swap3A_420 = arith.index_cast %scan3A_149 : i32 to index
        %swap3A_421 = arith.constant 16 : index
        %swap3A_422 = tpu.vector_load %arg21[%swap3A_420, %swap3A_421] {strides = array<i32>} : memref<80x128xf32, #tpu.memory_space<vmem>>, vector<1x16xf32>,
        %swap3A_423 = vector.shape_cast %swap3A_422 : vector<1x16xf32> to vector<16xf32>
        %swap3A_424 = vector.shape_cast %mul3A_419 : vector<16xf32> to vector<1x16xf32>
        tpu.vector_store %arg21[%swap3A_420, %swap3A_421], %swap3A_424 {strides = array<i32>} : memref<80x128xf32, #tpu.memory_space<vmem>>, vector<1x16xf32>,
        %get3A_425 = arith.index_cast %scan3A_149 : i32 to index
        %get3A_426 = arith.constant 32 : index
        %get3A_427 = tpu.vector_load %arg20[%get3A_425, %get3A_426] {strides = array<i32>} : memref<80x128xf32, #tpu.memory_space<vmem>>, vector<1x16xf32>,
        %get3A_428 = vector.shape_cast %get3A_427 : vector<1x16xf32> to vector<16xf32>
        %mul3A_429 = arith.mulf %get3A_428, %exp3A : vector<16xf32>
        %swap3A_430 = arith.index_cast %scan3A_149 : i32 to index
        %swap3A_431 = arith.constant 32 : index
        %swap3A_432 = tpu.vector_load %arg21[%swap3A_430, %swap3A_431] {strides = array<i32>} : memref<80x128xf32, #tpu.memory_space<vmem>>, vector<1x16xf32>,
        %swap3A_433 = vector.shape_cast %swap3A_432 : vector<1x16xf32> to vector<16xf32>
        %swap3A_434 = vector.shape_cast %mul3A_429 : vector<16xf32> to vector<1x16xf32>
        tpu.vector_store %arg21[%swap3A_430, %swap3A_431], %swap3A_434 {strides = array<i32>} : memref<80x128xf32, #tpu.memory_space<vmem>>, vector<1x16xf32>,
        %get3A_435 = arith.index_cast %scan3A_149 : i32 to index
        %get3A_436 = arith.constant 48 : index
        %get3A_437 = tpu.vector_load %arg20[%get3A_435, %get3A_436] {strides = array<i32>} : memref<80x128xf32, #tpu.memory_space<vmem>>, vector<1x16xf32>,
        %get3A_438 = vector.shape_cast %get3A_437 : vector<1x16xf32> to vector<16xf32>
        %mul3A_439 = arith.mulf %get3A_438, %exp3A : vector<16xf32>
        %swap3A_440 = arith.index_cast %scan3A_149 : i32 to index
        %swap3A_441 = arith.constant 48 : index
        %swap3A_442 = tpu.vector_load %arg21[%swap3A_440, %swap3A_441] {strides = array<i32>} : memref<80x128xf32, #tpu.memory_space<vmem>>, vector<1x16xf32>,
        %swap3A_443 = vector.shape_cast %swap3A_442 : vector<1x16xf32> to vector<16xf32>
        %swap3A_444 = vector.shape_cast %mul3A_439 : vector<16xf32> to vector<1x16xf32>
        tpu.vector_store %arg21[%swap3A_440, %swap3A_441], %swap3A_444 {strides = array<i32>} : memref<80x128xf32, #tpu.memory_space<vmem>>, vector<1x16xf32>,
        %get3A_445 = arith.index_cast %scan3A_149 : i32 to index
        %get3A_446 = arith.constant 64 : index
        %get3A_447 = tpu.vector_load %arg20[%get3A_445, %get3A_446] {strides = array<i32>} : memref<80x128xf32, #tpu.memory_space<vmem>>, vector<1x16xf32>,
        %get3A_448 = vector.shape_cast %get3A_447 : vector<1x16xf32> to vector<16xf32>
        %mul3A_449 = arith.mulf %get3A_448, %exp3A : vector<16xf32>
        %swap3A_450 = arith.index_cast %scan3A_149 : i32 to index
        %swap3A_451 = arith.constant 64 : index
        %swap3A_452 = tpu.vector_load %arg21[%swap3A_450, %swap3A_451] {strides = array<i32>} : memref<80x128xf32, #tpu.memory_space<vmem>>, vector<1x16xf32>,
        %swap3A_453 = vector.shape_cast %swap3A_452 : vector<1x16xf32> to vector<16xf32>
        %swap3A_454 = vector.shape_cast %mul3A_449 : vector<16xf32> to vector<1x16xf32>
        tpu.vector_store %arg21[%swap3A_450, %swap3A_451], %swap3A_454 {strides = array<i32>} : memref<80x128xf32, #tpu.memory_space<vmem>>, vector<1x16xf32>,
        %get3A_455 = arith.index_cast %scan3A_149 : i32 to index
        %get3A_456 = arith.constant 80 : index
        %get3A_457 = tpu.vector_load %arg20[%get3A_455, %get3A_456] {strides = array<i32>} : memref<80x128xf32, #tpu.memory_space<vmem>>, vector<1x16xf32>,
        %get3A_458 = vector.shape_cast %get3A_457 : vector<1x16xf32> to vector<16xf32>
        %mul3A_459 = arith.mulf %get3A_458, %exp3A : vector<16xf32>
        %swap3A_460 = arith.index_cast %scan3A_149 : i32 to index
        %swap3A_461 = arith.constant 80 : index
        %swap3A_462 = tpu.vector_load %arg21[%swap3A_460, %swap3A_461] {strides = array<i32>} : memref<80x128xf32, #tpu.memory_space<vmem>>, vector<1x16xf32>,
        %swap3A_463 = vector.shape_cast %swap3A_462 : vector<1x16xf32> to vector<16xf32>
        %swap3A_464 = vector.shape_cast %mul3A_459 : vector<16xf32> to vector<1x16xf32>
        tpu.vector_store %arg21[%swap3A_460, %swap3A_461], %swap3A_464 {strides = array<i32>} : memref<80x128xf32, #tpu.memory_space<vmem>>, vector<1x16xf32>,
        %get3A_465 = arith.index_cast %scan3A_149 : i32 to index
        %get3A_466 = arith.constant 96 : index
        %get3A_467 = tpu.vector_load %arg20[%get3A_465, %get3A_466] {strides = array<i32>} : memref<80x128xf32, #tpu.memory_space<vmem>>, vector<1x16xf32>,
        %get3A_468 = vector.shape_cast %get3A_467 : vector<1x16xf32> to vector<16xf32>
        %mul3A_469 = arith.mulf %get3A_468, %exp3A : vector<16xf32>
        %swap3A_470 = arith.index_cast %scan3A_149 : i32 to index
        %swap3A_471 = arith.constant 96 : index
        %swap3A_472 = tpu.vector_load %arg21[%swap3A_470, %swap3A_471] {strides = array<i32>} : memref<80x128xf32, #tpu.memory_space<vmem>>, vector<1x16xf32>,
        %swap3A_473 = vector.shape_cast %swap3A_472 : vector<1x16xf32> to vector<16xf32>
        %swap3A_474 = vector.shape_cast %mul3A_469 : vector<16xf32> to vector<1x16xf32>
        tpu.vector_store %arg21[%swap3A_470, %swap3A_471], %swap3A_474 {strides = array<i32>} : memref<80x128xf32, #tpu.memory_space<vmem>>, vector<1x16xf32>,
        %get3A_475 = arith.index_cast %scan3A_149 : i32 to index
        %get3A_476 = arith.constant 112 : index
        %get3A_477 = tpu.vector_load %arg20[%get3A_475, %get3A_476] {strides = array<i32>} : memref<80x128xf32, #tpu.memory_space<vmem>>, vector<1x16xf32>,
        %get3A_478 = vector.shape_cast %get3A_477 : vector<1x16xf32> to vector<16xf32>
        %mul3A_479 = arith.mulf %get3A_478, %exp3A : vector<16xf32>
        %swap3A_480 = arith.index_cast %scan3A_149 : i32 to index
        %swap3A_481 = arith.constant 112 : index
        %swap3A_482 = tpu.vector_load %arg21[%swap3A_480, %swap3A_481] {strides = array<i32>} : memref<80x128xf32, #tpu.memory_space<vmem>>, vector<1x16xf32>,
        %swap3A_483 = vector.shape_cast %swap3A_482 : vector<1x16xf32> to vector<16xf32>
        %swap3A_484 = vector.shape_cast %mul3A_479 : vector<16xf32> to vector<1x16xf32>
        tpu.vector_store %arg21[%swap3A_480, %swap3A_481], %swap3A_484 {strides = array<i32>} : memref<80x128xf32, #tpu.memory_space<vmem>>, vector<1x16xf32>,
      }
      %scan3A_148 = arith.constant 80 : i32
      "tpu.region"() ({
        %run_scoped3A_149 = tpu.sem_alloc : memref<!tpu.dma_semaphore, #tpu.memory_space<semaphore_mem>>
        %dma_start3A_150 = arith.constant 0 : i32
        %dma_start3A_151 = arith.constant 0 : i32
        %dma_start3A_152 = tpu.memref_slice %arg26[%dma_start3A_150, %dma_start3A_151] : memref<5008x128xf32, #tpu.memory_space<vmem_shared>> -> memref<5008x128xf32, #tpu.memory_space<vmem_shared>>
        tpu.enqueue_indirect_dma source(%arg21 : memref<80x128xf32, #tpu.memory_space<vmem>>) target(%dma_start3A_152 : memref<5008x128xf32, #tpu.memory_space<vmem_shared>>) offsets(%arg19 : memref<80xi32, #tpu.memory_space<vmem>>) semaphore(%run_scoped3A_149 : memref<!tpu.dma_semaphore, #tpu.memory_space<semaphore_mem>>) {add = true}
        %dma_wait3A_153 = arith.constant 0 : i32
        %dma_wait3A_154 = arith.constant 0 : i32
        %dma_wait3A_155 = tpu.memref_slice %arg26[%dma_wait3A_153, %dma_wait3A_154] : memref<5008x128xf32, #tpu.memory_space<vmem_shared>> -> memref<5008x128xf32, #tpu.memory_space<vmem_shared>>
        tpu.wait_indirect_dma semaphore(%run_scoped3A_149 : memref<!tpu.dma_semaphore, #tpu.memory_space<semaphore_mem>>) src(%arg21 : memref<80x128xf32, #tpu.memory_space<vmem>>) dst(%dma_wait3A_155 : memref<5008x128xf32, #tpu.memory_space<vmem_shared>>)
        tpu.yield
      }) : () -> ()
      "tpu.region"() ({
        %run_scoped3A_149 = tpu.sem_alloc : memref<!tpu.dma_semaphore, #tpu.memory_space<semaphore_mem>>
        %dma_start3A_150 = arith.constant 0 : i32
        %dma_start3A_151 = arith.constant 0 : i32
        %dma_start3A_152 = tpu.memref_slice %arg27[%dma_start3A_150, %dma_start3A_151] : memref<5008x128xf32, #tpu.memory_space<vmem_shared>> -> memref<5008x128xf32, #tpu.memory_space<vmem_shared>>
        tpu.enqueue_indirect_dma source(%arg22 : memref<80x128xf32, #tpu.memory_space<vmem>>) target(%dma_start3A_152 : memref<5008x128xf32, #tpu.memory_space<vmem_shared>>) offsets(%arg19 : memref<80xi32, #tpu.memory_space<vmem>>) semaphore(%run_scoped3A_149 : memref<!tpu.dma_semaphore, #tpu.memory_space<semaphore_mem>>) {add = true}
        %dma_wait3A_153 = arith.constant 0 : i32
        %dma_wait3A_154 = arith.constant 0 : i32
        %dma_wait3A_155 = tpu.memref_slice %arg27[%dma_wait3A_153, %dma_wait3A_154] : memref<5008x128xf32, #tpu.memory_space<vmem_shared>> -> memref<5008x128xf32, #tpu.memory_space<vmem_shared>>
        tpu.wait_indirect_dma semaphore(%run_scoped3A_149 : memref<!tpu.dma_semaphore, #tpu.memory_space<semaphore_mem>>) src(%arg22 : memref<80x128xf32, #tpu.memory_space<vmem>>) dst(%dma_wait3A_155 : memref<5008x128xf32, #tpu.memory_space<vmem_shared>>)
        tpu.yield
      }) : () -> ()
    }
    %scan3A_5 = arith.constant 250 : i32
    %barrier3A_6 = arith.constant 0 : index
    tpu.barrier barrier_id(%barrier3A_6)
    %run_scoped3A = arith.constant 0 : i32
    "tpu.region"() ({
      %run_scoped3A_42 = tpu.sem_alloc : memref<!tpu.dma_semaphore, #tpu.memory_space<semaphore_mem>>
      %dma_start3A = arith.constant 0 : i32
      %dma_start3A_43 = tpu.memref_slice %arg15[%run_scoped3A, %mul3A_0, %dma_start3A] : memref<4x10000x128xf32, #tpu.memory_space<hbm>> -> memref<1x5000x128xf32, #tpu.memory_space<hbm>>
      %dma_start3A_44 = tpu.memref_squeeze %dma_start3A_43 : memref<1x5000x128xf32, #tpu.memory_space<hbm>> -> memref<5000x128xf32, #tpu.memory_space<hbm>>
      %dma_start3A_45 = arith.constant 0 : i32
      %dma_start3A_46 = arith.constant 0 : i32
      %dma_start3A_47 = tpu.memref_slice %arg26[%dma_start3A_45, %dma_start3A_46] : memref<5008x128xf32, #tpu.memory_space<vmem_shared>> -> memref<5000x128xf32, #tpu.memory_space<vmem_shared>>
      tpu.enqueue_dma source(%dma_start3A_47 : memref<5000x128xf32, #tpu.memory_space<vmem_shared>>) target(%dma_start3A_44 : memref<5000x128xf32, #tpu.memory_space<hbm>>) target_semaphore(%run_scoped3A_42 : memref<!tpu.dma_semaphore, #tpu.memory_space<semaphore_mem>>)
      %dma_wait3A = arith.constant 0 : i32
      %dma_wait3A_48 = tpu.memref_slice %arg15[%run_scoped3A, %mul3A_0, %dma_wait3A] : memref<4x10000x128xf32, #tpu.memory_space<hbm>> -> memref<1x5000x128xf32, #tpu.memory_space<hbm>>
      %dma_wait3A_49 = tpu.memref_squeeze %dma_wait3A_48 : memref<1x5000x128xf32, #tpu.memory_space<hbm>> -> memref<5000x128xf32, #tpu.memory_space<hbm>>
      %dma_wait3A_50 = arith.constant 0 : i32
      %dma_wait3A_51 = arith.constant 0 : i32
      %dma_wait3A_52 = tpu.memref_slice %arg26[%dma_wait3A_50, %dma_wait3A_51] : memref<5008x128xf32, #tpu.memory_space<vmem_shared>> -> memref<5000x128xf32, #tpu.memory_space<vmem_shared>>
      tpu.wait_dma2 semaphore(%run_scoped3A_42 : memref<!tpu.dma_semaphore, #tpu.memory_space<semaphore_mem>>) src(%dma_wait3A_52 : memref<5000x128xf32, #tpu.memory_space<vmem_shared>>) dst(%dma_wait3A_49 : memref<5000x128xf32, #tpu.memory_space<hbm>>)
      tpu.yield
    }) : () -> ()
    %run_scoped3A_7 = arith.constant 0 : i32
    "tpu.region"() ({
      %run_scoped3A_42 = tpu.sem_alloc : memref<!tpu.dma_semaphore, #tpu.memory_space<semaphore_mem>>
      %dma_start3A = arith.constant 0 : i32
      %dma_start3A_43 = tpu.memref_slice %arg16[%run_scoped3A_7, %mul3A_0, %dma_start3A] : memref<4x10000x128xf32, #tpu.memory_space<hbm>> -> memref<1x5000x128xf32, #tpu.memory_space<hbm>>
      %dma_start3A_44 = tpu.memref_squeeze %dma_start3A_43 : memref<1x5000x128xf32, #tpu.memory_space<hbm>> -> memref<5000x128xf32, #tpu.memory_space<hbm>>
      %dma_start3A_45 = arith.constant 0 : i32
      %dma_start3A_46 = arith.constant 0 : i32
      %dma_start3A_47 = tpu.memref_slice %arg27[%dma_start3A_45, %dma_start3A_46] : memref<5008x128xf32, #tpu.memory_space<vmem_shared>> -> memref<5000x128xf32, #tpu.memory_space<vmem_shared>>
      tpu.enqueue_dma source(%dma_start3A_47 : memref<5000x128xf32, #tpu.memory_space<vmem_shared>>) target(%dma_start3A_44 : memref<5000x128xf32, #tpu.memory_space<hbm>>) target_semaphore(%run_scoped3A_42 : memref<!tpu.dma_semaphore, #tpu.memory_space<semaphore_mem>>)
      %dma_wait3A = arith.constant 0 : i32
      %dma_wait3A_48 = tpu.memref_slice %arg16[%run_scoped3A_7, %mul3A_0, %dma_wait3A] : memref<4x10000x128xf32, #tpu.memory_space<hbm>> -> memref<1x5000x128xf32, #tpu.memory_space<hbm>>
      %dma_wait3A_49 = tpu.memref_squeeze %dma_wait3A_48 : memref<1x5000x128xf32, #tpu.memory_space<hbm>> -> memref<5000x128xf32, #tpu.memory_space<hbm>>
      %dma_wait3A_50 = arith.constant 0 : i32
      %dma_wait3A_51 = arith.constant 0 : i32
      %dma_wait3A_52 = tpu.memref_slice %arg27[%dma_wait3A_50, %dma_wait3A_51] : memref<5008x128xf32, #tpu.memory_space<vmem_shared>> -> memref<5000x128xf32, #tpu.memory_space<vmem_shared>>
      tpu.wait_dma2 semaphore(%run_scoped3A_42 : memref<!tpu.dma_semaphore, #tpu.memory_space<semaphore_mem>>) src(%dma_wait3A_52 : memref<5000x128xf32, #tpu.memory_space<vmem_shared>>) dst(%dma_wait3A_49 : memref<5000x128xf32, #tpu.memory_space<hbm>>)
      tpu.yield
    }) : () -> ()
    %barrier3A_8 = arith.constant 0 : index
    tpu.barrier barrier_id(%barrier3A_8)
    "tpu.region"() ({
      %run_scoped3A_42 = tpu.sem_alloc : memref<!tpu.dma_semaphore, #tpu.memory_space<semaphore_mem>>
      tpu.enqueue_dma source(%arg5 : memref<5008x128xf32, #tpu.memory_space<hbm>>) target(%arg26 : memref<5008x128xf32, #tpu.memory_space<vmem_shared>>) target_semaphore(%run_scoped3A_42 : memref<!tpu.dma_semaphore, #tpu.memory_space<semaphore_mem>>)
      tpu.wait_dma2 semaphore(%run_scoped3A_42 : memref<!tpu.dma_semaphore, #tpu.memory_space<semaphore_mem>>) src(%arg5 : memref<5008x128xf32, #tpu.memory_space<hbm>>) dst(%arg26 : memref<5008x128xf32, #tpu.memory_space<vmem_shared>>)
      tpu.yield
    }) : () -> ()
    "tpu.region"() ({
      %run_scoped3A_42 = tpu.sem_alloc : memref<!tpu.dma_semaphore, #tpu.memory_space<semaphore_mem>>
      tpu.enqueue_dma source(%arg6 : memref<5008x128xf32, #tpu.memory_space<hbm>>) target(%arg27 : memref<5008x128xf32, #tpu.memory_space<vmem_shared>>) target_semaphore(%run_scoped3A_42 : memref<!tpu.dma_semaphore, #tpu.memory_space<semaphore_mem>>)
      tpu.wait_dma2 semaphore(%run_scoped3A_42 : memref<!tpu.dma_semaphore, #tpu.memory_space<semaphore_mem>>) src(%arg6 : memref<5008x128xf32, #tpu.memory_space<hbm>>) dst(%arg27 : memref<5008x128xf32, #tpu.memory_space<vmem_shared>>)
      tpu.yield
    }) : () -> ()
    %barrier3A_9 = arith.constant 0 : index
    tpu.barrier barrier_id(%barrier3A_9)
    %scan3A_10 = arith.constant 0 : i32
    %scan3A_11 = arith.constant 0 : i32
    %scan3A_12 = arith.constant 250 : i32
    %scan3A_13 = arith.addi %scan3A_11, %scan3A_12 : i32
    %scan3A_14 = arith.constant 1 : i32
    scf.for %scan3A_42 = %scan3A_11 to %scan3A_13 step %scan3A_14  : i32 {
      %mul3A_43 = arith.constant 20000 : i32
      %mul3A_44 = arith.muli %arg1, %mul3A_43 : i32
      %mul3A_45 = arith.constant 80 : i32
      %mul3A_46 = arith.muli %scan3A_42, %mul3A_45 : i32
      %add3A = arith.addi %mul3A_44, %mul3A_46 : i32
      "tpu.region"() ({
        %run_scoped3A_149 = tpu.sem_alloc : memref<!tpu.dma_semaphore, #tpu.memory_space<semaphore_mem>>
        %dma_start3A_150 = tpu.memref_slice %arg2[%add3A] : memref<320000xi32, #tpu.memory_space<hbm>> -> memref<80xi32, #tpu.memory_space<hbm>>
        %dma_start3A_151 = tpu.memref_slice %arg2[%add3A] : memref<320000xi32, #tpu.memory_space<hbm>> -> memref<80xi32, #tpu.memory_space<hbm>>
        tpu.enqueue_dma source(%dma_start3A_151 : memref<80xi32, #tpu.memory_space<hbm>>) target(%arg17 : memref<80xi32, #tpu.memory_space<vmem>>) target_semaphore(%run_scoped3A_149 : memref<!tpu.dma_semaphore, #tpu.memory_space<semaphore_mem>>)
        %dma_wait3A_152 = tpu.memref_slice %arg2[%add3A] : memref<320000xi32, #tpu.memory_space<hbm>> -> memref<80xi32, #tpu.memory_space<hbm>>
        %dma_wait3A_153 = tpu.memref_slice %arg2[%add3A] : memref<320000xi32, #tpu.memory_space<hbm>> -> memref<80xi32, #tpu.memory_space<hbm>>
        tpu.wait_dma2 semaphore(%run_scoped3A_149 : memref<!tpu.dma_semaphore, #tpu.memory_space<semaphore_mem>>) src(%dma_wait3A_153 : memref<80xi32, #tpu.memory_space<hbm>>) dst(%arg17 : memref<80xi32, #tpu.memory_space<vmem>>)
        tpu.yield
      }) : () -> ()
      "tpu.region"() ({
        %run_scoped3A_149 = tpu.sem_alloc : memref<!tpu.dma_semaphore, #tpu.memory_space<semaphore_mem>>
        %dma_start3A_150 = tpu.memref_slice %arg3[%add3A] : memref<320000xi32, #tpu.memory_space<hbm>> -> memref<80xi32, #tpu.memory_space<hbm>>
        %dma_start3A_151 = tpu.memref_slice %arg3[%add3A] : memref<320000xi32, #tpu.memory_space<hbm>> -> memref<80xi32, #tpu.memory_space<hbm>>
        tpu.enqueue_dma source(%dma_start3A_151 : memref<80xi32, #tpu.memory_space<hbm>>) target(%arg18 : memref<80xi32, #tpu.memory_space<vmem>>) target_semaphore(%run_scoped3A_149 : memref<!tpu.dma_semaphore, #tpu.memory_space<semaphore_mem>>)
        %dma_wait3A_152 = tpu.memref_slice %arg3[%add3A] : memref<320000xi32, #tpu.memory_space<hbm>> -> memref<80xi32, #tpu.memory_space<hbm>>
        %dma_wait3A_153 = tpu.memref_slice %arg3[%add3A] : memref<320000xi32, #tpu.memory_space<hbm>> -> memref<80xi32, #tpu.memory_space<hbm>>
        tpu.wait_dma2 semaphore(%run_scoped3A_149 : memref<!tpu.dma_semaphore, #tpu.memory_space<semaphore_mem>>) src(%dma_wait3A_153 : memref<80xi32, #tpu.memory_space<hbm>>) dst(%arg18 : memref<80xi32, #tpu.memory_space<vmem>>)
        tpu.yield
      }) : () -> ()
      %dma_start3A = arith.constant 0 : i32
      %dma_start3A_47 = arith.constant 0 : i32
      %dma_start3A_48 = tpu.memref_slice %arg8[%dma_start3A, %dma_start3A_47] : memref<10000x128xf32, #tpu.memory_space<hbm>> -> memref<10000x128xf32, #tpu.memory_space<hbm>>
      tpu.enqueue_indirect_dma source(%dma_start3A_48 : memref<10000x128xf32, #tpu.memory_space<hbm>>) target(%arg20 : memref<80x128xf32, #tpu.memory_space<vmem>>) offsets(%arg17 : memref<80xi32, #tpu.memory_space<vmem>>) semaphore(%arg24 : memref<!tpu.dma_semaphore, #tpu.memory_space<semaphore_mem>>)
      %dma_start3A_49 = arith.constant 0 : i32
      %dma_start3A_50 = arith.constant 0 : i32
      %dma_start3A_51 = tpu.memref_slice %arg12[%dma_start3A_49, %dma_start3A_50] : memref<10000x128xf32, #tpu.memory_space<hbm>> -> memref<10000x128xf32, #tpu.memory_space<hbm>>
      tpu.enqueue_indirect_dma source(%dma_start3A_51 : memref<10000x128xf32, #tpu.memory_space<hbm>>) target(%arg21 : memref<80x128xf32, #tpu.memory_space<vmem>>) offsets(%arg18 : memref<80xi32, #tpu.memory_space<vmem>>) semaphore(%arg25 : memref<!tpu.dma_semaphore, #tpu.memory_space<semaphore_mem>>)
      %dma_wait3A = arith.constant 0 : i32
      %dma_wait3A_52 = arith.constant 0 : i32
      %dma_wait3A_53 = tpu.memref_slice %arg8[%dma_wait3A, %dma_wait3A_52] : memref<10000x128xf32, #tpu.memory_space<hbm>> -> memref<10000x128xf32, #tpu.memory_space<hbm>>
      tpu.wait_indirect_dma semaphore(%arg24 : memref<!tpu.dma_semaphore, #tpu.memory_space<semaphore_mem>>) src(%dma_wait3A_53 : memref<10000x128xf32, #tpu.memory_space<hbm>>) dst(%arg20 : memref<80x128xf32, #tpu.memory_space<vmem>>)
      %dma_wait3A_54 = arith.constant 0 : i32
      %dma_wait3A_55 = arith.constant 0 : i32
      %dma_wait3A_56 = tpu.memref_slice %arg12[%dma_wait3A_54, %dma_wait3A_55] : memref<10000x128xf32, #tpu.memory_space<hbm>> -> memref<10000x128xf32, #tpu.memory_space<hbm>>
      tpu.wait_indirect_dma semaphore(%arg25 : memref<!tpu.dma_semaphore, #tpu.memory_space<semaphore_mem>>) src(%dma_wait3A_56 : memref<10000x128xf32, #tpu.memory_space<hbm>>) dst(%arg21 : memref<80x128xf32, #tpu.memory_space<vmem>>)
      %get3A = arith.constant 0 : index
      %get3A_57 = tpu.vector_load %arg18[%get3A] {strides = array<i32>} : memref<80xi32, #tpu.memory_space<vmem>>, vector<16xi32>,
      %get3A_58 = vector.shape_cast %get3A_57 : vector<16xi32> to vector<16xi32>
      %sub3A = vector.broadcast %mul3A_0 : i32 to vector<16xi32>
      %sub3A_59 = arith.subi %get3A_58, %sub3A : vector<16xi32>
      %lt3A = arith.constant 0 : i32
      %lt3A_60 = vector.broadcast %lt3A : i32 to vector<16xi32>
      %lt3A_61 = arith.cmpi slt, %sub3A_59, %lt3A_60 : vector<16xi32>
      %ge3A = arith.constant 5000 : i32
      %ge3A_62 = vector.broadcast %ge3A : i32 to vector<16xi32>
      %ge3A_63 = arith.cmpi sge, %sub3A_59, %ge3A_62 : vector<16xi32>
      %or3A = arith.ori %lt3A_61, %ge3A_63 : vector<16xi1>
      %jit3A = arith.constant 5000 : i32
      %broadcast_in_dim3A = vector.broadcast %jit3A : i32 to vector<16xi32>
      %select_n3A = arith.select %or3A, %broadcast_in_dim3A, %sub3A_59 : vector<16xi1>, vector<16xi32>
      %swap3A = arith.constant 0 : index
      %swap3A_64 = tpu.vector_load %arg19[%swap3A] {strides = array<i32>} : memref<80xi32, #tpu.memory_space<vmem>>, vector<16xi32>,
      %swap3A_65 = vector.shape_cast %swap3A_64 : vector<16xi32> to vector<16xi32>
      %swap3A_66 = vector.shape_cast %select_n3A : vector<16xi32> to vector<16xi32>
      tpu.vector_store %arg19[%swap3A], %swap3A_66 {strides = array<i32>} : memref<80xi32, #tpu.memory_space<vmem>>, vector<16xi32>,
      %get3A_67 = arith.constant 16 : index
      %get3A_68 = tpu.vector_load %arg18[%get3A_67] {strides = array<i32>} : memref<80xi32, #tpu.memory_space<vmem>>, vector<16xi32>,
      %get3A_69 = vector.shape_cast %get3A_68 : vector<16xi32> to vector<16xi32>
      %sub3A_70 = vector.broadcast %mul3A_0 : i32 to vector<16xi32>
      %sub3A_71 = arith.subi %get3A_69, %sub3A_70 : vector<16xi32>
      %lt3A_72 = arith.constant 0 : i32
      %lt3A_73 = vector.broadcast %lt3A_72 : i32 to vector<16xi32>
      %lt3A_74 = arith.cmpi slt, %sub3A_71, %lt3A_73 : vector<16xi32>
      %ge3A_75 = arith.constant 5000 : i32
      %ge3A_76 = vector.broadcast %ge3A_75 : i32 to vector<16xi32>
      %ge3A_77 = arith.cmpi sge, %sub3A_71, %ge3A_76 : vector<16xi32>
      %or3A_78 = arith.ori %lt3A_74, %ge3A_77 : vector<16xi1>
      %jit3A_79 = arith.constant 5000 : i32
      %broadcast_in_dim3A_80 = vector.broadcast %jit3A_79 : i32 to vector<16xi32>
      %select_n3A_81 = arith.select %or3A_78, %broadcast_in_dim3A_80, %sub3A_71 : vector<16xi1>, vector<16xi32>
      %swap3A_82 = arith.constant 16 : index
      %swap3A_83 = tpu.vector_load %arg19[%swap3A_82] {strides = array<i32>} : memref<80xi32, #tpu.memory_space<vmem>>, vector<16xi32>,
      %swap3A_84 = vector.shape_cast %swap3A_83 : vector<16xi32> to vector<16xi32>
      %swap3A_85 = vector.shape_cast %select_n3A_81 : vector<16xi32> to vector<16xi32>
      tpu.vector_store %arg19[%swap3A_82], %swap3A_85 {strides = array<i32>} : memref<80xi32, #tpu.memory_space<vmem>>, vector<16xi32>,
      %get3A_86 = arith.constant 32 : index
      %get3A_87 = tpu.vector_load %arg18[%get3A_86] {strides = array<i32>} : memref<80xi32, #tpu.memory_space<vmem>>, vector<16xi32>,
      %get3A_88 = vector.shape_cast %get3A_87 : vector<16xi32> to vector<16xi32>
      %sub3A_89 = vector.broadcast %mul3A_0 : i32 to vector<16xi32>
      %sub3A_90 = arith.subi %get3A_88, %sub3A_89 : vector<16xi32>
      %lt3A_91 = arith.constant 0 : i32
      %lt3A_92 = vector.broadcast %lt3A_91 : i32 to vector<16xi32>
      %lt3A_93 = arith.cmpi slt, %sub3A_90, %lt3A_92 : vector<16xi32>
      %ge3A_94 = arith.constant 5000 : i32
      %ge3A_95 = vector.broadcast %ge3A_94 : i32 to vector<16xi32>
      %ge3A_96 = arith.cmpi sge, %sub3A_90, %ge3A_95 : vector<16xi32>
      %or3A_97 = arith.ori %lt3A_93, %ge3A_96 : vector<16xi1>
      %jit3A_98 = arith.constant 5000 : i32
      %broadcast_in_dim3A_99 = vector.broadcast %jit3A_98 : i32 to vector<16xi32>
      %select_n3A_100 = arith.select %or3A_97, %broadcast_in_dim3A_99, %sub3A_90 : vector<16xi1>, vector<16xi32>
      %swap3A_101 = arith.constant 32 : index
      %swap3A_102 = tpu.vector_load %arg19[%swap3A_101] {strides = array<i32>} : memref<80xi32, #tpu.memory_space<vmem>>, vector<16xi32>,
      %swap3A_103 = vector.shape_cast %swap3A_102 : vector<16xi32> to vector<16xi32>
      %swap3A_104 = vector.shape_cast %select_n3A_100 : vector<16xi32> to vector<16xi32>
      tpu.vector_store %arg19[%swap3A_101], %swap3A_104 {strides = array<i32>} : memref<80xi32, #tpu.memory_space<vmem>>, vector<16xi32>,
      %get3A_105 = arith.constant 48 : index
      %get3A_106 = tpu.vector_load %arg18[%get3A_105] {strides = array<i32>} : memref<80xi32, #tpu.memory_space<vmem>>, vector<16xi32>,
      %get3A_107 = vector.shape_cast %get3A_106 : vector<16xi32> to vector<16xi32>
      %sub3A_108 = vector.broadcast %mul3A_0 : i32 to vector<16xi32>
      %sub3A_109 = arith.subi %get3A_107, %sub3A_108 : vector<16xi32>
      %lt3A_110 = arith.constant 0 : i32
      %lt3A_111 = vector.broadcast %lt3A_110 : i32 to vector<16xi32>
      %lt3A_112 = arith.cmpi slt, %sub3A_109, %lt3A_111 : vector<16xi32>
      %ge3A_113 = arith.constant 5000 : i32
      %ge3A_114 = vector.broadcast %ge3A_113 : i32 to vector<16xi32>
      %ge3A_115 = arith.cmpi sge, %sub3A_109, %ge3A_114 : vector<16xi32>
      %or3A_116 = arith.ori %lt3A_112, %ge3A_115 : vector<16xi1>
      %jit3A_117 = arith.constant 5000 : i32
      %broadcast_in_dim3A_118 = vector.broadcast %jit3A_117 : i32 to vector<16xi32>
      %select_n3A_119 = arith.select %or3A_116, %broadcast_in_dim3A_118, %sub3A_109 : vector<16xi1>, vector<16xi32>
      %swap3A_120 = arith.constant 48 : index
      %swap3A_121 = tpu.vector_load %arg19[%swap3A_120] {strides = array<i32>} : memref<80xi32, #tpu.memory_space<vmem>>, vector<16xi32>,
      %swap3A_122 = vector.shape_cast %swap3A_121 : vector<16xi32> to vector<16xi32>
      %swap3A_123 = vector.shape_cast %select_n3A_119 : vector<16xi32> to vector<16xi32>
      tpu.vector_store %arg19[%swap3A_120], %swap3A_123 {strides = array<i32>} : memref<80xi32, #tpu.memory_space<vmem>>, vector<16xi32>,
      %get3A_124 = arith.constant 64 : index
      %get3A_125 = tpu.vector_load %arg18[%get3A_124] {strides = array<i32>} : memref<80xi32, #tpu.memory_space<vmem>>, vector<16xi32>,
      %get3A_126 = vector.shape_cast %get3A_125 : vector<16xi32> to vector<16xi32>
      %sub3A_127 = vector.broadcast %mul3A_0 : i32 to vector<16xi32>
      %sub3A_128 = arith.subi %get3A_126, %sub3A_127 : vector<16xi32>
      %lt3A_129 = arith.constant 0 : i32
      %lt3A_130 = vector.broadcast %lt3A_129 : i32 to vector<16xi32>
      %lt3A_131 = arith.cmpi slt, %sub3A_128, %lt3A_130 : vector<16xi32>
      %ge3A_132 = arith.constant 5000 : i32
      %ge3A_133 = vector.broadcast %ge3A_132 : i32 to vector<16xi32>
      %ge3A_134 = arith.cmpi sge, %sub3A_128, %ge3A_133 : vector<16xi32>
      %or3A_135 = arith.ori %lt3A_131, %ge3A_134 : vector<16xi1>
      %jit3A_136 = arith.constant 5000 : i32
      %broadcast_in_dim3A_137 = vector.broadcast %jit3A_136 : i32 to vector<16xi32>
      %select_n3A_138 = arith.select %or3A_135, %broadcast_in_dim3A_137, %sub3A_128 : vector<16xi1>, vector<16xi32>
      %swap3A_139 = arith.constant 64 : index
      %swap3A_140 = tpu.vector_load %arg19[%swap3A_139] {strides = array<i32>} : memref<80xi32, #tpu.memory_space<vmem>>, vector<16xi32>,
      %swap3A_141 = vector.shape_cast %swap3A_140 : vector<16xi32> to vector<16xi32>
      %swap3A_142 = vector.shape_cast %select_n3A_138 : vector<16xi32> to vector<16xi32>
      tpu.vector_store %arg19[%swap3A_139], %swap3A_142 {strides = array<i32>} : memref<80xi32, #tpu.memory_space<vmem>>, vector<16xi32>,
      %scan3A_143 = arith.constant 0 : i32
      %scan3A_144 = arith.constant 0 : i32
      %scan3A_145 = arith.constant 80 : i32
      %scan3A_146 = arith.addi %scan3A_144, %scan3A_145 : i32
      %scan3A_147 = arith.constant 1 : i32
      scf.for %scan3A_149 = %scan3A_144 to %scan3A_146 step %scan3A_147  : i32 {
        %broadcast_in_dim3A_150 = arith.constant 0.000000e+00 : f32
        %broadcast_in_dim3A_151 = vector.broadcast %broadcast_in_dim3A_150 : f32 to vector<16xf32>
        %get3A_152 = arith.index_cast %scan3A_149 : i32 to index
        %get3A_153 = arith.constant 0 : index
        %get3A_154 = tpu.vector_load %arg20[%get3A_152, %get3A_153] {strides = array<i32>} : memref<80x128xf32, #tpu.memory_space<vmem>>, vector<1x16xf32>,
        %get3A_155 = vector.shape_cast %get3A_154 : vector<1x16xf32> to vector<16xf32>
        %get3A_156 = arith.index_cast %scan3A_149 : i32 to index
        %get3A_157 = arith.constant 0 : index
        %get3A_158 = tpu.vector_load %arg21[%get3A_156, %get3A_157] {strides = array<i32>} : memref<80x128xf32, #tpu.memory_space<vmem>>, vector<1x16xf32>,
        %get3A_159 = vector.shape_cast %get3A_158 : vector<1x16xf32> to vector<16xf32>
        %add3A_160 = arith.addf %get3A_155, %get3A_159 : vector<16xf32>
        %mul3A_161 = arith.constant 2.000000e-01 : f32
        %mul3A_162 = vector.broadcast %mul3A_161 : f32 to vector<16xf32>
        %mul3A_163 = arith.mulf %mul3A_162, %add3A_160 : vector<16xf32>
        %max3A = arith.maximumf %add3A_160, %mul3A_163 : vector<16xf32>
        %get3A_164 = arith.constant 1 : i32
        %get3A_165 = arith.index_cast %get3A_164 : i32 to index
        %get3A_166 = arith.constant 0 : index
        %get3A_167 = tpu.vector_load %arg23[%get3A_165, %get3A_166] {strides = array<i32>} : memref<4x128xf32, #tpu.memory_space<vmem>>, vector<1x16xf32>,
        %get3A_168 = vector.shape_cast %get3A_167 : vector<1x16xf32> to vector<16xf32>
        %mul3A_169 = arith.mulf %get3A_168, %max3A : vector<16xf32>
        %add3A_170 = arith.addf %broadcast_in_dim3A_151, %mul3A_169 : vector<16xf32>
        %get3A_171 = arith.index_cast %scan3A_149 : i32 to index
        %get3A_172 = arith.constant 16 : index
        %get3A_173 = tpu.vector_load %arg20[%get3A_171, %get3A_172] {strides = array<i32>} : memref<80x128xf32, #tpu.memory_space<vmem>>, vector<1x16xf32>,
        %get3A_174 = vector.shape_cast %get3A_173 : vector<1x16xf32> to vector<16xf32>
        %get3A_175 = arith.index_cast %scan3A_149 : i32 to index
        %get3A_176 = arith.constant 16 : index
        %get3A_177 = tpu.vector_load %arg21[%get3A_175, %get3A_176] {strides = array<i32>} : memref<80x128xf32, #tpu.memory_space<vmem>>, vector<1x16xf32>,
        %get3A_178 = vector.shape_cast %get3A_177 : vector<1x16xf32> to vector<16xf32>
        %add3A_179 = arith.addf %get3A_174, %get3A_178 : vector<16xf32>
        %mul3A_180 = arith.constant 2.000000e-01 : f32
        %mul3A_181 = vector.broadcast %mul3A_180 : f32 to vector<16xf32>
        %mul3A_182 = arith.mulf %mul3A_181, %add3A_179 : vector<16xf32>
        %max3A_183 = arith.maximumf %add3A_179, %mul3A_182 : vector<16xf32>
        %get3A_184 = arith.constant 1 : i32
        %get3A_185 = arith.index_cast %get3A_184 : i32 to index
        %get3A_186 = arith.constant 16 : index
        %get3A_187 = tpu.vector_load %arg23[%get3A_185, %get3A_186] {strides = array<i32>} : memref<4x128xf32, #tpu.memory_space<vmem>>, vector<1x16xf32>,
        %get3A_188 = vector.shape_cast %get3A_187 : vector<1x16xf32> to vector<16xf32>
        %mul3A_189 = arith.mulf %get3A_188, %max3A_183 : vector<16xf32>
        %add3A_190 = arith.addf %add3A_170, %mul3A_189 : vector<16xf32>
        %get3A_191 = arith.index_cast %scan3A_149 : i32 to index
        %get3A_192 = arith.constant 32 : index
        %get3A_193 = tpu.vector_load %arg20[%get3A_191, %get3A_192] {strides = array<i32>} : memref<80x128xf32, #tpu.memory_space<vmem>>, vector<1x16xf32>,
        %get3A_194 = vector.shape_cast %get3A_193 : vector<1x16xf32> to vector<16xf32>
        %get3A_195 = arith.index_cast %scan3A_149 : i32 to index
        %get3A_196 = arith.constant 32 : index
        %get3A_197 = tpu.vector_load %arg21[%get3A_195, %get3A_196] {strides = array<i32>} : memref<80x128xf32, #tpu.memory_space<vmem>>, vector<1x16xf32>,
        %get3A_198 = vector.shape_cast %get3A_197 : vector<1x16xf32> to vector<16xf32>
        %add3A_199 = arith.addf %get3A_194, %get3A_198 : vector<16xf32>
        %mul3A_200 = arith.constant 2.000000e-01 : f32
        %mul3A_201 = vector.broadcast %mul3A_200 : f32 to vector<16xf32>
        %mul3A_202 = arith.mulf %mul3A_201, %add3A_199 : vector<16xf32>
        %max3A_203 = arith.maximumf %add3A_199, %mul3A_202 : vector<16xf32>
        %get3A_204 = arith.constant 1 : i32
        %get3A_205 = arith.index_cast %get3A_204 : i32 to index
        %get3A_206 = arith.constant 32 : index
        %get3A_207 = tpu.vector_load %arg23[%get3A_205, %get3A_206] {strides = array<i32>} : memref<4x128xf32, #tpu.memory_space<vmem>>, vector<1x16xf32>,
        %get3A_208 = vector.shape_cast %get3A_207 : vector<1x16xf32> to vector<16xf32>
        %mul3A_209 = arith.mulf %get3A_208, %max3A_203 : vector<16xf32>
        %add3A_210 = arith.addf %add3A_190, %mul3A_209 : vector<16xf32>
        %get3A_211 = arith.index_cast %scan3A_149 : i32 to index
        %get3A_212 = arith.constant 48 : index
        %get3A_213 = tpu.vector_load %arg20[%get3A_211, %get3A_212] {strides = array<i32>} : memref<80x128xf32, #tpu.memory_space<vmem>>, vector<1x16xf32>,
        %get3A_214 = vector.shape_cast %get3A_213 : vector<1x16xf32> to vector<16xf32>
        %get3A_215 = arith.index_cast %scan3A_149 : i32 to index
        %get3A_216 = arith.constant 48 : index
        %get3A_217 = tpu.vector_load %arg21[%get3A_215, %get3A_216] {strides = array<i32>} : memref<80x128xf32, #tpu.memory_space<vmem>>, vector<1x16xf32>,
        %get3A_218 = vector.shape_cast %get3A_217 : vector<1x16xf32> to vector<16xf32>
        %add3A_219 = arith.addf %get3A_214, %get3A_218 : vector<16xf32>
        %mul3A_220 = arith.constant 2.000000e-01 : f32
        %mul3A_221 = vector.broadcast %mul3A_220 : f32 to vector<16xf32>
        %mul3A_222 = arith.mulf %mul3A_221, %add3A_219 : vector<16xf32>
        %max3A_223 = arith.maximumf %add3A_219, %mul3A_222 : vector<16xf32>
        %get3A_224 = arith.constant 1 : i32
        %get3A_225 = arith.index_cast %get3A_224 : i32 to index
        %get3A_226 = arith.constant 48 : index
        %get3A_227 = tpu.vector_load %arg23[%get3A_225, %get3A_226] {strides = array<i32>} : memref<4x128xf32, #tpu.memory_space<vmem>>, vector<1x16xf32>,
        %get3A_228 = vector.shape_cast %get3A_227 : vector<1x16xf32> to vector<16xf32>
        %mul3A_229 = arith.mulf %get3A_228, %max3A_223 : vector<16xf32>
        %add3A_230 = arith.addf %add3A_210, %mul3A_229 : vector<16xf32>
        %get3A_231 = arith.index_cast %scan3A_149 : i32 to index
        %get3A_232 = arith.constant 64 : index
        %get3A_233 = tpu.vector_load %arg20[%get3A_231, %get3A_232] {strides = array<i32>} : memref<80x128xf32, #tpu.memory_space<vmem>>, vector<1x16xf32>,
        %get3A_234 = vector.shape_cast %get3A_233 : vector<1x16xf32> to vector<16xf32>
        %get3A_235 = arith.index_cast %scan3A_149 : i32 to index
        %get3A_236 = arith.constant 64 : index
        %get3A_237 = tpu.vector_load %arg21[%get3A_235, %get3A_236] {strides = array<i32>} : memref<80x128xf32, #tpu.memory_space<vmem>>, vector<1x16xf32>,
        %get3A_238 = vector.shape_cast %get3A_237 : vector<1x16xf32> to vector<16xf32>
        %add3A_239 = arith.addf %get3A_234, %get3A_238 : vector<16xf32>
        %mul3A_240 = arith.constant 2.000000e-01 : f32
        %mul3A_241 = vector.broadcast %mul3A_240 : f32 to vector<16xf32>
        %mul3A_242 = arith.mulf %mul3A_241, %add3A_239 : vector<16xf32>
        %max3A_243 = arith.maximumf %add3A_239, %mul3A_242 : vector<16xf32>
        %get3A_244 = arith.constant 1 : i32
        %get3A_245 = arith.index_cast %get3A_244 : i32 to index
        %get3A_246 = arith.constant 64 : index
        %get3A_247 = tpu.vector_load %arg23[%get3A_245, %get3A_246] {strides = array<i32>} : memref<4x128xf32, #tpu.memory_space<vmem>>, vector<1x16xf32>,
        %get3A_248 = vector.shape_cast %get3A_247 : vector<1x16xf32> to vector<16xf32>
        %mul3A_249 = arith.mulf %get3A_248, %max3A_243 : vector<16xf32>
        %add3A_250 = arith.addf %add3A_230, %mul3A_249 : vector<16xf32>
        %get3A_251 = arith.index_cast %scan3A_149 : i32 to index
        %get3A_252 = arith.constant 80 : index
        %get3A_253 = tpu.vector_load %arg20[%get3A_251, %get3A_252] {strides = array<i32>} : memref<80x128xf32, #tpu.memory_space<vmem>>, vector<1x16xf32>,
        %get3A_254 = vector.shape_cast %get3A_253 : vector<1x16xf32> to vector<16xf32>
        %get3A_255 = arith.index_cast %scan3A_149 : i32 to index
        %get3A_256 = arith.constant 80 : index
        %get3A_257 = tpu.vector_load %arg21[%get3A_255, %get3A_256] {strides = array<i32>} : memref<80x128xf32, #tpu.memory_space<vmem>>, vector<1x16xf32>,
        %get3A_258 = vector.shape_cast %get3A_257 : vector<1x16xf32> to vector<16xf32>
        %add3A_259 = arith.addf %get3A_254, %get3A_258 : vector<16xf32>
        %mul3A_260 = arith.constant 2.000000e-01 : f32
        %mul3A_261 = vector.broadcast %mul3A_260 : f32 to vector<16xf32>
        %mul3A_262 = arith.mulf %mul3A_261, %add3A_259 : vector<16xf32>
        %max3A_263 = arith.maximumf %add3A_259, %mul3A_262 : vector<16xf32>
        %get3A_264 = arith.constant 1 : i32
        %get3A_265 = arith.index_cast %get3A_264 : i32 to index
        %get3A_266 = arith.constant 80 : index
        %get3A_267 = tpu.vector_load %arg23[%get3A_265, %get3A_266] {strides = array<i32>} : memref<4x128xf32, #tpu.memory_space<vmem>>, vector<1x16xf32>,
        %get3A_268 = vector.shape_cast %get3A_267 : vector<1x16xf32> to vector<16xf32>
        %mul3A_269 = arith.mulf %get3A_268, %max3A_263 : vector<16xf32>
        %add3A_270 = arith.addf %add3A_250, %mul3A_269 : vector<16xf32>
        %get3A_271 = arith.index_cast %scan3A_149 : i32 to index
        %get3A_272 = arith.constant 96 : index
        %get3A_273 = tpu.vector_load %arg20[%get3A_271, %get3A_272] {strides = array<i32>} : memref<80x128xf32, #tpu.memory_space<vmem>>, vector<1x16xf32>,
        %get3A_274 = vector.shape_cast %get3A_273 : vector<1x16xf32> to vector<16xf32>
        %get3A_275 = arith.index_cast %scan3A_149 : i32 to index
        %get3A_276 = arith.constant 96 : index
        %get3A_277 = tpu.vector_load %arg21[%get3A_275, %get3A_276] {strides = array<i32>} : memref<80x128xf32, #tpu.memory_space<vmem>>, vector<1x16xf32>,
        %get3A_278 = vector.shape_cast %get3A_277 : vector<1x16xf32> to vector<16xf32>
        %add3A_279 = arith.addf %get3A_274, %get3A_278 : vector<16xf32>
        %mul3A_280 = arith.constant 2.000000e-01 : f32
        %mul3A_281 = vector.broadcast %mul3A_280 : f32 to vector<16xf32>
        %mul3A_282 = arith.mulf %mul3A_281, %add3A_279 : vector<16xf32>
        %max3A_283 = arith.maximumf %add3A_279, %mul3A_282 : vector<16xf32>
        %get3A_284 = arith.constant 1 : i32
        %get3A_285 = arith.index_cast %get3A_284 : i32 to index
        %get3A_286 = arith.constant 96 : index
        %get3A_287 = tpu.vector_load %arg23[%get3A_285, %get3A_286] {strides = array<i32>} : memref<4x128xf32, #tpu.memory_space<vmem>>, vector<1x16xf32>,
        %get3A_288 = vector.shape_cast %get3A_287 : vector<1x16xf32> to vector<16xf32>
        %mul3A_289 = arith.mulf %get3A_288, %max3A_283 : vector<16xf32>
        %add3A_290 = arith.addf %add3A_270, %mul3A_289 : vector<16xf32>
        %get3A_291 = arith.index_cast %scan3A_149 : i32 to index
        %get3A_292 = arith.constant 112 : index
        %get3A_293 = tpu.vector_load %arg20[%get3A_291, %get3A_292] {strides = array<i32>} : memref<80x128xf32, #tpu.memory_space<vmem>>, vector<1x16xf32>,
        %get3A_294 = vector.shape_cast %get3A_293 : vector<1x16xf32> to vector<16xf32>
        %get3A_295 = arith.index_cast %scan3A_149 : i32 to index
        %get3A_296 = arith.constant 112 : index
        %get3A_297 = tpu.vector_load %arg21[%get3A_295, %get3A_296] {strides = array<i32>} : memref<80x128xf32, #tpu.memory_space<vmem>>, vector<1x16xf32>,
        %get3A_298 = vector.shape_cast %get3A_297 : vector<1x16xf32> to vector<16xf32>
        %add3A_299 = arith.addf %get3A_294, %get3A_298 : vector<16xf32>
        %mul3A_300 = arith.constant 2.000000e-01 : f32
        %mul3A_301 = vector.broadcast %mul3A_300 : f32 to vector<16xf32>
        %mul3A_302 = arith.mulf %mul3A_301, %add3A_299 : vector<16xf32>
        %max3A_303 = arith.maximumf %add3A_299, %mul3A_302 : vector<16xf32>
        %get3A_304 = arith.constant 1 : i32
        %get3A_305 = arith.index_cast %get3A_304 : i32 to index
        %get3A_306 = arith.constant 112 : index
        %get3A_307 = tpu.vector_load %arg23[%get3A_305, %get3A_306] {strides = array<i32>} : memref<4x128xf32, #tpu.memory_space<vmem>>, vector<1x16xf32>,
        %get3A_308 = vector.shape_cast %get3A_307 : vector<1x16xf32> to vector<16xf32>
        %mul3A_309 = arith.mulf %get3A_308, %max3A_303 : vector<16xf32>
        %add3A_310 = arith.addf %add3A_290, %mul3A_309 : vector<16xf32>
        %iota3A = tpu.iota {dimensions = array<i32: 0>} : vector<16xi32>
        %xor3A = arith.constant 1 : i32
        %xor3A_311 = vector.broadcast %xor3A : i32 to vector<16xi32>
        %xor3A_312 = arith.xori %iota3A, %xor3A_311 : vector<16xi32>
        %lt3A_313 = arith.constant 0 : i32
        %lt3A_314 = vector.broadcast %lt3A_313 : i32 to vector<16xi32>
        %lt3A_315 = arith.cmpi slt, %xor3A_312, %lt3A_314 : vector<16xi32>
        %add3A_316 = arith.constant 16 : i32
        %add3A_317 = vector.broadcast %add3A_316 : i32 to vector<16xi32>
        %add3A_318 = arith.addi %xor3A_312, %add3A_317 : vector<16xi32>
        %select_n3A_319 = arith.select %lt3A_315, %add3A_318, %xor3A_312 : vector<16xi1>, vector<16xi32>
        %broadcast_in_dim3A_320 = vector.shape_cast %select_n3A_319 : vector<16xi32> to vector<16x1xi32>
        %gather3A = vector.shape_cast %broadcast_in_dim3A_320 : vector<16x1xi32> to vector<16xi32>
        %gather3A_321 = tpu.dynamic_gather %add3A_310[%gather3A] in [0] : vector<16xf32>, vector<16xi32> -> vector<16xf32>
        %add3A_322 = arith.addf %add3A_310, %gather3A_321 : vector<16xf32>
        %xor3A_323 = arith.constant 2 : i32
        %xor3A_324 = vector.broadcast %xor3A_323 : i32 to vector<16xi32>
        %xor3A_325 = arith.xori %iota3A, %xor3A_324 : vector<16xi32>
        %lt3A_326 = arith.constant 0 : i32
        %lt3A_327 = vector.broadcast %lt3A_326 : i32 to vector<16xi32>
        %lt3A_328 = arith.cmpi slt, %xor3A_325, %lt3A_327 : vector<16xi32>
        %add3A_329 = arith.constant 16 : i32
        %add3A_330 = vector.broadcast %add3A_329 : i32 to vector<16xi32>
        %add3A_331 = arith.addi %xor3A_325, %add3A_330 : vector<16xi32>
        %select_n3A_332 = arith.select %lt3A_328, %add3A_331, %xor3A_325 : vector<16xi1>, vector<16xi32>
        %broadcast_in_dim3A_333 = vector.shape_cast %select_n3A_332 : vector<16xi32> to vector<16x1xi32>
        %gather3A_334 = vector.shape_cast %broadcast_in_dim3A_333 : vector<16x1xi32> to vector<16xi32>
        %gather3A_335 = tpu.dynamic_gather %add3A_322[%gather3A_334] in [0] : vector<16xf32>, vector<16xi32> -> vector<16xf32>
        %add3A_336 = arith.addf %add3A_322, %gather3A_335 : vector<16xf32>
        %xor3A_337 = arith.constant 4 : i32
        %xor3A_338 = vector.broadcast %xor3A_337 : i32 to vector<16xi32>
        %xor3A_339 = arith.xori %iota3A, %xor3A_338 : vector<16xi32>
        %lt3A_340 = arith.constant 0 : i32
        %lt3A_341 = vector.broadcast %lt3A_340 : i32 to vector<16xi32>
        %lt3A_342 = arith.cmpi slt, %xor3A_339, %lt3A_341 : vector<16xi32>
        %add3A_343 = arith.constant 16 : i32
        %add3A_344 = vector.broadcast %add3A_343 : i32 to vector<16xi32>
        %add3A_345 = arith.addi %xor3A_339, %add3A_344 : vector<16xi32>
        %select_n3A_346 = arith.select %lt3A_342, %add3A_345, %xor3A_339 : vector<16xi1>, vector<16xi32>
        %broadcast_in_dim3A_347 = vector.shape_cast %select_n3A_346 : vector<16xi32> to vector<16x1xi32>
        %gather3A_348 = vector.shape_cast %broadcast_in_dim3A_347 : vector<16x1xi32> to vector<16xi32>
        %gather3A_349 = tpu.dynamic_gather %add3A_336[%gather3A_348] in [0] : vector<16xf32>, vector<16xi32> -> vector<16xf32>
        %add3A_350 = arith.addf %add3A_336, %gather3A_349 : vector<16xf32>
        %xor3A_351 = arith.constant 8 : i32
        %xor3A_352 = vector.broadcast %xor3A_351 : i32 to vector<16xi32>
        %xor3A_353 = arith.xori %iota3A, %xor3A_352 : vector<16xi32>
        %lt3A_354 = arith.constant 0 : i32
        %lt3A_355 = vector.broadcast %lt3A_354 : i32 to vector<16xi32>
        %lt3A_356 = arith.cmpi slt, %xor3A_353, %lt3A_355 : vector<16xi32>
        %add3A_357 = arith.constant 16 : i32
        %add3A_358 = vector.broadcast %add3A_357 : i32 to vector<16xi32>
        %add3A_359 = arith.addi %xor3A_353, %add3A_358 : vector<16xi32>
        %select_n3A_360 = arith.select %lt3A_356, %add3A_359, %xor3A_353 : vector<16xi1>, vector<16xi32>
        %broadcast_in_dim3A_361 = vector.shape_cast %select_n3A_360 : vector<16xi32> to vector<16x1xi32>
        %gather3A_362 = vector.shape_cast %broadcast_in_dim3A_361 : vector<16x1xi32> to vector<16xi32>
        %gather3A_363 = tpu.dynamic_gather %add3A_350[%gather3A_362] in [0] : vector<16xf32>, vector<16xi32> -> vector<16xf32>
        %add3A_364 = arith.addf %add3A_350, %gather3A_363 : vector<16xf32>
        %exp3A = math.exp %add3A_364 : vector<16xf32>
        %swap3A_365 = arith.index_cast %scan3A_149 : i32 to index
        %swap3A_366 = arith.constant 0 : index
        %swap3A_367 = tpu.vector_load %arg22[%swap3A_365, %swap3A_366] {strides = array<i32>} : memref<80x128xf32, #tpu.memory_space<vmem>>, vector<1x16xf32>,
        %swap3A_368 = vector.shape_cast %swap3A_367 : vector<1x16xf32> to vector<16xf32>
        %swap3A_369 = vector.shape_cast %exp3A : vector<16xf32> to vector<1x16xf32>
        tpu.vector_store %arg22[%swap3A_365, %swap3A_366], %swap3A_369 {strides = array<i32>} : memref<80x128xf32, #tpu.memory_space<vmem>>, vector<1x16xf32>,
        %swap3A_370 = arith.index_cast %scan3A_149 : i32 to index
        %swap3A_371 = arith.constant 16 : index
        %swap3A_372 = tpu.vector_load %arg22[%swap3A_370, %swap3A_371] {strides = array<i32>} : memref<80x128xf32, #tpu.memory_space<vmem>>, vector<1x16xf32>,
        %swap3A_373 = vector.shape_cast %swap3A_372 : vector<1x16xf32> to vector<16xf32>
        %swap3A_374 = vector.shape_cast %exp3A : vector<16xf32> to vector<1x16xf32>
        tpu.vector_store %arg22[%swap3A_370, %swap3A_371], %swap3A_374 {strides = array<i32>} : memref<80x128xf32, #tpu.memory_space<vmem>>, vector<1x16xf32>,
        %swap3A_375 = arith.index_cast %scan3A_149 : i32 to index
        %swap3A_376 = arith.constant 32 : index
        %swap3A_377 = tpu.vector_load %arg22[%swap3A_375, %swap3A_376] {strides = array<i32>} : memref<80x128xf32, #tpu.memory_space<vmem>>, vector<1x16xf32>,
        %swap3A_378 = vector.shape_cast %swap3A_377 : vector<1x16xf32> to vector<16xf32>
        %swap3A_379 = vector.shape_cast %exp3A : vector<16xf32> to vector<1x16xf32>
        tpu.vector_store %arg22[%swap3A_375, %swap3A_376], %swap3A_379 {strides = array<i32>} : memref<80x128xf32, #tpu.memory_space<vmem>>, vector<1x16xf32>,
        %swap3A_380 = arith.index_cast %scan3A_149 : i32 to index
        %swap3A_381 = arith.constant 48 : index
        %swap3A_382 = tpu.vector_load %arg22[%swap3A_380, %swap3A_381] {strides = array<i32>} : memref<80x128xf32, #tpu.memory_space<vmem>>, vector<1x16xf32>,
        %swap3A_383 = vector.shape_cast %swap3A_382 : vector<1x16xf32> to vector<16xf32>
        %swap3A_384 = vector.shape_cast %exp3A : vector<16xf32> to vector<1x16xf32>
        tpu.vector_store %arg22[%swap3A_380, %swap3A_381], %swap3A_384 {strides = array<i32>} : memref<80x128xf32, #tpu.memory_space<vmem>>, vector<1x16xf32>,
        %swap3A_385 = arith.index_cast %scan3A_149 : i32 to index
        %swap3A_386 = arith.constant 64 : index
        %swap3A_387 = tpu.vector_load %arg22[%swap3A_385, %swap3A_386] {strides = array<i32>} : memref<80x128xf32, #tpu.memory_space<vmem>>, vector<1x16xf32>,
        %swap3A_388 = vector.shape_cast %swap3A_387 : vector<1x16xf32> to vector<16xf32>
        %swap3A_389 = vector.shape_cast %exp3A : vector<16xf32> to vector<1x16xf32>
        tpu.vector_store %arg22[%swap3A_385, %swap3A_386], %swap3A_389 {strides = array<i32>} : memref<80x128xf32, #tpu.memory_space<vmem>>, vector<1x16xf32>,
        %swap3A_390 = arith.index_cast %scan3A_149 : i32 to index
        %swap3A_391 = arith.constant 80 : index
        %swap3A_392 = tpu.vector_load %arg22[%swap3A_390, %swap3A_391] {strides = array<i32>} : memref<80x128xf32, #tpu.memory_space<vmem>>, vector<1x16xf32>,
        %swap3A_393 = vector.shape_cast %swap3A_392 : vector<1x16xf32> to vector<16xf32>
        %swap3A_394 = vector.shape_cast %exp3A : vector<16xf32> to vector<1x16xf32>
        tpu.vector_store %arg22[%swap3A_390, %swap3A_391], %swap3A_394 {strides = array<i32>} : memref<80x128xf32, #tpu.memory_space<vmem>>, vector<1x16xf32>,
        %swap3A_395 = arith.index_cast %scan3A_149 : i32 to index
        %swap3A_396 = arith.constant 96 : index
        %swap3A_397 = tpu.vector_load %arg22[%swap3A_395, %swap3A_396] {strides = array<i32>} : memref<80x128xf32, #tpu.memory_space<vmem>>, vector<1x16xf32>,
        %swap3A_398 = vector.shape_cast %swap3A_397 : vector<1x16xf32> to vector<16xf32>
        %swap3A_399 = vector.shape_cast %exp3A : vector<16xf32> to vector<1x16xf32>
        tpu.vector_store %arg22[%swap3A_395, %swap3A_396], %swap3A_399 {strides = array<i32>} : memref<80x128xf32, #tpu.memory_space<vmem>>, vector<1x16xf32>,
        %swap3A_400 = arith.index_cast %scan3A_149 : i32 to index
        %swap3A_401 = arith.constant 112 : index
        %swap3A_402 = tpu.vector_load %arg22[%swap3A_400, %swap3A_401] {strides = array<i32>} : memref<80x128xf32, #tpu.memory_space<vmem>>, vector<1x16xf32>,
        %swap3A_403 = vector.shape_cast %swap3A_402 : vector<1x16xf32> to vector<16xf32>
        %swap3A_404 = vector.shape_cast %exp3A : vector<16xf32> to vector<1x16xf32>
        tpu.vector_store %arg22[%swap3A_400, %swap3A_401], %swap3A_404 {strides = array<i32>} : memref<80x128xf32, #tpu.memory_space<vmem>>, vector<1x16xf32>,
        %get3A_405 = arith.index_cast %scan3A_149 : i32 to index
        %get3A_406 = arith.constant 0 : index
        %get3A_407 = tpu.vector_load %arg20[%get3A_405, %get3A_406] {strides = array<i32>} : memref<80x128xf32, #tpu.memory_space<vmem>>, vector<1x16xf32>,
        %get3A_408 = vector.shape_cast %get3A_407 : vector<1x16xf32> to vector<16xf32>
        %mul3A_409 = arith.mulf %get3A_408, %exp3A : vector<16xf32>
        %swap3A_410 = arith.index_cast %scan3A_149 : i32 to index
        %swap3A_411 = arith.constant 0 : index
        %swap3A_412 = tpu.vector_load %arg21[%swap3A_410, %swap3A_411] {strides = array<i32>} : memref<80x128xf32, #tpu.memory_space<vmem>>, vector<1x16xf32>,
        %swap3A_413 = vector.shape_cast %swap3A_412 : vector<1x16xf32> to vector<16xf32>
        %swap3A_414 = vector.shape_cast %mul3A_409 : vector<16xf32> to vector<1x16xf32>
        tpu.vector_store %arg21[%swap3A_410, %swap3A_411], %swap3A_414 {strides = array<i32>} : memref<80x128xf32, #tpu.memory_space<vmem>>, vector<1x16xf32>,
        %get3A_415 = arith.index_cast %scan3A_149 : i32 to index
        %get3A_416 = arith.constant 16 : index
        %get3A_417 = tpu.vector_load %arg20[%get3A_415, %get3A_416] {strides = array<i32>} : memref<80x128xf32, #tpu.memory_space<vmem>>, vector<1x16xf32>,
        %get3A_418 = vector.shape_cast %get3A_417 : vector<1x16xf32> to vector<16xf32>
        %mul3A_419 = arith.mulf %get3A_418, %exp3A : vector<16xf32>
        %swap3A_420 = arith.index_cast %scan3A_149 : i32 to index
        %swap3A_421 = arith.constant 16 : index
        %swap3A_422 = tpu.vector_load %arg21[%swap3A_420, %swap3A_421] {strides = array<i32>} : memref<80x128xf32, #tpu.memory_space<vmem>>, vector<1x16xf32>,
        %swap3A_423 = vector.shape_cast %swap3A_422 : vector<1x16xf32> to vector<16xf32>
        %swap3A_424 = vector.shape_cast %mul3A_419 : vector<16xf32> to vector<1x16xf32>
        tpu.vector_store %arg21[%swap3A_420, %swap3A_421], %swap3A_424 {strides = array<i32>} : memref<80x128xf32, #tpu.memory_space<vmem>>, vector<1x16xf32>,
        %get3A_425 = arith.index_cast %scan3A_149 : i32 to index
        %get3A_426 = arith.constant 32 : index
        %get3A_427 = tpu.vector_load %arg20[%get3A_425, %get3A_426] {strides = array<i32>} : memref<80x128xf32, #tpu.memory_space<vmem>>, vector<1x16xf32>,
        %get3A_428 = vector.shape_cast %get3A_427 : vector<1x16xf32> to vector<16xf32>
        %mul3A_429 = arith.mulf %get3A_428, %exp3A : vector<16xf32>
        %swap3A_430 = arith.index_cast %scan3A_149 : i32 to index
        %swap3A_431 = arith.constant 32 : index
        %swap3A_432 = tpu.vector_load %arg21[%swap3A_430, %swap3A_431] {strides = array<i32>} : memref<80x128xf32, #tpu.memory_space<vmem>>, vector<1x16xf32>,
        %swap3A_433 = vector.shape_cast %swap3A_432 : vector<1x16xf32> to vector<16xf32>
        %swap3A_434 = vector.shape_cast %mul3A_429 : vector<16xf32> to vector<1x16xf32>
        tpu.vector_store %arg21[%swap3A_430, %swap3A_431], %swap3A_434 {strides = array<i32>} : memref<80x128xf32, #tpu.memory_space<vmem>>, vector<1x16xf32>,
        %get3A_435 = arith.index_cast %scan3A_149 : i32 to index
        %get3A_436 = arith.constant 48 : index
        %get3A_437 = tpu.vector_load %arg20[%get3A_435, %get3A_436] {strides = array<i32>} : memref<80x128xf32, #tpu.memory_space<vmem>>, vector<1x16xf32>,
        %get3A_438 = vector.shape_cast %get3A_437 : vector<1x16xf32> to vector<16xf32>
        %mul3A_439 = arith.mulf %get3A_438, %exp3A : vector<16xf32>
        %swap3A_440 = arith.index_cast %scan3A_149 : i32 to index
        %swap3A_441 = arith.constant 48 : index
        %swap3A_442 = tpu.vector_load %arg21[%swap3A_440, %swap3A_441] {strides = array<i32>} : memref<80x128xf32, #tpu.memory_space<vmem>>, vector<1x16xf32>,
        %swap3A_443 = vector.shape_cast %swap3A_442 : vector<1x16xf32> to vector<16xf32>
        %swap3A_444 = vector.shape_cast %mul3A_439 : vector<16xf32> to vector<1x16xf32>
        tpu.vector_store %arg21[%swap3A_440, %swap3A_441], %swap3A_444 {strides = array<i32>} : memref<80x128xf32, #tpu.memory_space<vmem>>, vector<1x16xf32>,
        %get3A_445 = arith.index_cast %scan3A_149 : i32 to index
        %get3A_446 = arith.constant 64 : index
        %get3A_447 = tpu.vector_load %arg20[%get3A_445, %get3A_446] {strides = array<i32>} : memref<80x128xf32, #tpu.memory_space<vmem>>, vector<1x16xf32>,
        %get3A_448 = vector.shape_cast %get3A_447 : vector<1x16xf32> to vector<16xf32>
        %mul3A_449 = arith.mulf %get3A_448, %exp3A : vector<16xf32>
        %swap3A_450 = arith.index_cast %scan3A_149 : i32 to index
        %swap3A_451 = arith.constant 64 : index
        %swap3A_452 = tpu.vector_load %arg21[%swap3A_450, %swap3A_451] {strides = array<i32>} : memref<80x128xf32, #tpu.memory_space<vmem>>, vector<1x16xf32>,
        %swap3A_453 = vector.shape_cast %swap3A_452 : vector<1x16xf32> to vector<16xf32>
        %swap3A_454 = vector.shape_cast %mul3A_449 : vector<16xf32> to vector<1x16xf32>
        tpu.vector_store %arg21[%swap3A_450, %swap3A_451], %swap3A_454 {strides = array<i32>} : memref<80x128xf32, #tpu.memory_space<vmem>>, vector<1x16xf32>,
        %get3A_455 = arith.index_cast %scan3A_149 : i32 to index
        %get3A_456 = arith.constant 80 : index
        %get3A_457 = tpu.vector_load %arg20[%get3A_455, %get3A_456] {strides = array<i32>} : memref<80x128xf32, #tpu.memory_space<vmem>>, vector<1x16xf32>,
        %get3A_458 = vector.shape_cast %get3A_457 : vector<1x16xf32> to vector<16xf32>
        %mul3A_459 = arith.mulf %get3A_458, %exp3A : vector<16xf32>
        %swap3A_460 = arith.index_cast %scan3A_149 : i32 to index
        %swap3A_461 = arith.constant 80 : index
        %swap3A_462 = tpu.vector_load %arg21[%swap3A_460, %swap3A_461] {strides = array<i32>} : memref<80x128xf32, #tpu.memory_space<vmem>>, vector<1x16xf32>,
        %swap3A_463 = vector.shape_cast %swap3A_462 : vector<1x16xf32> to vector<16xf32>
        %swap3A_464 = vector.shape_cast %mul3A_459 : vector<16xf32> to vector<1x16xf32>
        tpu.vector_store %arg21[%swap3A_460, %swap3A_461], %swap3A_464 {strides = array<i32>} : memref<80x128xf32, #tpu.memory_space<vmem>>, vector<1x16xf32>,
        %get3A_465 = arith.index_cast %scan3A_149 : i32 to index
        %get3A_466 = arith.constant 96 : index
        %get3A_467 = tpu.vector_load %arg20[%get3A_465, %get3A_466] {strides = array<i32>} : memref<80x128xf32, #tpu.memory_space<vmem>>, vector<1x16xf32>,
        %get3A_468 = vector.shape_cast %get3A_467 : vector<1x16xf32> to vector<16xf32>
        %mul3A_469 = arith.mulf %get3A_468, %exp3A : vector<16xf32>
        %swap3A_470 = arith.index_cast %scan3A_149 : i32 to index
        %swap3A_471 = arith.constant 96 : index
        %swap3A_472 = tpu.vector_load %arg21[%swap3A_470, %swap3A_471] {strides = array<i32>} : memref<80x128xf32, #tpu.memory_space<vmem>>, vector<1x16xf32>,
        %swap3A_473 = vector.shape_cast %swap3A_472 : vector<1x16xf32> to vector<16xf32>
        %swap3A_474 = vector.shape_cast %mul3A_469 : vector<16xf32> to vector<1x16xf32>
        tpu.vector_store %arg21[%swap3A_470, %swap3A_471], %swap3A_474 {strides = array<i32>} : memref<80x128xf32, #tpu.memory_space<vmem>>, vector<1x16xf32>,
        %get3A_475 = arith.index_cast %scan3A_149 : i32 to index
        %get3A_476 = arith.constant 112 : index
        %get3A_477 = tpu.vector_load %arg20[%get3A_475, %get3A_476] {strides = array<i32>} : memref<80x128xf32, #tpu.memory_space<vmem>>, vector<1x16xf32>,
        %get3A_478 = vector.shape_cast %get3A_477 : vector<1x16xf32> to vector<16xf32>
        %mul3A_479 = arith.mulf %get3A_478, %exp3A : vector<16xf32>
        %swap3A_480 = arith.index_cast %scan3A_149 : i32 to index
        %swap3A_481 = arith.constant 112 : index
        %swap3A_482 = tpu.vector_load %arg21[%swap3A_480, %swap3A_481] {strides = array<i32>} : memref<80x128xf32, #tpu.memory_space<vmem>>, vector<1x16xf32>,
        %swap3A_483 = vector.shape_cast %swap3A_482 : vector<1x16xf32> to vector<16xf32>
        %swap3A_484 = vector.shape_cast %mul3A_479 : vector<16xf32> to vector<1x16xf32>
        tpu.vector_store %arg21[%swap3A_480, %swap3A_481], %swap3A_484 {strides = array<i32>} : memref<80x128xf32, #tpu.memory_space<vmem>>, vector<1x16xf32>,
      }
      %scan3A_148 = arith.constant 80 : i32
      "tpu.region"() ({
        %run_scoped3A_149 = tpu.sem_alloc : memref<!tpu.dma_semaphore, #tpu.memory_space<semaphore_mem>>
        %dma_start3A_150 = arith.constant 0 : i32
        %dma_start3A_151 = arith.constant 0 : i32
        %dma_start3A_152 = tpu.memref_slice %arg26[%dma_start3A_150, %dma_start3A_151] : memref<5008x128xf32, #tpu.memory_space<vmem_shared>> -> memref<5008x128xf32, #tpu.memory_space<vmem_shared>>
        tpu.enqueue_indirect_dma source(%arg21 : memref<80x128xf32, #tpu.memory_space<vmem>>) target(%dma_start3A_152 : memref<5008x128xf32, #tpu.memory_space<vmem_shared>>) offsets(%arg19 : memref<80xi32, #tpu.memory_space<vmem>>) semaphore(%run_scoped3A_149 : memref<!tpu.dma_semaphore, #tpu.memory_space<semaphore_mem>>) {add = true}
        %dma_wait3A_153 = arith.constant 0 : i32
        %dma_wait3A_154 = arith.constant 0 : i32
        %dma_wait3A_155 = tpu.memref_slice %arg26[%dma_wait3A_153, %dma_wait3A_154] : memref<5008x128xf32, #tpu.memory_space<vmem_shared>> -> memref<5008x128xf32, #tpu.memory_space<vmem_shared>>
        tpu.wait_indirect_dma semaphore(%run_scoped3A_149 : memref<!tpu.dma_semaphore, #tpu.memory_space<semaphore_mem>>) src(%arg21 : memref<80x128xf32, #tpu.memory_space<vmem>>) dst(%dma_wait3A_155 : memref<5008x128xf32, #tpu.memory_space<vmem_shared>>)
        tpu.yield
      }) : () -> ()
      "tpu.region"() ({
        %run_scoped3A_149 = tpu.sem_alloc : memref<!tpu.dma_semaphore, #tpu.memory_space<semaphore_mem>>
        %dma_start3A_150 = arith.constant 0 : i32
        %dma_start3A_151 = arith.constant 0 : i32
        %dma_start3A_152 = tpu.memref_slice %arg27[%dma_start3A_150, %dma_start3A_151] : memref<5008x128xf32, #tpu.memory_space<vmem_shared>> -> memref<5008x128xf32, #tpu.memory_space<vmem_shared>>
        tpu.enqueue_indirect_dma source(%arg22 : memref<80x128xf32, #tpu.memory_space<vmem>>) target(%dma_start3A_152 : memref<5008x128xf32, #tpu.memory_space<vmem_shared>>) offsets(%arg19 : memref<80xi32, #tpu.memory_space<vmem>>) semaphore(%run_scoped3A_149 : memref<!tpu.dma_semaphore, #tpu.memory_space<semaphore_mem>>) {add = true}
        %dma_wait3A_153 = arith.constant 0 : i32
        %dma_wait3A_154 = arith.constant 0 : i32
        %dma_wait3A_155 = tpu.memref_slice %arg27[%dma_wait3A_153, %dma_wait3A_154] : memref<5008x128xf32, #tpu.memory_space<vmem_shared>> -> memref<5008x128xf32, #tpu.memory_space<vmem_shared>>
        tpu.wait_indirect_dma semaphore(%run_scoped3A_149 : memref<!tpu.dma_semaphore, #tpu.memory_space<semaphore_mem>>) src(%arg22 : memref<80x128xf32, #tpu.memory_space<vmem>>) dst(%dma_wait3A_155 : memref<5008x128xf32, #tpu.memory_space<vmem_shared>>)
        tpu.yield
      }) : () -> ()
    }
    %scan3A_15 = arith.constant 250 : i32
    %barrier3A_16 = arith.constant 0 : index
    tpu.barrier barrier_id(%barrier3A_16)
    %run_scoped3A_17 = arith.constant 1 : i32
    "tpu.region"() ({
      %run_scoped3A_42 = tpu.sem_alloc : memref<!tpu.dma_semaphore, #tpu.memory_space<semaphore_mem>>
      %dma_start3A = arith.constant 0 : i32
      %dma_start3A_43 = tpu.memref_slice %arg15[%run_scoped3A_17, %mul3A_0, %dma_start3A] : memref<4x10000x128xf32, #tpu.memory_space<hbm>> -> memref<1x5000x128xf32, #tpu.memory_space<hbm>>
      %dma_start3A_44 = tpu.memref_squeeze %dma_start3A_43 : memref<1x5000x128xf32, #tpu.memory_space<hbm>> -> memref<5000x128xf32, #tpu.memory_space<hbm>>
      %dma_start3A_45 = arith.constant 0 : i32
      %dma_start3A_46 = arith.constant 0 : i32
      %dma_start3A_47 = tpu.memref_slice %arg26[%dma_start3A_45, %dma_start3A_46] : memref<5008x128xf32, #tpu.memory_space<vmem_shared>> -> memref<5000x128xf32, #tpu.memory_space<vmem_shared>>
      tpu.enqueue_dma source(%dma_start3A_47 : memref<5000x128xf32, #tpu.memory_space<vmem_shared>>) target(%dma_start3A_44 : memref<5000x128xf32, #tpu.memory_space<hbm>>) target_semaphore(%run_scoped3A_42 : memref<!tpu.dma_semaphore, #tpu.memory_space<semaphore_mem>>)
      %dma_wait3A = arith.constant 0 : i32
      %dma_wait3A_48 = tpu.memref_slice %arg15[%run_scoped3A_17, %mul3A_0, %dma_wait3A] : memref<4x10000x128xf32, #tpu.memory_space<hbm>> -> memref<1x5000x128xf32, #tpu.memory_space<hbm>>
      %dma_wait3A_49 = tpu.memref_squeeze %dma_wait3A_48 : memref<1x5000x128xf32, #tpu.memory_space<hbm>> -> memref<5000x128xf32, #tpu.memory_space<hbm>>
      %dma_wait3A_50 = arith.constant 0 : i32
      %dma_wait3A_51 = arith.constant 0 : i32
      %dma_wait3A_52 = tpu.memref_slice %arg26[%dma_wait3A_50, %dma_wait3A_51] : memref<5008x128xf32, #tpu.memory_space<vmem_shared>> -> memref<5000x128xf32, #tpu.memory_space<vmem_shared>>
      tpu.wait_dma2 semaphore(%run_scoped3A_42 : memref<!tpu.dma_semaphore, #tpu.memory_space<semaphore_mem>>) src(%dma_wait3A_52 : memref<5000x128xf32, #tpu.memory_space<vmem_shared>>) dst(%dma_wait3A_49 : memref<5000x128xf32, #tpu.memory_space<hbm>>)
      tpu.yield
    }) : () -> ()
    %run_scoped3A_18 = arith.constant 1 : i32
    "tpu.region"() ({
      %run_scoped3A_42 = tpu.sem_alloc : memref<!tpu.dma_semaphore, #tpu.memory_space<semaphore_mem>>
      %dma_start3A = arith.constant 0 : i32
      %dma_start3A_43 = tpu.memref_slice %arg16[%run_scoped3A_18, %mul3A_0, %dma_start3A] : memref<4x10000x128xf32, #tpu.memory_space<hbm>> -> memref<1x5000x128xf32, #tpu.memory_space<hbm>>
      %dma_start3A_44 = tpu.memref_squeeze %dma_start3A_43 : memref<1x5000x128xf32, #tpu.memory_space<hbm>> -> memref<5000x128xf32, #tpu.memory_space<hbm>>
      %dma_start3A_45 = arith.constant 0 : i32
      %dma_start3A_46 = arith.constant 0 : i32
      %dma_start3A_47 = tpu.memref_slice %arg27[%dma_start3A_45, %dma_start3A_46] : memref<5008x128xf32, #tpu.memory_space<vmem_shared>> -> memref<5000x128xf32, #tpu.memory_space<vmem_shared>>
      tpu.enqueue_dma source(%dma_start3A_47 : memref<5000x128xf32, #tpu.memory_space<vmem_shared>>) target(%dma_start3A_44 : memref<5000x128xf32, #tpu.memory_space<hbm>>) target_semaphore(%run_scoped3A_42 : memref<!tpu.dma_semaphore, #tpu.memory_space<semaphore_mem>>)
      %dma_wait3A = arith.constant 0 : i32
      %dma_wait3A_48 = tpu.memref_slice %arg16[%run_scoped3A_18, %mul3A_0, %dma_wait3A] : memref<4x10000x128xf32, #tpu.memory_space<hbm>> -> memref<1x5000x128xf32, #tpu.memory_space<hbm>>
      %dma_wait3A_49 = tpu.memref_squeeze %dma_wait3A_48 : memref<1x5000x128xf32, #tpu.memory_space<hbm>> -> memref<5000x128xf32, #tpu.memory_space<hbm>>
      %dma_wait3A_50 = arith.constant 0 : i32
      %dma_wait3A_51 = arith.constant 0 : i32
      %dma_wait3A_52 = tpu.memref_slice %arg27[%dma_wait3A_50, %dma_wait3A_51] : memref<5008x128xf32, #tpu.memory_space<vmem_shared>> -> memref<5000x128xf32, #tpu.memory_space<vmem_shared>>
      tpu.wait_dma2 semaphore(%run_scoped3A_42 : memref<!tpu.dma_semaphore, #tpu.memory_space<semaphore_mem>>) src(%dma_wait3A_52 : memref<5000x128xf32, #tpu.memory_space<vmem_shared>>) dst(%dma_wait3A_49 : memref<5000x128xf32, #tpu.memory_space<hbm>>)
      tpu.yield
    }) : () -> ()
    %barrier3A_19 = arith.constant 0 : index
    tpu.barrier barrier_id(%barrier3A_19)
    "tpu.region"() ({
      %run_scoped3A_42 = tpu.sem_alloc : memref<!tpu.dma_semaphore, #tpu.memory_space<semaphore_mem>>
      tpu.enqueue_dma source(%arg5 : memref<5008x128xf32, #tpu.memory_space<hbm>>) target(%arg26 : memref<5008x128xf32, #tpu.memory_space<vmem_shared>>) target_semaphore(%run_scoped3A_42 : memref<!tpu.dma_semaphore, #tpu.memory_space<semaphore_mem>>)
      tpu.wait_dma2 semaphore(%run_scoped3A_42 : memref<!tpu.dma_semaphore, #tpu.memory_space<semaphore_mem>>) src(%arg5 : memref<5008x128xf32, #tpu.memory_space<hbm>>) dst(%arg26 : memref<5008x128xf32, #tpu.memory_space<vmem_shared>>)
      tpu.yield
    }) : () -> ()
    "tpu.region"() ({
      %run_scoped3A_42 = tpu.sem_alloc : memref<!tpu.dma_semaphore, #tpu.memory_space<semaphore_mem>>
      tpu.enqueue_dma source(%arg6 : memref<5008x128xf32, #tpu.memory_space<hbm>>) target(%arg27 : memref<5008x128xf32, #tpu.memory_space<vmem_shared>>) target_semaphore(%run_scoped3A_42 : memref<!tpu.dma_semaphore, #tpu.memory_space<semaphore_mem>>)
      tpu.wait_dma2 semaphore(%run_scoped3A_42 : memref<!tpu.dma_semaphore, #tpu.memory_space<semaphore_mem>>) src(%arg6 : memref<5008x128xf32, #tpu.memory_space<hbm>>) dst(%arg27 : memref<5008x128xf32, #tpu.memory_space<vmem_shared>>)
      tpu.yield
    }) : () -> ()
    %barrier3A_20 = arith.constant 0 : index
    tpu.barrier barrier_id(%barrier3A_20)
    %scan3A_21 = arith.constant 0 : i32
    %scan3A_22 = arith.constant 0 : i32
    %scan3A_23 = arith.constant 250 : i32
    %scan3A_24 = arith.addi %scan3A_22, %scan3A_23 : i32
    %scan3A_25 = arith.constant 1 : i32
    scf.for %scan3A_42 = %scan3A_22 to %scan3A_24 step %scan3A_25  : i32 {
      %mul3A_43 = arith.constant 20000 : i32
      %mul3A_44 = arith.muli %arg1, %mul3A_43 : i32
      %mul3A_45 = arith.constant 80 : i32
      %mul3A_46 = arith.muli %scan3A_42, %mul3A_45 : i32
      %add3A = arith.addi %mul3A_44, %mul3A_46 : i32
      "tpu.region"() ({
        %run_scoped3A_149 = tpu.sem_alloc : memref<!tpu.dma_semaphore, #tpu.memory_space<semaphore_mem>>
        %dma_start3A_150 = tpu.memref_slice %arg2[%add3A] : memref<320000xi32, #tpu.memory_space<hbm>> -> memref<80xi32, #tpu.memory_space<hbm>>
        %dma_start3A_151 = tpu.memref_slice %arg2[%add3A] : memref<320000xi32, #tpu.memory_space<hbm>> -> memref<80xi32, #tpu.memory_space<hbm>>
        tpu.enqueue_dma source(%dma_start3A_151 : memref<80xi32, #tpu.memory_space<hbm>>) target(%arg17 : memref<80xi32, #tpu.memory_space<vmem>>) target_semaphore(%run_scoped3A_149 : memref<!tpu.dma_semaphore, #tpu.memory_space<semaphore_mem>>)
        %dma_wait3A_152 = tpu.memref_slice %arg2[%add3A] : memref<320000xi32, #tpu.memory_space<hbm>> -> memref<80xi32, #tpu.memory_space<hbm>>
        %dma_wait3A_153 = tpu.memref_slice %arg2[%add3A] : memref<320000xi32, #tpu.memory_space<hbm>> -> memref<80xi32, #tpu.memory_space<hbm>>
        tpu.wait_dma2 semaphore(%run_scoped3A_149 : memref<!tpu.dma_semaphore, #tpu.memory_space<semaphore_mem>>) src(%dma_wait3A_153 : memref<80xi32, #tpu.memory_space<hbm>>) dst(%arg17 : memref<80xi32, #tpu.memory_space<vmem>>)
        tpu.yield
      }) : () -> ()
      "tpu.region"() ({
        %run_scoped3A_149 = tpu.sem_alloc : memref<!tpu.dma_semaphore, #tpu.memory_space<semaphore_mem>>
        %dma_start3A_150 = tpu.memref_slice %arg3[%add3A] : memref<320000xi32, #tpu.memory_space<hbm>> -> memref<80xi32, #tpu.memory_space<hbm>>
        %dma_start3A_151 = tpu.memref_slice %arg3[%add3A] : memref<320000xi32, #tpu.memory_space<hbm>> -> memref<80xi32, #tpu.memory_space<hbm>>
        tpu.enqueue_dma source(%dma_start3A_151 : memref<80xi32, #tpu.memory_space<hbm>>) target(%arg18 : memref<80xi32, #tpu.memory_space<vmem>>) target_semaphore(%run_scoped3A_149 : memref<!tpu.dma_semaphore, #tpu.memory_space<semaphore_mem>>)
        %dma_wait3A_152 = tpu.memref_slice %arg3[%add3A] : memref<320000xi32, #tpu.memory_space<hbm>> -> memref<80xi32, #tpu.memory_space<hbm>>
        %dma_wait3A_153 = tpu.memref_slice %arg3[%add3A] : memref<320000xi32, #tpu.memory_space<hbm>> -> memref<80xi32, #tpu.memory_space<hbm>>
        tpu.wait_dma2 semaphore(%run_scoped3A_149 : memref<!tpu.dma_semaphore, #tpu.memory_space<semaphore_mem>>) src(%dma_wait3A_153 : memref<80xi32, #tpu.memory_space<hbm>>) dst(%arg18 : memref<80xi32, #tpu.memory_space<vmem>>)
        tpu.yield
      }) : () -> ()
      %dma_start3A = arith.constant 0 : i32
      %dma_start3A_47 = arith.constant 0 : i32
      %dma_start3A_48 = tpu.memref_slice %arg9[%dma_start3A, %dma_start3A_47] : memref<10000x128xf32, #tpu.memory_space<hbm>> -> memref<10000x128xf32, #tpu.memory_space<hbm>>
      tpu.enqueue_indirect_dma source(%dma_start3A_48 : memref<10000x128xf32, #tpu.memory_space<hbm>>) target(%arg20 : memref<80x128xf32, #tpu.memory_space<vmem>>) offsets(%arg17 : memref<80xi32, #tpu.memory_space<vmem>>) semaphore(%arg24 : memref<!tpu.dma_semaphore, #tpu.memory_space<semaphore_mem>>)
      %dma_start3A_49 = arith.constant 0 : i32
      %dma_start3A_50 = arith.constant 0 : i32
      %dma_start3A_51 = tpu.memref_slice %arg13[%dma_start3A_49, %dma_start3A_50] : memref<10000x128xf32, #tpu.memory_space<hbm>> -> memref<10000x128xf32, #tpu.memory_space<hbm>>
      tpu.enqueue_indirect_dma source(%dma_start3A_51 : memref<10000x128xf32, #tpu.memory_space<hbm>>) target(%arg21 : memref<80x128xf32, #tpu.memory_space<vmem>>) offsets(%arg18 : memref<80xi32, #tpu.memory_space<vmem>>) semaphore(%arg25 : memref<!tpu.dma_semaphore, #tpu.memory_space<semaphore_mem>>)
      %dma_wait3A = arith.constant 0 : i32
      %dma_wait3A_52 = arith.constant 0 : i32
      %dma_wait3A_53 = tpu.memref_slice %arg9[%dma_wait3A, %dma_wait3A_52] : memref<10000x128xf32, #tpu.memory_space<hbm>> -> memref<10000x128xf32, #tpu.memory_space<hbm>>
      tpu.wait_indirect_dma semaphore(%arg24 : memref<!tpu.dma_semaphore, #tpu.memory_space<semaphore_mem>>) src(%dma_wait3A_53 : memref<10000x128xf32, #tpu.memory_space<hbm>>) dst(%arg20 : memref<80x128xf32, #tpu.memory_space<vmem>>)
      %dma_wait3A_54 = arith.constant 0 : i32
      %dma_wait3A_55 = arith.constant 0 : i32
      %dma_wait3A_56 = tpu.memref_slice %arg13[%dma_wait3A_54, %dma_wait3A_55] : memref<10000x128xf32, #tpu.memory_space<hbm>> -> memref<10000x128xf32, #tpu.memory_space<hbm>>
      tpu.wait_indirect_dma semaphore(%arg25 : memref<!tpu.dma_semaphore, #tpu.memory_space<semaphore_mem>>) src(%dma_wait3A_56 : memref<10000x128xf32, #tpu.memory_space<hbm>>) dst(%arg21 : memref<80x128xf32, #tpu.memory_space<vmem>>)
      %get3A = arith.constant 0 : index
      %get3A_57 = tpu.vector_load %arg18[%get3A] {strides = array<i32>} : memref<80xi32, #tpu.memory_space<vmem>>, vector<16xi32>,
      %get3A_58 = vector.shape_cast %get3A_57 : vector<16xi32> to vector<16xi32>
      %sub3A = vector.broadcast %mul3A_0 : i32 to vector<16xi32>
      %sub3A_59 = arith.subi %get3A_58, %sub3A : vector<16xi32>
      %lt3A = arith.constant 0 : i32
      %lt3A_60 = vector.broadcast %lt3A : i32 to vector<16xi32>
      %lt3A_61 = arith.cmpi slt, %sub3A_59, %lt3A_60 : vector<16xi32>
      %ge3A = arith.constant 5000 : i32
      %ge3A_62 = vector.broadcast %ge3A : i32 to vector<16xi32>
      %ge3A_63 = arith.cmpi sge, %sub3A_59, %ge3A_62 : vector<16xi32>
      %or3A = arith.ori %lt3A_61, %ge3A_63 : vector<16xi1>
      %jit3A = arith.constant 5000 : i32
      %broadcast_in_dim3A = vector.broadcast %jit3A : i32 to vector<16xi32>
      %select_n3A = arith.select %or3A, %broadcast_in_dim3A, %sub3A_59 : vector<16xi1>, vector<16xi32>
      %swap3A = arith.constant 0 : index
      %swap3A_64 = tpu.vector_load %arg19[%swap3A] {strides = array<i32>} : memref<80xi32, #tpu.memory_space<vmem>>, vector<16xi32>,
      %swap3A_65 = vector.shape_cast %swap3A_64 : vector<16xi32> to vector<16xi32>
      %swap3A_66 = vector.shape_cast %select_n3A : vector<16xi32> to vector<16xi32>
      tpu.vector_store %arg19[%swap3A], %swap3A_66 {strides = array<i32>} : memref<80xi32, #tpu.memory_space<vmem>>, vector<16xi32>,
      %get3A_67 = arith.constant 16 : index
      %get3A_68 = tpu.vector_load %arg18[%get3A_67] {strides = array<i32>} : memref<80xi32, #tpu.memory_space<vmem>>, vector<16xi32>,
      %get3A_69 = vector.shape_cast %get3A_68 : vector<16xi32> to vector<16xi32>
      %sub3A_70 = vector.broadcast %mul3A_0 : i32 to vector<16xi32>
      %sub3A_71 = arith.subi %get3A_69, %sub3A_70 : vector<16xi32>
      %lt3A_72 = arith.constant 0 : i32
      %lt3A_73 = vector.broadcast %lt3A_72 : i32 to vector<16xi32>
      %lt3A_74 = arith.cmpi slt, %sub3A_71, %lt3A_73 : vector<16xi32>
      %ge3A_75 = arith.constant 5000 : i32
      %ge3A_76 = vector.broadcast %ge3A_75 : i32 to vector<16xi32>
      %ge3A_77 = arith.cmpi sge, %sub3A_71, %ge3A_76 : vector<16xi32>
      %or3A_78 = arith.ori %lt3A_74, %ge3A_77 : vector<16xi1>
      %jit3A_79 = arith.constant 5000 : i32
      %broadcast_in_dim3A_80 = vector.broadcast %jit3A_79 : i32 to vector<16xi32>
      %select_n3A_81 = arith.select %or3A_78, %broadcast_in_dim3A_80, %sub3A_71 : vector<16xi1>, vector<16xi32>
      %swap3A_82 = arith.constant 16 : index
      %swap3A_83 = tpu.vector_load %arg19[%swap3A_82] {strides = array<i32>} : memref<80xi32, #tpu.memory_space<vmem>>, vector<16xi32>,
      %swap3A_84 = vector.shape_cast %swap3A_83 : vector<16xi32> to vector<16xi32>
      %swap3A_85 = vector.shape_cast %select_n3A_81 : vector<16xi32> to vector<16xi32>
      tpu.vector_store %arg19[%swap3A_82], %swap3A_85 {strides = array<i32>} : memref<80xi32, #tpu.memory_space<vmem>>, vector<16xi32>,
      %get3A_86 = arith.constant 32 : index
      %get3A_87 = tpu.vector_load %arg18[%get3A_86] {strides = array<i32>} : memref<80xi32, #tpu.memory_space<vmem>>, vector<16xi32>,
      %get3A_88 = vector.shape_cast %get3A_87 : vector<16xi32> to vector<16xi32>
      %sub3A_89 = vector.broadcast %mul3A_0 : i32 to vector<16xi32>
      %sub3A_90 = arith.subi %get3A_88, %sub3A_89 : vector<16xi32>
      %lt3A_91 = arith.constant 0 : i32
      %lt3A_92 = vector.broadcast %lt3A_91 : i32 to vector<16xi32>
      %lt3A_93 = arith.cmpi slt, %sub3A_90, %lt3A_92 : vector<16xi32>
      %ge3A_94 = arith.constant 5000 : i32
      %ge3A_95 = vector.broadcast %ge3A_94 : i32 to vector<16xi32>
      %ge3A_96 = arith.cmpi sge, %sub3A_90, %ge3A_95 : vector<16xi32>
      %or3A_97 = arith.ori %lt3A_93, %ge3A_96 : vector<16xi1>
      %jit3A_98 = arith.constant 5000 : i32
      %broadcast_in_dim3A_99 = vector.broadcast %jit3A_98 : i32 to vector<16xi32>
      %select_n3A_100 = arith.select %or3A_97, %broadcast_in_dim3A_99, %sub3A_90 : vector<16xi1>, vector<16xi32>
      %swap3A_101 = arith.constant 32 : index
      %swap3A_102 = tpu.vector_load %arg19[%swap3A_101] {strides = array<i32>} : memref<80xi32, #tpu.memory_space<vmem>>, vector<16xi32>,
      %swap3A_103 = vector.shape_cast %swap3A_102 : vector<16xi32> to vector<16xi32>
      %swap3A_104 = vector.shape_cast %select_n3A_100 : vector<16xi32> to vector<16xi32>
      tpu.vector_store %arg19[%swap3A_101], %swap3A_104 {strides = array<i32>} : memref<80xi32, #tpu.memory_space<vmem>>, vector<16xi32>,
      %get3A_105 = arith.constant 48 : index
      %get3A_106 = tpu.vector_load %arg18[%get3A_105] {strides = array<i32>} : memref<80xi32, #tpu.memory_space<vmem>>, vector<16xi32>,
      %get3A_107 = vector.shape_cast %get3A_106 : vector<16xi32> to vector<16xi32>
      %sub3A_108 = vector.broadcast %mul3A_0 : i32 to vector<16xi32>
      %sub3A_109 = arith.subi %get3A_107, %sub3A_108 : vector<16xi32>
      %lt3A_110 = arith.constant 0 : i32
      %lt3A_111 = vector.broadcast %lt3A_110 : i32 to vector<16xi32>
      %lt3A_112 = arith.cmpi slt, %sub3A_109, %lt3A_111 : vector<16xi32>
      %ge3A_113 = arith.constant 5000 : i32
      %ge3A_114 = vector.broadcast %ge3A_113 : i32 to vector<16xi32>
      %ge3A_115 = arith.cmpi sge, %sub3A_109, %ge3A_114 : vector<16xi32>
      %or3A_116 = arith.ori %lt3A_112, %ge3A_115 : vector<16xi1>
      %jit3A_117 = arith.constant 5000 : i32
      %broadcast_in_dim3A_118 = vector.broadcast %jit3A_117 : i32 to vector<16xi32>
      %select_n3A_119 = arith.select %or3A_116, %broadcast_in_dim3A_118, %sub3A_109 : vector<16xi1>, vector<16xi32>
      %swap3A_120 = arith.constant 48 : index
      %swap3A_121 = tpu.vector_load %arg19[%swap3A_120] {strides = array<i32>} : memref<80xi32, #tpu.memory_space<vmem>>, vector<16xi32>,
      %swap3A_122 = vector.shape_cast %swap3A_121 : vector<16xi32> to vector<16xi32>
      %swap3A_123 = vector.shape_cast %select_n3A_119 : vector<16xi32> to vector<16xi32>
      tpu.vector_store %arg19[%swap3A_120], %swap3A_123 {strides = array<i32>} : memref<80xi32, #tpu.memory_space<vmem>>, vector<16xi32>,
      %get3A_124 = arith.constant 64 : index
      %get3A_125 = tpu.vector_load %arg18[%get3A_124] {strides = array<i32>} : memref<80xi32, #tpu.memory_space<vmem>>, vector<16xi32>,
      %get3A_126 = vector.shape_cast %get3A_125 : vector<16xi32> to vector<16xi32>
      %sub3A_127 = vector.broadcast %mul3A_0 : i32 to vector<16xi32>
      %sub3A_128 = arith.subi %get3A_126, %sub3A_127 : vector<16xi32>
      %lt3A_129 = arith.constant 0 : i32
      %lt3A_130 = vector.broadcast %lt3A_129 : i32 to vector<16xi32>
      %lt3A_131 = arith.cmpi slt, %sub3A_128, %lt3A_130 : vector<16xi32>
      %ge3A_132 = arith.constant 5000 : i32
      %ge3A_133 = vector.broadcast %ge3A_132 : i32 to vector<16xi32>
      %ge3A_134 = arith.cmpi sge, %sub3A_128, %ge3A_133 : vector<16xi32>
      %or3A_135 = arith.ori %lt3A_131, %ge3A_134 : vector<16xi1>
      %jit3A_136 = arith.constant 5000 : i32
      %broadcast_in_dim3A_137 = vector.broadcast %jit3A_136 : i32 to vector<16xi32>
      %select_n3A_138 = arith.select %or3A_135, %broadcast_in_dim3A_137, %sub3A_128 : vector<16xi1>, vector<16xi32>
      %swap3A_139 = arith.constant 64 : index
      %swap3A_140 = tpu.vector_load %arg19[%swap3A_139] {strides = array<i32>} : memref<80xi32, #tpu.memory_space<vmem>>, vector<16xi32>,
      %swap3A_141 = vector.shape_cast %swap3A_140 : vector<16xi32> to vector<16xi32>
      %swap3A_142 = vector.shape_cast %select_n3A_138 : vector<16xi32> to vector<16xi32>
      tpu.vector_store %arg19[%swap3A_139], %swap3A_142 {strides = array<i32>} : memref<80xi32, #tpu.memory_space<vmem>>, vector<16xi32>,
      %scan3A_143 = arith.constant 0 : i32
      %scan3A_144 = arith.constant 0 : i32
      %scan3A_145 = arith.constant 80 : i32
      %scan3A_146 = arith.addi %scan3A_144, %scan3A_145 : i32
      %scan3A_147 = arith.constant 1 : i32
      scf.for %scan3A_149 = %scan3A_144 to %scan3A_146 step %scan3A_147  : i32 {
        %broadcast_in_dim3A_150 = arith.constant 0.000000e+00 : f32
        %broadcast_in_dim3A_151 = vector.broadcast %broadcast_in_dim3A_150 : f32 to vector<16xf32>
        %get3A_152 = arith.index_cast %scan3A_149 : i32 to index
        %get3A_153 = arith.constant 0 : index
        %get3A_154 = tpu.vector_load %arg20[%get3A_152, %get3A_153] {strides = array<i32>} : memref<80x128xf32, #tpu.memory_space<vmem>>, vector<1x16xf32>,
        %get3A_155 = vector.shape_cast %get3A_154 : vector<1x16xf32> to vector<16xf32>
        %get3A_156 = arith.index_cast %scan3A_149 : i32 to index
        %get3A_157 = arith.constant 0 : index
        %get3A_158 = tpu.vector_load %arg21[%get3A_156, %get3A_157] {strides = array<i32>} : memref<80x128xf32, #tpu.memory_space<vmem>>, vector<1x16xf32>,
        %get3A_159 = vector.shape_cast %get3A_158 : vector<1x16xf32> to vector<16xf32>
        %add3A_160 = arith.addf %get3A_155, %get3A_159 : vector<16xf32>
        %mul3A_161 = arith.constant 2.000000e-01 : f32
        %mul3A_162 = vector.broadcast %mul3A_161 : f32 to vector<16xf32>
        %mul3A_163 = arith.mulf %mul3A_162, %add3A_160 : vector<16xf32>
        %max3A = arith.maximumf %add3A_160, %mul3A_163 : vector<16xf32>
        %get3A_164 = arith.constant 2 : i32
        %get3A_165 = arith.index_cast %get3A_164 : i32 to index
        %get3A_166 = arith.constant 0 : index
        %get3A_167 = tpu.vector_load %arg23[%get3A_165, %get3A_166] {strides = array<i32>} : memref<4x128xf32, #tpu.memory_space<vmem>>, vector<1x16xf32>,
        %get3A_168 = vector.shape_cast %get3A_167 : vector<1x16xf32> to vector<16xf32>
        %mul3A_169 = arith.mulf %get3A_168, %max3A : vector<16xf32>
        %add3A_170 = arith.addf %broadcast_in_dim3A_151, %mul3A_169 : vector<16xf32>
        %get3A_171 = arith.index_cast %scan3A_149 : i32 to index
        %get3A_172 = arith.constant 16 : index
        %get3A_173 = tpu.vector_load %arg20[%get3A_171, %get3A_172] {strides = array<i32>} : memref<80x128xf32, #tpu.memory_space<vmem>>, vector<1x16xf32>,
        %get3A_174 = vector.shape_cast %get3A_173 : vector<1x16xf32> to vector<16xf32>
        %get3A_175 = arith.index_cast %scan3A_149 : i32 to index
        %get3A_176 = arith.constant 16 : index
        %get3A_177 = tpu.vector_load %arg21[%get3A_175, %get3A_176] {strides = array<i32>} : memref<80x128xf32, #tpu.memory_space<vmem>>, vector<1x16xf32>,
        %get3A_178 = vector.shape_cast %get3A_177 : vector<1x16xf32> to vector<16xf32>
        %add3A_179 = arith.addf %get3A_174, %get3A_178 : vector<16xf32>
        %mul3A_180 = arith.constant 2.000000e-01 : f32
        %mul3A_181 = vector.broadcast %mul3A_180 : f32 to vector<16xf32>
        %mul3A_182 = arith.mulf %mul3A_181, %add3A_179 : vector<16xf32>
        %max3A_183 = arith.maximumf %add3A_179, %mul3A_182 : vector<16xf32>
        %get3A_184 = arith.constant 2 : i32
        %get3A_185 = arith.index_cast %get3A_184 : i32 to index
        %get3A_186 = arith.constant 16 : index
        %get3A_187 = tpu.vector_load %arg23[%get3A_185, %get3A_186] {strides = array<i32>} : memref<4x128xf32, #tpu.memory_space<vmem>>, vector<1x16xf32>,
        %get3A_188 = vector.shape_cast %get3A_187 : vector<1x16xf32> to vector<16xf32>
        %mul3A_189 = arith.mulf %get3A_188, %max3A_183 : vector<16xf32>
        %add3A_190 = arith.addf %add3A_170, %mul3A_189 : vector<16xf32>
        %get3A_191 = arith.index_cast %scan3A_149 : i32 to index
        %get3A_192 = arith.constant 32 : index
        %get3A_193 = tpu.vector_load %arg20[%get3A_191, %get3A_192] {strides = array<i32>} : memref<80x128xf32, #tpu.memory_space<vmem>>, vector<1x16xf32>,
        %get3A_194 = vector.shape_cast %get3A_193 : vector<1x16xf32> to vector<16xf32>
        %get3A_195 = arith.index_cast %scan3A_149 : i32 to index
        %get3A_196 = arith.constant 32 : index
        %get3A_197 = tpu.vector_load %arg21[%get3A_195, %get3A_196] {strides = array<i32>} : memref<80x128xf32, #tpu.memory_space<vmem>>, vector<1x16xf32>,
        %get3A_198 = vector.shape_cast %get3A_197 : vector<1x16xf32> to vector<16xf32>
        %add3A_199 = arith.addf %get3A_194, %get3A_198 : vector<16xf32>
        %mul3A_200 = arith.constant 2.000000e-01 : f32
        %mul3A_201 = vector.broadcast %mul3A_200 : f32 to vector<16xf32>
        %mul3A_202 = arith.mulf %mul3A_201, %add3A_199 : vector<16xf32>
        %max3A_203 = arith.maximumf %add3A_199, %mul3A_202 : vector<16xf32>
        %get3A_204 = arith.constant 2 : i32
        %get3A_205 = arith.index_cast %get3A_204 : i32 to index
        %get3A_206 = arith.constant 32 : index
        %get3A_207 = tpu.vector_load %arg23[%get3A_205, %get3A_206] {strides = array<i32>} : memref<4x128xf32, #tpu.memory_space<vmem>>, vector<1x16xf32>,
        %get3A_208 = vector.shape_cast %get3A_207 : vector<1x16xf32> to vector<16xf32>
        %mul3A_209 = arith.mulf %get3A_208, %max3A_203 : vector<16xf32>
        %add3A_210 = arith.addf %add3A_190, %mul3A_209 : vector<16xf32>
        %get3A_211 = arith.index_cast %scan3A_149 : i32 to index
        %get3A_212 = arith.constant 48 : index
        %get3A_213 = tpu.vector_load %arg20[%get3A_211, %get3A_212] {strides = array<i32>} : memref<80x128xf32, #tpu.memory_space<vmem>>, vector<1x16xf32>,
        %get3A_214 = vector.shape_cast %get3A_213 : vector<1x16xf32> to vector<16xf32>
        %get3A_215 = arith.index_cast %scan3A_149 : i32 to index
        %get3A_216 = arith.constant 48 : index
        %get3A_217 = tpu.vector_load %arg21[%get3A_215, %get3A_216] {strides = array<i32>} : memref<80x128xf32, #tpu.memory_space<vmem>>, vector<1x16xf32>,
        %get3A_218 = vector.shape_cast %get3A_217 : vector<1x16xf32> to vector<16xf32>
        %add3A_219 = arith.addf %get3A_214, %get3A_218 : vector<16xf32>
        %mul3A_220 = arith.constant 2.000000e-01 : f32
        %mul3A_221 = vector.broadcast %mul3A_220 : f32 to vector<16xf32>
        %mul3A_222 = arith.mulf %mul3A_221, %add3A_219 : vector<16xf32>
        %max3A_223 = arith.maximumf %add3A_219, %mul3A_222 : vector<16xf32>
        %get3A_224 = arith.constant 2 : i32
        %get3A_225 = arith.index_cast %get3A_224 : i32 to index
        %get3A_226 = arith.constant 48 : index
        %get3A_227 = tpu.vector_load %arg23[%get3A_225, %get3A_226] {strides = array<i32>} : memref<4x128xf32, #tpu.memory_space<vmem>>, vector<1x16xf32>,
        %get3A_228 = vector.shape_cast %get3A_227 : vector<1x16xf32> to vector<16xf32>
        %mul3A_229 = arith.mulf %get3A_228, %max3A_223 : vector<16xf32>
        %add3A_230 = arith.addf %add3A_210, %mul3A_229 : vector<16xf32>
        %get3A_231 = arith.index_cast %scan3A_149 : i32 to index
        %get3A_232 = arith.constant 64 : index
        %get3A_233 = tpu.vector_load %arg20[%get3A_231, %get3A_232] {strides = array<i32>} : memref<80x128xf32, #tpu.memory_space<vmem>>, vector<1x16xf32>,
        %get3A_234 = vector.shape_cast %get3A_233 : vector<1x16xf32> to vector<16xf32>
        %get3A_235 = arith.index_cast %scan3A_149 : i32 to index
        %get3A_236 = arith.constant 64 : index
        %get3A_237 = tpu.vector_load %arg21[%get3A_235, %get3A_236] {strides = array<i32>} : memref<80x128xf32, #tpu.memory_space<vmem>>, vector<1x16xf32>,
        %get3A_238 = vector.shape_cast %get3A_237 : vector<1x16xf32> to vector<16xf32>
        %add3A_239 = arith.addf %get3A_234, %get3A_238 : vector<16xf32>
        %mul3A_240 = arith.constant 2.000000e-01 : f32
        %mul3A_241 = vector.broadcast %mul3A_240 : f32 to vector<16xf32>
        %mul3A_242 = arith.mulf %mul3A_241, %add3A_239 : vector<16xf32>
        %max3A_243 = arith.maximumf %add3A_239, %mul3A_242 : vector<16xf32>
        %get3A_244 = arith.constant 2 : i32
        %get3A_245 = arith.index_cast %get3A_244 : i32 to index
        %get3A_246 = arith.constant 64 : index
        %get3A_247 = tpu.vector_load %arg23[%get3A_245, %get3A_246] {strides = array<i32>} : memref<4x128xf32, #tpu.memory_space<vmem>>, vector<1x16xf32>,
        %get3A_248 = vector.shape_cast %get3A_247 : vector<1x16xf32> to vector<16xf32>
        %mul3A_249 = arith.mulf %get3A_248, %max3A_243 : vector<16xf32>
        %add3A_250 = arith.addf %add3A_230, %mul3A_249 : vector<16xf32>
        %get3A_251 = arith.index_cast %scan3A_149 : i32 to index
        %get3A_252 = arith.constant 80 : index
        %get3A_253 = tpu.vector_load %arg20[%get3A_251, %get3A_252] {strides = array<i32>} : memref<80x128xf32, #tpu.memory_space<vmem>>, vector<1x16xf32>,
        %get3A_254 = vector.shape_cast %get3A_253 : vector<1x16xf32> to vector<16xf32>
        %get3A_255 = arith.index_cast %scan3A_149 : i32 to index
        %get3A_256 = arith.constant 80 : index
        %get3A_257 = tpu.vector_load %arg21[%get3A_255, %get3A_256] {strides = array<i32>} : memref<80x128xf32, #tpu.memory_space<vmem>>, vector<1x16xf32>,
        %get3A_258 = vector.shape_cast %get3A_257 : vector<1x16xf32> to vector<16xf32>
        %add3A_259 = arith.addf %get3A_254, %get3A_258 : vector<16xf32>
        %mul3A_260 = arith.constant 2.000000e-01 : f32
        %mul3A_261 = vector.broadcast %mul3A_260 : f32 to vector<16xf32>
        %mul3A_262 = arith.mulf %mul3A_261, %add3A_259 : vector<16xf32>
        %max3A_263 = arith.maximumf %add3A_259, %mul3A_262 : vector<16xf32>
        %get3A_264 = arith.constant 2 : i32
        %get3A_265 = arith.index_cast %get3A_264 : i32 to index
        %get3A_266 = arith.constant 80 : index
        %get3A_267 = tpu.vector_load %arg23[%get3A_265, %get3A_266] {strides = array<i32>} : memref<4x128xf32, #tpu.memory_space<vmem>>, vector<1x16xf32>,
        %get3A_268 = vector.shape_cast %get3A_267 : vector<1x16xf32> to vector<16xf32>
        %mul3A_269 = arith.mulf %get3A_268, %max3A_263 : vector<16xf32>
        %add3A_270 = arith.addf %add3A_250, %mul3A_269 : vector<16xf32>
        %get3A_271 = arith.index_cast %scan3A_149 : i32 to index
        %get3A_272 = arith.constant 96 : index
        %get3A_273 = tpu.vector_load %arg20[%get3A_271, %get3A_272] {strides = array<i32>} : memref<80x128xf32, #tpu.memory_space<vmem>>, vector<1x16xf32>,
        %get3A_274 = vector.shape_cast %get3A_273 : vector<1x16xf32> to vector<16xf32>
        %get3A_275 = arith.index_cast %scan3A_149 : i32 to index
        %get3A_276 = arith.constant 96 : index
        %get3A_277 = tpu.vector_load %arg21[%get3A_275, %get3A_276] {strides = array<i32>} : memref<80x128xf32, #tpu.memory_space<vmem>>, vector<1x16xf32>,
        %get3A_278 = vector.shape_cast %get3A_277 : vector<1x16xf32> to vector<16xf32>
        %add3A_279 = arith.addf %get3A_274, %get3A_278 : vector<16xf32>
        %mul3A_280 = arith.constant 2.000000e-01 : f32
        %mul3A_281 = vector.broadcast %mul3A_280 : f32 to vector<16xf32>
        %mul3A_282 = arith.mulf %mul3A_281, %add3A_279 : vector<16xf32>
        %max3A_283 = arith.maximumf %add3A_279, %mul3A_282 : vector<16xf32>
        %get3A_284 = arith.constant 2 : i32
        %get3A_285 = arith.index_cast %get3A_284 : i32 to index
        %get3A_286 = arith.constant 96 : index
        %get3A_287 = tpu.vector_load %arg23[%get3A_285, %get3A_286] {strides = array<i32>} : memref<4x128xf32, #tpu.memory_space<vmem>>, vector<1x16xf32>,
        %get3A_288 = vector.shape_cast %get3A_287 : vector<1x16xf32> to vector<16xf32>
        %mul3A_289 = arith.mulf %get3A_288, %max3A_283 : vector<16xf32>
        %add3A_290 = arith.addf %add3A_270, %mul3A_289 : vector<16xf32>
        %get3A_291 = arith.index_cast %scan3A_149 : i32 to index
        %get3A_292 = arith.constant 112 : index
        %get3A_293 = tpu.vector_load %arg20[%get3A_291, %get3A_292] {strides = array<i32>} : memref<80x128xf32, #tpu.memory_space<vmem>>, vector<1x16xf32>,
        %get3A_294 = vector.shape_cast %get3A_293 : vector<1x16xf32> to vector<16xf32>
        %get3A_295 = arith.index_cast %scan3A_149 : i32 to index
        %get3A_296 = arith.constant 112 : index
        %get3A_297 = tpu.vector_load %arg21[%get3A_295, %get3A_296] {strides = array<i32>} : memref<80x128xf32, #tpu.memory_space<vmem>>, vector<1x16xf32>,
        %get3A_298 = vector.shape_cast %get3A_297 : vector<1x16xf32> to vector<16xf32>
        %add3A_299 = arith.addf %get3A_294, %get3A_298 : vector<16xf32>
        %mul3A_300 = arith.constant 2.000000e-01 : f32
        %mul3A_301 = vector.broadcast %mul3A_300 : f32 to vector<16xf32>
        %mul3A_302 = arith.mulf %mul3A_301, %add3A_299 : vector<16xf32>
        %max3A_303 = arith.maximumf %add3A_299, %mul3A_302 : vector<16xf32>
        %get3A_304 = arith.constant 2 : i32
        %get3A_305 = arith.index_cast %get3A_304 : i32 to index
        %get3A_306 = arith.constant 112 : index
        %get3A_307 = tpu.vector_load %arg23[%get3A_305, %get3A_306] {strides = array<i32>} : memref<4x128xf32, #tpu.memory_space<vmem>>, vector<1x16xf32>,
        %get3A_308 = vector.shape_cast %get3A_307 : vector<1x16xf32> to vector<16xf32>
        %mul3A_309 = arith.mulf %get3A_308, %max3A_303 : vector<16xf32>
        %add3A_310 = arith.addf %add3A_290, %mul3A_309 : vector<16xf32>
        %iota3A = tpu.iota {dimensions = array<i32: 0>} : vector<16xi32>
        %xor3A = arith.constant 1 : i32
        %xor3A_311 = vector.broadcast %xor3A : i32 to vector<16xi32>
        %xor3A_312 = arith.xori %iota3A, %xor3A_311 : vector<16xi32>
        %lt3A_313 = arith.constant 0 : i32
        %lt3A_314 = vector.broadcast %lt3A_313 : i32 to vector<16xi32>
        %lt3A_315 = arith.cmpi slt, %xor3A_312, %lt3A_314 : vector<16xi32>
        %add3A_316 = arith.constant 16 : i32
        %add3A_317 = vector.broadcast %add3A_316 : i32 to vector<16xi32>
        %add3A_318 = arith.addi %xor3A_312, %add3A_317 : vector<16xi32>
        %select_n3A_319 = arith.select %lt3A_315, %add3A_318, %xor3A_312 : vector<16xi1>, vector<16xi32>
        %broadcast_in_dim3A_320 = vector.shape_cast %select_n3A_319 : vector<16xi32> to vector<16x1xi32>
        %gather3A = vector.shape_cast %broadcast_in_dim3A_320 : vector<16x1xi32> to vector<16xi32>
        %gather3A_321 = tpu.dynamic_gather %add3A_310[%gather3A] in [0] : vector<16xf32>, vector<16xi32> -> vector<16xf32>
        %add3A_322 = arith.addf %add3A_310, %gather3A_321 : vector<16xf32>
        %xor3A_323 = arith.constant 2 : i32
        %xor3A_324 = vector.broadcast %xor3A_323 : i32 to vector<16xi32>
        %xor3A_325 = arith.xori %iota3A, %xor3A_324 : vector<16xi32>
        %lt3A_326 = arith.constant 0 : i32
        %lt3A_327 = vector.broadcast %lt3A_326 : i32 to vector<16xi32>
        %lt3A_328 = arith.cmpi slt, %xor3A_325, %lt3A_327 : vector<16xi32>
        %add3A_329 = arith.constant 16 : i32
        %add3A_330 = vector.broadcast %add3A_329 : i32 to vector<16xi32>
        %add3A_331 = arith.addi %xor3A_325, %add3A_330 : vector<16xi32>
        %select_n3A_332 = arith.select %lt3A_328, %add3A_331, %xor3A_325 : vector<16xi1>, vector<16xi32>
        %broadcast_in_dim3A_333 = vector.shape_cast %select_n3A_332 : vector<16xi32> to vector<16x1xi32>
        %gather3A_334 = vector.shape_cast %broadcast_in_dim3A_333 : vector<16x1xi32> to vector<16xi32>
        %gather3A_335 = tpu.dynamic_gather %add3A_322[%gather3A_334] in [0] : vector<16xf32>, vector<16xi32> -> vector<16xf32>
        %add3A_336 = arith.addf %add3A_322, %gather3A_335 : vector<16xf32>
        %xor3A_337 = arith.constant 4 : i32
        %xor3A_338 = vector.broadcast %xor3A_337 : i32 to vector<16xi32>
        %xor3A_339 = arith.xori %iota3A, %xor3A_338 : vector<16xi32>
        %lt3A_340 = arith.constant 0 : i32
        %lt3A_341 = vector.broadcast %lt3A_340 : i32 to vector<16xi32>
        %lt3A_342 = arith.cmpi slt, %xor3A_339, %lt3A_341 : vector<16xi32>
        %add3A_343 = arith.constant 16 : i32
        %add3A_344 = vector.broadcast %add3A_343 : i32 to vector<16xi32>
        %add3A_345 = arith.addi %xor3A_339, %add3A_344 : vector<16xi32>
        %select_n3A_346 = arith.select %lt3A_342, %add3A_345, %xor3A_339 : vector<16xi1>, vector<16xi32>
        %broadcast_in_dim3A_347 = vector.shape_cast %select_n3A_346 : vector<16xi32> to vector<16x1xi32>
        %gather3A_348 = vector.shape_cast %broadcast_in_dim3A_347 : vector<16x1xi32> to vector<16xi32>
        %gather3A_349 = tpu.dynamic_gather %add3A_336[%gather3A_348] in [0] : vector<16xf32>, vector<16xi32> -> vector<16xf32>
        %add3A_350 = arith.addf %add3A_336, %gather3A_349 : vector<16xf32>
        %xor3A_351 = arith.constant 8 : i32
        %xor3A_352 = vector.broadcast %xor3A_351 : i32 to vector<16xi32>
        %xor3A_353 = arith.xori %iota3A, %xor3A_352 : vector<16xi32>
        %lt3A_354 = arith.constant 0 : i32
        %lt3A_355 = vector.broadcast %lt3A_354 : i32 to vector<16xi32>
        %lt3A_356 = arith.cmpi slt, %xor3A_353, %lt3A_355 : vector<16xi32>
        %add3A_357 = arith.constant 16 : i32
        %add3A_358 = vector.broadcast %add3A_357 : i32 to vector<16xi32>
        %add3A_359 = arith.addi %xor3A_353, %add3A_358 : vector<16xi32>
        %select_n3A_360 = arith.select %lt3A_356, %add3A_359, %xor3A_353 : vector<16xi1>, vector<16xi32>
        %broadcast_in_dim3A_361 = vector.shape_cast %select_n3A_360 : vector<16xi32> to vector<16x1xi32>
        %gather3A_362 = vector.shape_cast %broadcast_in_dim3A_361 : vector<16x1xi32> to vector<16xi32>
        %gather3A_363 = tpu.dynamic_gather %add3A_350[%gather3A_362] in [0] : vector<16xf32>, vector<16xi32> -> vector<16xf32>
        %add3A_364 = arith.addf %add3A_350, %gather3A_363 : vector<16xf32>
        %exp3A = math.exp %add3A_364 : vector<16xf32>
        %swap3A_365 = arith.index_cast %scan3A_149 : i32 to index
        %swap3A_366 = arith.constant 0 : index
        %swap3A_367 = tpu.vector_load %arg22[%swap3A_365, %swap3A_366] {strides = array<i32>} : memref<80x128xf32, #tpu.memory_space<vmem>>, vector<1x16xf32>,
        %swap3A_368 = vector.shape_cast %swap3A_367 : vector<1x16xf32> to vector<16xf32>
        %swap3A_369 = vector.shape_cast %exp3A : vector<16xf32> to vector<1x16xf32>
        tpu.vector_store %arg22[%swap3A_365, %swap3A_366], %swap3A_369 {strides = array<i32>} : memref<80x128xf32, #tpu.memory_space<vmem>>, vector<1x16xf32>,
        %swap3A_370 = arith.index_cast %scan3A_149 : i32 to index
        %swap3A_371 = arith.constant 16 : index
        %swap3A_372 = tpu.vector_load %arg22[%swap3A_370, %swap3A_371] {strides = array<i32>} : memref<80x128xf32, #tpu.memory_space<vmem>>, vector<1x16xf32>,
        %swap3A_373 = vector.shape_cast %swap3A_372 : vector<1x16xf32> to vector<16xf32>
        %swap3A_374 = vector.shape_cast %exp3A : vector<16xf32> to vector<1x16xf32>
        tpu.vector_store %arg22[%swap3A_370, %swap3A_371], %swap3A_374 {strides = array<i32>} : memref<80x128xf32, #tpu.memory_space<vmem>>, vector<1x16xf32>,
        %swap3A_375 = arith.index_cast %scan3A_149 : i32 to index
        %swap3A_376 = arith.constant 32 : index
        %swap3A_377 = tpu.vector_load %arg22[%swap3A_375, %swap3A_376] {strides = array<i32>} : memref<80x128xf32, #tpu.memory_space<vmem>>, vector<1x16xf32>,
        %swap3A_378 = vector.shape_cast %swap3A_377 : vector<1x16xf32> to vector<16xf32>
        %swap3A_379 = vector.shape_cast %exp3A : vector<16xf32> to vector<1x16xf32>
        tpu.vector_store %arg22[%swap3A_375, %swap3A_376], %swap3A_379 {strides = array<i32>} : memref<80x128xf32, #tpu.memory_space<vmem>>, vector<1x16xf32>,
        %swap3A_380 = arith.index_cast %scan3A_149 : i32 to index
        %swap3A_381 = arith.constant 48 : index
        %swap3A_382 = tpu.vector_load %arg22[%swap3A_380, %swap3A_381] {strides = array<i32>} : memref<80x128xf32, #tpu.memory_space<vmem>>, vector<1x16xf32>,
        %swap3A_383 = vector.shape_cast %swap3A_382 : vector<1x16xf32> to vector<16xf32>
        %swap3A_384 = vector.shape_cast %exp3A : vector<16xf32> to vector<1x16xf32>
        tpu.vector_store %arg22[%swap3A_380, %swap3A_381], %swap3A_384 {strides = array<i32>} : memref<80x128xf32, #tpu.memory_space<vmem>>, vector<1x16xf32>,
        %swap3A_385 = arith.index_cast %scan3A_149 : i32 to index
        %swap3A_386 = arith.constant 64 : index
        %swap3A_387 = tpu.vector_load %arg22[%swap3A_385, %swap3A_386] {strides = array<i32>} : memref<80x128xf32, #tpu.memory_space<vmem>>, vector<1x16xf32>,
        %swap3A_388 = vector.shape_cast %swap3A_387 : vector<1x16xf32> to vector<16xf32>
        %swap3A_389 = vector.shape_cast %exp3A : vector<16xf32> to vector<1x16xf32>
        tpu.vector_store %arg22[%swap3A_385, %swap3A_386], %swap3A_389 {strides = array<i32>} : memref<80x128xf32, #tpu.memory_space<vmem>>, vector<1x16xf32>,
        %swap3A_390 = arith.index_cast %scan3A_149 : i32 to index
        %swap3A_391 = arith.constant 80 : index
        %swap3A_392 = tpu.vector_load %arg22[%swap3A_390, %swap3A_391] {strides = array<i32>} : memref<80x128xf32, #tpu.memory_space<vmem>>, vector<1x16xf32>,
        %swap3A_393 = vector.shape_cast %swap3A_392 : vector<1x16xf32> to vector<16xf32>
        %swap3A_394 = vector.shape_cast %exp3A : vector<16xf32> to vector<1x16xf32>
        tpu.vector_store %arg22[%swap3A_390, %swap3A_391], %swap3A_394 {strides = array<i32>} : memref<80x128xf32, #tpu.memory_space<vmem>>, vector<1x16xf32>,
        %swap3A_395 = arith.index_cast %scan3A_149 : i32 to index
        %swap3A_396 = arith.constant 96 : index
        %swap3A_397 = tpu.vector_load %arg22[%swap3A_395, %swap3A_396] {strides = array<i32>} : memref<80x128xf32, #tpu.memory_space<vmem>>, vector<1x16xf32>,
        %swap3A_398 = vector.shape_cast %swap3A_397 : vector<1x16xf32> to vector<16xf32>
        %swap3A_399 = vector.shape_cast %exp3A : vector<16xf32> to vector<1x16xf32>
        tpu.vector_store %arg22[%swap3A_395, %swap3A_396], %swap3A_399 {strides = array<i32>} : memref<80x128xf32, #tpu.memory_space<vmem>>, vector<1x16xf32>,
        %swap3A_400 = arith.index_cast %scan3A_149 : i32 to index
        %swap3A_401 = arith.constant 112 : index
        %swap3A_402 = tpu.vector_load %arg22[%swap3A_400, %swap3A_401] {strides = array<i32>} : memref<80x128xf32, #tpu.memory_space<vmem>>, vector<1x16xf32>,
        %swap3A_403 = vector.shape_cast %swap3A_402 : vector<1x16xf32> to vector<16xf32>
        %swap3A_404 = vector.shape_cast %exp3A : vector<16xf32> to vector<1x16xf32>
        tpu.vector_store %arg22[%swap3A_400, %swap3A_401], %swap3A_404 {strides = array<i32>} : memref<80x128xf32, #tpu.memory_space<vmem>>, vector<1x16xf32>,
        %get3A_405 = arith.index_cast %scan3A_149 : i32 to index
        %get3A_406 = arith.constant 0 : index
        %get3A_407 = tpu.vector_load %arg20[%get3A_405, %get3A_406] {strides = array<i32>} : memref<80x128xf32, #tpu.memory_space<vmem>>, vector<1x16xf32>,
        %get3A_408 = vector.shape_cast %get3A_407 : vector<1x16xf32> to vector<16xf32>
        %mul3A_409 = arith.mulf %get3A_408, %exp3A : vector<16xf32>
        %swap3A_410 = arith.index_cast %scan3A_149 : i32 to index
        %swap3A_411 = arith.constant 0 : index
        %swap3A_412 = tpu.vector_load %arg21[%swap3A_410, %swap3A_411] {strides = array<i32>} : memref<80x128xf32, #tpu.memory_space<vmem>>, vector<1x16xf32>,
        %swap3A_413 = vector.shape_cast %swap3A_412 : vector<1x16xf32> to vector<16xf32>
        %swap3A_414 = vector.shape_cast %mul3A_409 : vector<16xf32> to vector<1x16xf32>
        tpu.vector_store %arg21[%swap3A_410, %swap3A_411], %swap3A_414 {strides = array<i32>} : memref<80x128xf32, #tpu.memory_space<vmem>>, vector<1x16xf32>,
        %get3A_415 = arith.index_cast %scan3A_149 : i32 to index
        %get3A_416 = arith.constant 16 : index
        %get3A_417 = tpu.vector_load %arg20[%get3A_415, %get3A_416] {strides = array<i32>} : memref<80x128xf32, #tpu.memory_space<vmem>>, vector<1x16xf32>,
        %get3A_418 = vector.shape_cast %get3A_417 : vector<1x16xf32> to vector<16xf32>
        %mul3A_419 = arith.mulf %get3A_418, %exp3A : vector<16xf32>
        %swap3A_420 = arith.index_cast %scan3A_149 : i32 to index
        %swap3A_421 = arith.constant 16 : index
        %swap3A_422 = tpu.vector_load %arg21[%swap3A_420, %swap3A_421] {strides = array<i32>} : memref<80x128xf32, #tpu.memory_space<vmem>>, vector<1x16xf32>,
        %swap3A_423 = vector.shape_cast %swap3A_422 : vector<1x16xf32> to vector<16xf32>
        %swap3A_424 = vector.shape_cast %mul3A_419 : vector<16xf32> to vector<1x16xf32>
        tpu.vector_store %arg21[%swap3A_420, %swap3A_421], %swap3A_424 {strides = array<i32>} : memref<80x128xf32, #tpu.memory_space<vmem>>, vector<1x16xf32>,
        %get3A_425 = arith.index_cast %scan3A_149 : i32 to index
        %get3A_426 = arith.constant 32 : index
        %get3A_427 = tpu.vector_load %arg20[%get3A_425, %get3A_426] {strides = array<i32>} : memref<80x128xf32, #tpu.memory_space<vmem>>, vector<1x16xf32>,
        %get3A_428 = vector.shape_cast %get3A_427 : vector<1x16xf32> to vector<16xf32>
        %mul3A_429 = arith.mulf %get3A_428, %exp3A : vector<16xf32>
        %swap3A_430 = arith.index_cast %scan3A_149 : i32 to index
        %swap3A_431 = arith.constant 32 : index
        %swap3A_432 = tpu.vector_load %arg21[%swap3A_430, %swap3A_431] {strides = array<i32>} : memref<80x128xf32, #tpu.memory_space<vmem>>, vector<1x16xf32>,
        %swap3A_433 = vector.shape_cast %swap3A_432 : vector<1x16xf32> to vector<16xf32>
        %swap3A_434 = vector.shape_cast %mul3A_429 : vector<16xf32> to vector<1x16xf32>
        tpu.vector_store %arg21[%swap3A_430, %swap3A_431], %swap3A_434 {strides = array<i32>} : memref<80x128xf32, #tpu.memory_space<vmem>>, vector<1x16xf32>,
        %get3A_435 = arith.index_cast %scan3A_149 : i32 to index
        %get3A_436 = arith.constant 48 : index
        %get3A_437 = tpu.vector_load %arg20[%get3A_435, %get3A_436] {strides = array<i32>} : memref<80x128xf32, #tpu.memory_space<vmem>>, vector<1x16xf32>,
        %get3A_438 = vector.shape_cast %get3A_437 : vector<1x16xf32> to vector<16xf32>
        %mul3A_439 = arith.mulf %get3A_438, %exp3A : vector<16xf32>
        %swap3A_440 = arith.index_cast %scan3A_149 : i32 to index
        %swap3A_441 = arith.constant 48 : index
        %swap3A_442 = tpu.vector_load %arg21[%swap3A_440, %swap3A_441] {strides = array<i32>} : memref<80x128xf32, #tpu.memory_space<vmem>>, vector<1x16xf32>,
        %swap3A_443 = vector.shape_cast %swap3A_442 : vector<1x16xf32> to vector<16xf32>
        %swap3A_444 = vector.shape_cast %mul3A_439 : vector<16xf32> to vector<1x16xf32>
        tpu.vector_store %arg21[%swap3A_440, %swap3A_441], %swap3A_444 {strides = array<i32>} : memref<80x128xf32, #tpu.memory_space<vmem>>, vector<1x16xf32>,
        %get3A_445 = arith.index_cast %scan3A_149 : i32 to index
        %get3A_446 = arith.constant 64 : index
        %get3A_447 = tpu.vector_load %arg20[%get3A_445, %get3A_446] {strides = array<i32>} : memref<80x128xf32, #tpu.memory_space<vmem>>, vector<1x16xf32>,
        %get3A_448 = vector.shape_cast %get3A_447 : vector<1x16xf32> to vector<16xf32>
        %mul3A_449 = arith.mulf %get3A_448, %exp3A : vector<16xf32>
        %swap3A_450 = arith.index_cast %scan3A_149 : i32 to index
        %swap3A_451 = arith.constant 64 : index
        %swap3A_452 = tpu.vector_load %arg21[%swap3A_450, %swap3A_451] {strides = array<i32>} : memref<80x128xf32, #tpu.memory_space<vmem>>, vector<1x16xf32>,
        %swap3A_453 = vector.shape_cast %swap3A_452 : vector<1x16xf32> to vector<16xf32>
        %swap3A_454 = vector.shape_cast %mul3A_449 : vector<16xf32> to vector<1x16xf32>
        tpu.vector_store %arg21[%swap3A_450, %swap3A_451], %swap3A_454 {strides = array<i32>} : memref<80x128xf32, #tpu.memory_space<vmem>>, vector<1x16xf32>,
        %get3A_455 = arith.index_cast %scan3A_149 : i32 to index
        %get3A_456 = arith.constant 80 : index
        %get3A_457 = tpu.vector_load %arg20[%get3A_455, %get3A_456] {strides = array<i32>} : memref<80x128xf32, #tpu.memory_space<vmem>>, vector<1x16xf32>,
        %get3A_458 = vector.shape_cast %get3A_457 : vector<1x16xf32> to vector<16xf32>
        %mul3A_459 = arith.mulf %get3A_458, %exp3A : vector<16xf32>
        %swap3A_460 = arith.index_cast %scan3A_149 : i32 to index
        %swap3A_461 = arith.constant 80 : index
        %swap3A_462 = tpu.vector_load %arg21[%swap3A_460, %swap3A_461] {strides = array<i32>} : memref<80x128xf32, #tpu.memory_space<vmem>>, vector<1x16xf32>,
        %swap3A_463 = vector.shape_cast %swap3A_462 : vector<1x16xf32> to vector<16xf32>
        %swap3A_464 = vector.shape_cast %mul3A_459 : vector<16xf32> to vector<1x16xf32>
        tpu.vector_store %arg21[%swap3A_460, %swap3A_461], %swap3A_464 {strides = array<i32>} : memref<80x128xf32, #tpu.memory_space<vmem>>, vector<1x16xf32>,
        %get3A_465 = arith.index_cast %scan3A_149 : i32 to index
        %get3A_466 = arith.constant 96 : index
        %get3A_467 = tpu.vector_load %arg20[%get3A_465, %get3A_466] {strides = array<i32>} : memref<80x128xf32, #tpu.memory_space<vmem>>, vector<1x16xf32>,
        %get3A_468 = vector.shape_cast %get3A_467 : vector<1x16xf32> to vector<16xf32>
        %mul3A_469 = arith.mulf %get3A_468, %exp3A : vector<16xf32>
        %swap3A_470 = arith.index_cast %scan3A_149 : i32 to index
        %swap3A_471 = arith.constant 96 : index
        %swap3A_472 = tpu.vector_load %arg21[%swap3A_470, %swap3A_471] {strides = array<i32>} : memref<80x128xf32, #tpu.memory_space<vmem>>, vector<1x16xf32>,
        %swap3A_473 = vector.shape_cast %swap3A_472 : vector<1x16xf32> to vector<16xf32>
        %swap3A_474 = vector.shape_cast %mul3A_469 : vector<16xf32> to vector<1x16xf32>
        tpu.vector_store %arg21[%swap3A_470, %swap3A_471], %swap3A_474 {strides = array<i32>} : memref<80x128xf32, #tpu.memory_space<vmem>>, vector<1x16xf32>,
        %get3A_475 = arith.index_cast %scan3A_149 : i32 to index
        %get3A_476 = arith.constant 112 : index
        %get3A_477 = tpu.vector_load %arg20[%get3A_475, %get3A_476] {strides = array<i32>} : memref<80x128xf32, #tpu.memory_space<vmem>>, vector<1x16xf32>,
        %get3A_478 = vector.shape_cast %get3A_477 : vector<1x16xf32> to vector<16xf32>
        %mul3A_479 = arith.mulf %get3A_478, %exp3A : vector<16xf32>
        %swap3A_480 = arith.index_cast %scan3A_149 : i32 to index
        %swap3A_481 = arith.constant 112 : index
        %swap3A_482 = tpu.vector_load %arg21[%swap3A_480, %swap3A_481] {strides = array<i32>} : memref<80x128xf32, #tpu.memory_space<vmem>>, vector<1x16xf32>,
        %swap3A_483 = vector.shape_cast %swap3A_482 : vector<1x16xf32> to vector<16xf32>
        %swap3A_484 = vector.shape_cast %mul3A_479 : vector<16xf32> to vector<1x16xf32>
        tpu.vector_store %arg21[%swap3A_480, %swap3A_481], %swap3A_484 {strides = array<i32>} : memref<80x128xf32, #tpu.memory_space<vmem>>, vector<1x16xf32>,
      }
      %scan3A_148 = arith.constant 80 : i32
      "tpu.region"() ({
        %run_scoped3A_149 = tpu.sem_alloc : memref<!tpu.dma_semaphore, #tpu.memory_space<semaphore_mem>>
        %dma_start3A_150 = arith.constant 0 : i32
        %dma_start3A_151 = arith.constant 0 : i32
        %dma_start3A_152 = tpu.memref_slice %arg26[%dma_start3A_150, %dma_start3A_151] : memref<5008x128xf32, #tpu.memory_space<vmem_shared>> -> memref<5008x128xf32, #tpu.memory_space<vmem_shared>>
        tpu.enqueue_indirect_dma source(%arg21 : memref<80x128xf32, #tpu.memory_space<vmem>>) target(%dma_start3A_152 : memref<5008x128xf32, #tpu.memory_space<vmem_shared>>) offsets(%arg19 : memref<80xi32, #tpu.memory_space<vmem>>) semaphore(%run_scoped3A_149 : memref<!tpu.dma_semaphore, #tpu.memory_space<semaphore_mem>>) {add = true}
        %dma_wait3A_153 = arith.constant 0 : i32
        %dma_wait3A_154 = arith.constant 0 : i32
        %dma_wait3A_155 = tpu.memref_slice %arg26[%dma_wait3A_153, %dma_wait3A_154] : memref<5008x128xf32, #tpu.memory_space<vmem_shared>> -> memref<5008x128xf32, #tpu.memory_space<vmem_shared>>
        tpu.wait_indirect_dma semaphore(%run_scoped3A_149 : memref<!tpu.dma_semaphore, #tpu.memory_space<semaphore_mem>>) src(%arg21 : memref<80x128xf32, #tpu.memory_space<vmem>>) dst(%dma_wait3A_155 : memref<5008x128xf32, #tpu.memory_space<vmem_shared>>)
        tpu.yield
      }) : () -> ()
      "tpu.region"() ({
        %run_scoped3A_149 = tpu.sem_alloc : memref<!tpu.dma_semaphore, #tpu.memory_space<semaphore_mem>>
        %dma_start3A_150 = arith.constant 0 : i32
        %dma_start3A_151 = arith.constant 0 : i32
        %dma_start3A_152 = tpu.memref_slice %arg27[%dma_start3A_150, %dma_start3A_151] : memref<5008x128xf32, #tpu.memory_space<vmem_shared>> -> memref<5008x128xf32, #tpu.memory_space<vmem_shared>>
        tpu.enqueue_indirect_dma source(%arg22 : memref<80x128xf32, #tpu.memory_space<vmem>>) target(%dma_start3A_152 : memref<5008x128xf32, #tpu.memory_space<vmem_shared>>) offsets(%arg19 : memref<80xi32, #tpu.memory_space<vmem>>) semaphore(%run_scoped3A_149 : memref<!tpu.dma_semaphore, #tpu.memory_space<semaphore_mem>>) {add = true}
        %dma_wait3A_153 = arith.constant 0 : i32
        %dma_wait3A_154 = arith.constant 0 : i32
        %dma_wait3A_155 = tpu.memref_slice %arg27[%dma_wait3A_153, %dma_wait3A_154] : memref<5008x128xf32, #tpu.memory_space<vmem_shared>> -> memref<5008x128xf32, #tpu.memory_space<vmem_shared>>
        tpu.wait_indirect_dma semaphore(%run_scoped3A_149 : memref<!tpu.dma_semaphore, #tpu.memory_space<semaphore_mem>>) src(%arg22 : memref<80x128xf32, #tpu.memory_space<vmem>>) dst(%dma_wait3A_155 : memref<5008x128xf32, #tpu.memory_space<vmem_shared>>)
        tpu.yield
      }) : () -> ()
    }
    %scan3A_26 = arith.constant 250 : i32
    %barrier3A_27 = arith.constant 0 : index
    tpu.barrier barrier_id(%barrier3A_27)
    %run_scoped3A_28 = arith.constant 2 : i32
    "tpu.region"() ({
      %run_scoped3A_42 = tpu.sem_alloc : memref<!tpu.dma_semaphore, #tpu.memory_space<semaphore_mem>>
      %dma_start3A = arith.constant 0 : i32
      %dma_start3A_43 = tpu.memref_slice %arg15[%run_scoped3A_28, %mul3A_0, %dma_start3A] : memref<4x10000x128xf32, #tpu.memory_space<hbm>> -> memref<1x5000x128xf32, #tpu.memory_space<hbm>>
      %dma_start3A_44 = tpu.memref_squeeze %dma_start3A_43 : memref<1x5000x128xf32, #tpu.memory_space<hbm>> -> memref<5000x128xf32, #tpu.memory_space<hbm>>
      %dma_start3A_45 = arith.constant 0 : i32
      %dma_start3A_46 = arith.constant 0 : i32
      %dma_start3A_47 = tpu.memref_slice %arg26[%dma_start3A_45, %dma_start3A_46] : memref<5008x128xf32, #tpu.memory_space<vmem_shared>> -> memref<5000x128xf32, #tpu.memory_space<vmem_shared>>
      tpu.enqueue_dma source(%dma_start3A_47 : memref<5000x128xf32, #tpu.memory_space<vmem_shared>>) target(%dma_start3A_44 : memref<5000x128xf32, #tpu.memory_space<hbm>>) target_semaphore(%run_scoped3A_42 : memref<!tpu.dma_semaphore, #tpu.memory_space<semaphore_mem>>)
      %dma_wait3A = arith.constant 0 : i32
      %dma_wait3A_48 = tpu.memref_slice %arg15[%run_scoped3A_28, %mul3A_0, %dma_wait3A] : memref<4x10000x128xf32, #tpu.memory_space<hbm>> -> memref<1x5000x128xf32, #tpu.memory_space<hbm>>
      %dma_wait3A_49 = tpu.memref_squeeze %dma_wait3A_48 : memref<1x5000x128xf32, #tpu.memory_space<hbm>> -> memref<5000x128xf32, #tpu.memory_space<hbm>>
      %dma_wait3A_50 = arith.constant 0 : i32
      %dma_wait3A_51 = arith.constant 0 : i32
      %dma_wait3A_52 = tpu.memref_slice %arg26[%dma_wait3A_50, %dma_wait3A_51] : memref<5008x128xf32, #tpu.memory_space<vmem_shared>> -> memref<5000x128xf32, #tpu.memory_space<vmem_shared>>
      tpu.wait_dma2 semaphore(%run_scoped3A_42 : memref<!tpu.dma_semaphore, #tpu.memory_space<semaphore_mem>>) src(%dma_wait3A_52 : memref<5000x128xf32, #tpu.memory_space<vmem_shared>>) dst(%dma_wait3A_49 : memref<5000x128xf32, #tpu.memory_space<hbm>>)
      tpu.yield
    }) : () -> ()
    %run_scoped3A_29 = arith.constant 2 : i32
    "tpu.region"() ({
      %run_scoped3A_42 = tpu.sem_alloc : memref<!tpu.dma_semaphore, #tpu.memory_space<semaphore_mem>>
      %dma_start3A = arith.constant 0 : i32
      %dma_start3A_43 = tpu.memref_slice %arg16[%run_scoped3A_29, %mul3A_0, %dma_start3A] : memref<4x10000x128xf32, #tpu.memory_space<hbm>> -> memref<1x5000x128xf32, #tpu.memory_space<hbm>>
      %dma_start3A_44 = tpu.memref_squeeze %dma_start3A_43 : memref<1x5000x128xf32, #tpu.memory_space<hbm>> -> memref<5000x128xf32, #tpu.memory_space<hbm>>
      %dma_start3A_45 = arith.constant 0 : i32
      %dma_start3A_46 = arith.constant 0 : i32
      %dma_start3A_47 = tpu.memref_slice %arg27[%dma_start3A_45, %dma_start3A_46] : memref<5008x128xf32, #tpu.memory_space<vmem_shared>> -> memref<5000x128xf32, #tpu.memory_space<vmem_shared>>
      tpu.enqueue_dma source(%dma_start3A_47 : memref<5000x128xf32, #tpu.memory_space<vmem_shared>>) target(%dma_start3A_44 : memref<5000x128xf32, #tpu.memory_space<hbm>>) target_semaphore(%run_scoped3A_42 : memref<!tpu.dma_semaphore, #tpu.memory_space<semaphore_mem>>)
      %dma_wait3A = arith.constant 0 : i32
      %dma_wait3A_48 = tpu.memref_slice %arg16[%run_scoped3A_29, %mul3A_0, %dma_wait3A] : memref<4x10000x128xf32, #tpu.memory_space<hbm>> -> memref<1x5000x128xf32, #tpu.memory_space<hbm>>
      %dma_wait3A_49 = tpu.memref_squeeze %dma_wait3A_48 : memref<1x5000x128xf32, #tpu.memory_space<hbm>> -> memref<5000x128xf32, #tpu.memory_space<hbm>>
      %dma_wait3A_50 = arith.constant 0 : i32
      %dma_wait3A_51 = arith.constant 0 : i32
      %dma_wait3A_52 = tpu.memref_slice %arg27[%dma_wait3A_50, %dma_wait3A_51] : memref<5008x128xf32, #tpu.memory_space<vmem_shared>> -> memref<5000x128xf32, #tpu.memory_space<vmem_shared>>
      tpu.wait_dma2 semaphore(%run_scoped3A_42 : memref<!tpu.dma_semaphore, #tpu.memory_space<semaphore_mem>>) src(%dma_wait3A_52 : memref<5000x128xf32, #tpu.memory_space<vmem_shared>>) dst(%dma_wait3A_49 : memref<5000x128xf32, #tpu.memory_space<hbm>>)
      tpu.yield
    }) : () -> ()
    %barrier3A_30 = arith.constant 0 : index
    tpu.barrier barrier_id(%barrier3A_30)
    "tpu.region"() ({
      %run_scoped3A_42 = tpu.sem_alloc : memref<!tpu.dma_semaphore, #tpu.memory_space<semaphore_mem>>
      tpu.enqueue_dma source(%arg5 : memref<5008x128xf32, #tpu.memory_space<hbm>>) target(%arg26 : memref<5008x128xf32, #tpu.memory_space<vmem_shared>>) target_semaphore(%run_scoped3A_42 : memref<!tpu.dma_semaphore, #tpu.memory_space<semaphore_mem>>)
      tpu.wait_dma2 semaphore(%run_scoped3A_42 : memref<!tpu.dma_semaphore, #tpu.memory_space<semaphore_mem>>) src(%arg5 : memref<5008x128xf32, #tpu.memory_space<hbm>>) dst(%arg26 : memref<5008x128xf32, #tpu.memory_space<vmem_shared>>)
      tpu.yield
    }) : () -> ()
    "tpu.region"() ({
      %run_scoped3A_42 = tpu.sem_alloc : memref<!tpu.dma_semaphore, #tpu.memory_space<semaphore_mem>>
      tpu.enqueue_dma source(%arg6 : memref<5008x128xf32, #tpu.memory_space<hbm>>) target(%arg27 : memref<5008x128xf32, #tpu.memory_space<vmem_shared>>) target_semaphore(%run_scoped3A_42 : memref<!tpu.dma_semaphore, #tpu.memory_space<semaphore_mem>>)
      tpu.wait_dma2 semaphore(%run_scoped3A_42 : memref<!tpu.dma_semaphore, #tpu.memory_space<semaphore_mem>>) src(%arg6 : memref<5008x128xf32, #tpu.memory_space<hbm>>) dst(%arg27 : memref<5008x128xf32, #tpu.memory_space<vmem_shared>>)
      tpu.yield
    }) : () -> ()
    %barrier3A_31 = arith.constant 0 : index
    tpu.barrier barrier_id(%barrier3A_31)
    %scan3A_32 = arith.constant 0 : i32
    %scan3A_33 = arith.constant 0 : i32
    %scan3A_34 = arith.constant 250 : i32
    %scan3A_35 = arith.addi %scan3A_33, %scan3A_34 : i32
    %scan3A_36 = arith.constant 1 : i32
    scf.for %scan3A_42 = %scan3A_33 to %scan3A_35 step %scan3A_36  : i32 {
      %mul3A_43 = arith.constant 20000 : i32
      %mul3A_44 = arith.muli %arg1, %mul3A_43 : i32
      %mul3A_45 = arith.constant 80 : i32
      %mul3A_46 = arith.muli %scan3A_42, %mul3A_45 : i32
      %add3A = arith.addi %mul3A_44, %mul3A_46 : i32
      "tpu.region"() ({
        %run_scoped3A_149 = tpu.sem_alloc : memref<!tpu.dma_semaphore, #tpu.memory_space<semaphore_mem>>
        %dma_start3A_150 = tpu.memref_slice %arg2[%add3A] : memref<320000xi32, #tpu.memory_space<hbm>> -> memref<80xi32, #tpu.memory_space<hbm>>
        %dma_start3A_151 = tpu.memref_slice %arg2[%add3A] : memref<320000xi32, #tpu.memory_space<hbm>> -> memref<80xi32, #tpu.memory_space<hbm>>
        tpu.enqueue_dma source(%dma_start3A_151 : memref<80xi32, #tpu.memory_space<hbm>>) target(%arg17 : memref<80xi32, #tpu.memory_space<vmem>>) target_semaphore(%run_scoped3A_149 : memref<!tpu.dma_semaphore, #tpu.memory_space<semaphore_mem>>)
        %dma_wait3A_152 = tpu.memref_slice %arg2[%add3A] : memref<320000xi32, #tpu.memory_space<hbm>> -> memref<80xi32, #tpu.memory_space<hbm>>
        %dma_wait3A_153 = tpu.memref_slice %arg2[%add3A] : memref<320000xi32, #tpu.memory_space<hbm>> -> memref<80xi32, #tpu.memory_space<hbm>>
        tpu.wait_dma2 semaphore(%run_scoped3A_149 : memref<!tpu.dma_semaphore, #tpu.memory_space<semaphore_mem>>) src(%dma_wait3A_153 : memref<80xi32, #tpu.memory_space<hbm>>) dst(%arg17 : memref<80xi32, #tpu.memory_space<vmem>>)
        tpu.yield
      }) : () -> ()
      "tpu.region"() ({
        %run_scoped3A_149 = tpu.sem_alloc : memref<!tpu.dma_semaphore, #tpu.memory_space<semaphore_mem>>
        %dma_start3A_150 = tpu.memref_slice %arg3[%add3A] : memref<320000xi32, #tpu.memory_space<hbm>> -> memref<80xi32, #tpu.memory_space<hbm>>
        %dma_start3A_151 = tpu.memref_slice %arg3[%add3A] : memref<320000xi32, #tpu.memory_space<hbm>> -> memref<80xi32, #tpu.memory_space<hbm>>
        tpu.enqueue_dma source(%dma_start3A_151 : memref<80xi32, #tpu.memory_space<hbm>>) target(%arg18 : memref<80xi32, #tpu.memory_space<vmem>>) target_semaphore(%run_scoped3A_149 : memref<!tpu.dma_semaphore, #tpu.memory_space<semaphore_mem>>)
        %dma_wait3A_152 = tpu.memref_slice %arg3[%add3A] : memref<320000xi32, #tpu.memory_space<hbm>> -> memref<80xi32, #tpu.memory_space<hbm>>
        %dma_wait3A_153 = tpu.memref_slice %arg3[%add3A] : memref<320000xi32, #tpu.memory_space<hbm>> -> memref<80xi32, #tpu.memory_space<hbm>>
        tpu.wait_dma2 semaphore(%run_scoped3A_149 : memref<!tpu.dma_semaphore, #tpu.memory_space<semaphore_mem>>) src(%dma_wait3A_153 : memref<80xi32, #tpu.memory_space<hbm>>) dst(%arg18 : memref<80xi32, #tpu.memory_space<vmem>>)
        tpu.yield
      }) : () -> ()
      %dma_start3A = arith.constant 0 : i32
      %dma_start3A_47 = arith.constant 0 : i32
      %dma_start3A_48 = tpu.memref_slice %arg10[%dma_start3A, %dma_start3A_47] : memref<10000x128xf32, #tpu.memory_space<hbm>> -> memref<10000x128xf32, #tpu.memory_space<hbm>>
      tpu.enqueue_indirect_dma source(%dma_start3A_48 : memref<10000x128xf32, #tpu.memory_space<hbm>>) target(%arg20 : memref<80x128xf32, #tpu.memory_space<vmem>>) offsets(%arg17 : memref<80xi32, #tpu.memory_space<vmem>>) semaphore(%arg24 : memref<!tpu.dma_semaphore, #tpu.memory_space<semaphore_mem>>)
      %dma_start3A_49 = arith.constant 0 : i32
      %dma_start3A_50 = arith.constant 0 : i32
      %dma_start3A_51 = tpu.memref_slice %arg14[%dma_start3A_49, %dma_start3A_50] : memref<10000x128xf32, #tpu.memory_space<hbm>> -> memref<10000x128xf32, #tpu.memory_space<hbm>>
      tpu.enqueue_indirect_dma source(%dma_start3A_51 : memref<10000x128xf32, #tpu.memory_space<hbm>>) target(%arg21 : memref<80x128xf32, #tpu.memory_space<vmem>>) offsets(%arg18 : memref<80xi32, #tpu.memory_space<vmem>>) semaphore(%arg25 : memref<!tpu.dma_semaphore, #tpu.memory_space<semaphore_mem>>)
      %dma_wait3A = arith.constant 0 : i32
      %dma_wait3A_52 = arith.constant 0 : i32
      %dma_wait3A_53 = tpu.memref_slice %arg10[%dma_wait3A, %dma_wait3A_52] : memref<10000x128xf32, #tpu.memory_space<hbm>> -> memref<10000x128xf32, #tpu.memory_space<hbm>>
      tpu.wait_indirect_dma semaphore(%arg24 : memref<!tpu.dma_semaphore, #tpu.memory_space<semaphore_mem>>) src(%dma_wait3A_53 : memref<10000x128xf32, #tpu.memory_space<hbm>>) dst(%arg20 : memref<80x128xf32, #tpu.memory_space<vmem>>)
      %dma_wait3A_54 = arith.constant 0 : i32
      %dma_wait3A_55 = arith.constant 0 : i32
      %dma_wait3A_56 = tpu.memref_slice %arg14[%dma_wait3A_54, %dma_wait3A_55] : memref<10000x128xf32, #tpu.memory_space<hbm>> -> memref<10000x128xf32, #tpu.memory_space<hbm>>
      tpu.wait_indirect_dma semaphore(%arg25 : memref<!tpu.dma_semaphore, #tpu.memory_space<semaphore_mem>>) src(%dma_wait3A_56 : memref<10000x128xf32, #tpu.memory_space<hbm>>) dst(%arg21 : memref<80x128xf32, #tpu.memory_space<vmem>>)
      %get3A = arith.constant 0 : index
      %get3A_57 = tpu.vector_load %arg18[%get3A] {strides = array<i32>} : memref<80xi32, #tpu.memory_space<vmem>>, vector<16xi32>,
      %get3A_58 = vector.shape_cast %get3A_57 : vector<16xi32> to vector<16xi32>
      %sub3A = vector.broadcast %mul3A_0 : i32 to vector<16xi32>
      %sub3A_59 = arith.subi %get3A_58, %sub3A : vector<16xi32>
      %lt3A = arith.constant 0 : i32
      %lt3A_60 = vector.broadcast %lt3A : i32 to vector<16xi32>
      %lt3A_61 = arith.cmpi slt, %sub3A_59, %lt3A_60 : vector<16xi32>
      %ge3A = arith.constant 5000 : i32
      %ge3A_62 = vector.broadcast %ge3A : i32 to vector<16xi32>
      %ge3A_63 = arith.cmpi sge, %sub3A_59, %ge3A_62 : vector<16xi32>
      %or3A = arith.ori %lt3A_61, %ge3A_63 : vector<16xi1>
      %jit3A = arith.constant 5000 : i32
      %broadcast_in_dim3A = vector.broadcast %jit3A : i32 to vector<16xi32>
      %select_n3A = arith.select %or3A, %broadcast_in_dim3A, %sub3A_59 : vector<16xi1>, vector<16xi32>
      %swap3A = arith.constant 0 : index
      %swap3A_64 = tpu.vector_load %arg19[%swap3A] {strides = array<i32>} : memref<80xi32, #tpu.memory_space<vmem>>, vector<16xi32>,
      %swap3A_65 = vector.shape_cast %swap3A_64 : vector<16xi32> to vector<16xi32>
      %swap3A_66 = vector.shape_cast %select_n3A : vector<16xi32> to vector<16xi32>
      tpu.vector_store %arg19[%swap3A], %swap3A_66 {strides = array<i32>} : memref<80xi32, #tpu.memory_space<vmem>>, vector<16xi32>,
      %get3A_67 = arith.constant 16 : index
      %get3A_68 = tpu.vector_load %arg18[%get3A_67] {strides = array<i32>} : memref<80xi32, #tpu.memory_space<vmem>>, vector<16xi32>,
      %get3A_69 = vector.shape_cast %get3A_68 : vector<16xi32> to vector<16xi32>
      %sub3A_70 = vector.broadcast %mul3A_0 : i32 to vector<16xi32>
      %sub3A_71 = arith.subi %get3A_69, %sub3A_70 : vector<16xi32>
      %lt3A_72 = arith.constant 0 : i32
      %lt3A_73 = vector.broadcast %lt3A_72 : i32 to vector<16xi32>
      %lt3A_74 = arith.cmpi slt, %sub3A_71, %lt3A_73 : vector<16xi32>
      %ge3A_75 = arith.constant 5000 : i32
      %ge3A_76 = vector.broadcast %ge3A_75 : i32 to vector<16xi32>
      %ge3A_77 = arith.cmpi sge, %sub3A_71, %ge3A_76 : vector<16xi32>
      %or3A_78 = arith.ori %lt3A_74, %ge3A_77 : vector<16xi1>
      %jit3A_79 = arith.constant 5000 : i32
      %broadcast_in_dim3A_80 = vector.broadcast %jit3A_79 : i32 to vector<16xi32>
      %select_n3A_81 = arith.select %or3A_78, %broadcast_in_dim3A_80, %sub3A_71 : vector<16xi1>, vector<16xi32>
      %swap3A_82 = arith.constant 16 : index
      %swap3A_83 = tpu.vector_load %arg19[%swap3A_82] {strides = array<i32>} : memref<80xi32, #tpu.memory_space<vmem>>, vector<16xi32>,
      %swap3A_84 = vector.shape_cast %swap3A_83 : vector<16xi32> to vector<16xi32>
      %swap3A_85 = vector.shape_cast %select_n3A_81 : vector<16xi32> to vector<16xi32>
      tpu.vector_store %arg19[%swap3A_82], %swap3A_85 {strides = array<i32>} : memref<80xi32, #tpu.memory_space<vmem>>, vector<16xi32>,
      %get3A_86 = arith.constant 32 : index
      %get3A_87 = tpu.vector_load %arg18[%get3A_86] {strides = array<i32>} : memref<80xi32, #tpu.memory_space<vmem>>, vector<16xi32>,
      %get3A_88 = vector.shape_cast %get3A_87 : vector<16xi32> to vector<16xi32>
      %sub3A_89 = vector.broadcast %mul3A_0 : i32 to vector<16xi32>
      %sub3A_90 = arith.subi %get3A_88, %sub3A_89 : vector<16xi32>
      %lt3A_91 = arith.constant 0 : i32
      %lt3A_92 = vector.broadcast %lt3A_91 : i32 to vector<16xi32>
      %lt3A_93 = arith.cmpi slt, %sub3A_90, %lt3A_92 : vector<16xi32>
      %ge3A_94 = arith.constant 5000 : i32
      %ge3A_95 = vector.broadcast %ge3A_94 : i32 to vector<16xi32>
      %ge3A_96 = arith.cmpi sge, %sub3A_90, %ge3A_95 : vector<16xi32>
      %or3A_97 = arith.ori %lt3A_93, %ge3A_96 : vector<16xi1>
      %jit3A_98 = arith.constant 5000 : i32
      %broadcast_in_dim3A_99 = vector.broadcast %jit3A_98 : i32 to vector<16xi32>
      %select_n3A_100 = arith.select %or3A_97, %broadcast_in_dim3A_99, %sub3A_90 : vector<16xi1>, vector<16xi32>
      %swap3A_101 = arith.constant 32 : index
      %swap3A_102 = tpu.vector_load %arg19[%swap3A_101] {strides = array<i32>} : memref<80xi32, #tpu.memory_space<vmem>>, vector<16xi32>,
      %swap3A_103 = vector.shape_cast %swap3A_102 : vector<16xi32> to vector<16xi32>
      %swap3A_104 = vector.shape_cast %select_n3A_100 : vector<16xi32> to vector<16xi32>
      tpu.vector_store %arg19[%swap3A_101], %swap3A_104 {strides = array<i32>} : memref<80xi32, #tpu.memory_space<vmem>>, vector<16xi32>,
      %get3A_105 = arith.constant 48 : index
      %get3A_106 = tpu.vector_load %arg18[%get3A_105] {strides = array<i32>} : memref<80xi32, #tpu.memory_space<vmem>>, vector<16xi32>,
      %get3A_107 = vector.shape_cast %get3A_106 : vector<16xi32> to vector<16xi32>
      %sub3A_108 = vector.broadcast %mul3A_0 : i32 to vector<16xi32>
      %sub3A_109 = arith.subi %get3A_107, %sub3A_108 : vector<16xi32>
      %lt3A_110 = arith.constant 0 : i32
      %lt3A_111 = vector.broadcast %lt3A_110 : i32 to vector<16xi32>
      %lt3A_112 = arith.cmpi slt, %sub3A_109, %lt3A_111 : vector<16xi32>
      %ge3A_113 = arith.constant 5000 : i32
      %ge3A_114 = vector.broadcast %ge3A_113 : i32 to vector<16xi32>
      %ge3A_115 = arith.cmpi sge, %sub3A_109, %ge3A_114 : vector<16xi32>
      %or3A_116 = arith.ori %lt3A_112, %ge3A_115 : vector<16xi1>
      %jit3A_117 = arith.constant 5000 : i32
      %broadcast_in_dim3A_118 = vector.broadcast %jit3A_117 : i32 to vector<16xi32>
      %select_n3A_119 = arith.select %or3A_116, %broadcast_in_dim3A_118, %sub3A_109 : vector<16xi1>, vector<16xi32>
      %swap3A_120 = arith.constant 48 : index
      %swap3A_121 = tpu.vector_load %arg19[%swap3A_120] {strides = array<i32>} : memref<80xi32, #tpu.memory_space<vmem>>, vector<16xi32>,
      %swap3A_122 = vector.shape_cast %swap3A_121 : vector<16xi32> to vector<16xi32>
      %swap3A_123 = vector.shape_cast %select_n3A_119 : vector<16xi32> to vector<16xi32>
      tpu.vector_store %arg19[%swap3A_120], %swap3A_123 {strides = array<i32>} : memref<80xi32, #tpu.memory_space<vmem>>, vector<16xi32>,
      %get3A_124 = arith.constant 64 : index
      %get3A_125 = tpu.vector_load %arg18[%get3A_124] {strides = array<i32>} : memref<80xi32, #tpu.memory_space<vmem>>, vector<16xi32>,
      %get3A_126 = vector.shape_cast %get3A_125 : vector<16xi32> to vector<16xi32>
      %sub3A_127 = vector.broadcast %mul3A_0 : i32 to vector<16xi32>
      %sub3A_128 = arith.subi %get3A_126, %sub3A_127 : vector<16xi32>
      %lt3A_129 = arith.constant 0 : i32
      %lt3A_130 = vector.broadcast %lt3A_129 : i32 to vector<16xi32>
      %lt3A_131 = arith.cmpi slt, %sub3A_128, %lt3A_130 : vector<16xi32>
      %ge3A_132 = arith.constant 5000 : i32
      %ge3A_133 = vector.broadcast %ge3A_132 : i32 to vector<16xi32>
      %ge3A_134 = arith.cmpi sge, %sub3A_128, %ge3A_133 : vector<16xi32>
      %or3A_135 = arith.ori %lt3A_131, %ge3A_134 : vector<16xi1>
      %jit3A_136 = arith.constant 5000 : i32
      %broadcast_in_dim3A_137 = vector.broadcast %jit3A_136 : i32 to vector<16xi32>
      %select_n3A_138 = arith.select %or3A_135, %broadcast_in_dim3A_137, %sub3A_128 : vector<16xi1>, vector<16xi32>
      %swap3A_139 = arith.constant 64 : index
      %swap3A_140 = tpu.vector_load %arg19[%swap3A_139] {strides = array<i32>} : memref<80xi32, #tpu.memory_space<vmem>>, vector<16xi32>,
      %swap3A_141 = vector.shape_cast %swap3A_140 : vector<16xi32> to vector<16xi32>
      %swap3A_142 = vector.shape_cast %select_n3A_138 : vector<16xi32> to vector<16xi32>
      tpu.vector_store %arg19[%swap3A_139], %swap3A_142 {strides = array<i32>} : memref<80xi32, #tpu.memory_space<vmem>>, vector<16xi32>,
      %scan3A_143 = arith.constant 0 : i32
      %scan3A_144 = arith.constant 0 : i32
      %scan3A_145 = arith.constant 80 : i32
      %scan3A_146 = arith.addi %scan3A_144, %scan3A_145 : i32
      %scan3A_147 = arith.constant 1 : i32
      scf.for %scan3A_149 = %scan3A_144 to %scan3A_146 step %scan3A_147  : i32 {
        %broadcast_in_dim3A_150 = arith.constant 0.000000e+00 : f32
        %broadcast_in_dim3A_151 = vector.broadcast %broadcast_in_dim3A_150 : f32 to vector<16xf32>
        %get3A_152 = arith.index_cast %scan3A_149 : i32 to index
        %get3A_153 = arith.constant 0 : index
        %get3A_154 = tpu.vector_load %arg20[%get3A_152, %get3A_153] {strides = array<i32>} : memref<80x128xf32, #tpu.memory_space<vmem>>, vector<1x16xf32>,
        %get3A_155 = vector.shape_cast %get3A_154 : vector<1x16xf32> to vector<16xf32>
        %get3A_156 = arith.index_cast %scan3A_149 : i32 to index
        %get3A_157 = arith.constant 0 : index
        %get3A_158 = tpu.vector_load %arg21[%get3A_156, %get3A_157] {strides = array<i32>} : memref<80x128xf32, #tpu.memory_space<vmem>>, vector<1x16xf32>,
        %get3A_159 = vector.shape_cast %get3A_158 : vector<1x16xf32> to vector<16xf32>
        %add3A_160 = arith.addf %get3A_155, %get3A_159 : vector<16xf32>
        %mul3A_161 = arith.constant 2.000000e-01 : f32
        %mul3A_162 = vector.broadcast %mul3A_161 : f32 to vector<16xf32>
        %mul3A_163 = arith.mulf %mul3A_162, %add3A_160 : vector<16xf32>
        %max3A = arith.maximumf %add3A_160, %mul3A_163 : vector<16xf32>
        %get3A_164 = arith.constant 3 : i32
        %get3A_165 = arith.index_cast %get3A_164 : i32 to index
        %get3A_166 = arith.constant 0 : index
        %get3A_167 = tpu.vector_load %arg23[%get3A_165, %get3A_166] {strides = array<i32>} : memref<4x128xf32, #tpu.memory_space<vmem>>, vector<1x16xf32>,
        %get3A_168 = vector.shape_cast %get3A_167 : vector<1x16xf32> to vector<16xf32>
        %mul3A_169 = arith.mulf %get3A_168, %max3A : vector<16xf32>
        %add3A_170 = arith.addf %broadcast_in_dim3A_151, %mul3A_169 : vector<16xf32>
        %get3A_171 = arith.index_cast %scan3A_149 : i32 to index
        %get3A_172 = arith.constant 16 : index
        %get3A_173 = tpu.vector_load %arg20[%get3A_171, %get3A_172] {strides = array<i32>} : memref<80x128xf32, #tpu.memory_space<vmem>>, vector<1x16xf32>,
        %get3A_174 = vector.shape_cast %get3A_173 : vector<1x16xf32> to vector<16xf32>
        %get3A_175 = arith.index_cast %scan3A_149 : i32 to index
        %get3A_176 = arith.constant 16 : index
        %get3A_177 = tpu.vector_load %arg21[%get3A_175, %get3A_176] {strides = array<i32>} : memref<80x128xf32, #tpu.memory_space<vmem>>, vector<1x16xf32>,
        %get3A_178 = vector.shape_cast %get3A_177 : vector<1x16xf32> to vector<16xf32>
        %add3A_179 = arith.addf %get3A_174, %get3A_178 : vector<16xf32>
        %mul3A_180 = arith.constant 2.000000e-01 : f32
        %mul3A_181 = vector.broadcast %mul3A_180 : f32 to vector<16xf32>
        %mul3A_182 = arith.mulf %mul3A_181, %add3A_179 : vector<16xf32>
        %max3A_183 = arith.maximumf %add3A_179, %mul3A_182 : vector<16xf32>
        %get3A_184 = arith.constant 3 : i32
        %get3A_185 = arith.index_cast %get3A_184 : i32 to index
        %get3A_186 = arith.constant 16 : index
        %get3A_187 = tpu.vector_load %arg23[%get3A_185, %get3A_186] {strides = array<i32>} : memref<4x128xf32, #tpu.memory_space<vmem>>, vector<1x16xf32>,
        %get3A_188 = vector.shape_cast %get3A_187 : vector<1x16xf32> to vector<16xf32>
        %mul3A_189 = arith.mulf %get3A_188, %max3A_183 : vector<16xf32>
        %add3A_190 = arith.addf %add3A_170, %mul3A_189 : vector<16xf32>
        %get3A_191 = arith.index_cast %scan3A_149 : i32 to index
        %get3A_192 = arith.constant 32 : index
        %get3A_193 = tpu.vector_load %arg20[%get3A_191, %get3A_192] {strides = array<i32>} : memref<80x128xf32, #tpu.memory_space<vmem>>, vector<1x16xf32>,
        %get3A_194 = vector.shape_cast %get3A_193 : vector<1x16xf32> to vector<16xf32>
        %get3A_195 = arith.index_cast %scan3A_149 : i32 to index
        %get3A_196 = arith.constant 32 : index
        %get3A_197 = tpu.vector_load %arg21[%get3A_195, %get3A_196] {strides = array<i32>} : memref<80x128xf32, #tpu.memory_space<vmem>>, vector<1x16xf32>,
        %get3A_198 = vector.shape_cast %get3A_197 : vector<1x16xf32> to vector<16xf32>
        %add3A_199 = arith.addf %get3A_194, %get3A_198 : vector<16xf32>
        %mul3A_200 = arith.constant 2.000000e-01 : f32
        %mul3A_201 = vector.broadcast %mul3A_200 : f32 to vector<16xf32>
        %mul3A_202 = arith.mulf %mul3A_201, %add3A_199 : vector<16xf32>
        %max3A_203 = arith.maximumf %add3A_199, %mul3A_202 : vector<16xf32>
        %get3A_204 = arith.constant 3 : i32
        %get3A_205 = arith.index_cast %get3A_204 : i32 to index
        %get3A_206 = arith.constant 32 : index
        %get3A_207 = tpu.vector_load %arg23[%get3A_205, %get3A_206] {strides = array<i32>} : memref<4x128xf32, #tpu.memory_space<vmem>>, vector<1x16xf32>,
        %get3A_208 = vector.shape_cast %get3A_207 : vector<1x16xf32> to vector<16xf32>
        %mul3A_209 = arith.mulf %get3A_208, %max3A_203 : vector<16xf32>
        %add3A_210 = arith.addf %add3A_190, %mul3A_209 : vector<16xf32>
        %get3A_211 = arith.index_cast %scan3A_149 : i32 to index
        %get3A_212 = arith.constant 48 : index
        %get3A_213 = tpu.vector_load %arg20[%get3A_211, %get3A_212] {strides = array<i32>} : memref<80x128xf32, #tpu.memory_space<vmem>>, vector<1x16xf32>,
        %get3A_214 = vector.shape_cast %get3A_213 : vector<1x16xf32> to vector<16xf32>
        %get3A_215 = arith.index_cast %scan3A_149 : i32 to index
        %get3A_216 = arith.constant 48 : index
        %get3A_217 = tpu.vector_load %arg21[%get3A_215, %get3A_216] {strides = array<i32>} : memref<80x128xf32, #tpu.memory_space<vmem>>, vector<1x16xf32>,
        %get3A_218 = vector.shape_cast %get3A_217 : vector<1x16xf32> to vector<16xf32>
        %add3A_219 = arith.addf %get3A_214, %get3A_218 : vector<16xf32>
        %mul3A_220 = arith.constant 2.000000e-01 : f32
        %mul3A_221 = vector.broadcast %mul3A_220 : f32 to vector<16xf32>
        %mul3A_222 = arith.mulf %mul3A_221, %add3A_219 : vector<16xf32>
        %max3A_223 = arith.maximumf %add3A_219, %mul3A_222 : vector<16xf32>
        %get3A_224 = arith.constant 3 : i32
        %get3A_225 = arith.index_cast %get3A_224 : i32 to index
        %get3A_226 = arith.constant 48 : index
        %get3A_227 = tpu.vector_load %arg23[%get3A_225, %get3A_226] {strides = array<i32>} : memref<4x128xf32, #tpu.memory_space<vmem>>, vector<1x16xf32>,
        %get3A_228 = vector.shape_cast %get3A_227 : vector<1x16xf32> to vector<16xf32>
        %mul3A_229 = arith.mulf %get3A_228, %max3A_223 : vector<16xf32>
        %add3A_230 = arith.addf %add3A_210, %mul3A_229 : vector<16xf32>
        %get3A_231 = arith.index_cast %scan3A_149 : i32 to index
        %get3A_232 = arith.constant 64 : index
        %get3A_233 = tpu.vector_load %arg20[%get3A_231, %get3A_232] {strides = array<i32>} : memref<80x128xf32, #tpu.memory_space<vmem>>, vector<1x16xf32>,
        %get3A_234 = vector.shape_cast %get3A_233 : vector<1x16xf32> to vector<16xf32>
        %get3A_235 = arith.index_cast %scan3A_149 : i32 to index
        %get3A_236 = arith.constant 64 : index
        %get3A_237 = tpu.vector_load %arg21[%get3A_235, %get3A_236] {strides = array<i32>} : memref<80x128xf32, #tpu.memory_space<vmem>>, vector<1x16xf32>,
        %get3A_238 = vector.shape_cast %get3A_237 : vector<1x16xf32> to vector<16xf32>
        %add3A_239 = arith.addf %get3A_234, %get3A_238 : vector<16xf32>
        %mul3A_240 = arith.constant 2.000000e-01 : f32
        %mul3A_241 = vector.broadcast %mul3A_240 : f32 to vector<16xf32>
        %mul3A_242 = arith.mulf %mul3A_241, %add3A_239 : vector<16xf32>
        %max3A_243 = arith.maximumf %add3A_239, %mul3A_242 : vector<16xf32>
        %get3A_244 = arith.constant 3 : i32
        %get3A_245 = arith.index_cast %get3A_244 : i32 to index
        %get3A_246 = arith.constant 64 : index
        %get3A_247 = tpu.vector_load %arg23[%get3A_245, %get3A_246] {strides = array<i32>} : memref<4x128xf32, #tpu.memory_space<vmem>>, vector<1x16xf32>,
        %get3A_248 = vector.shape_cast %get3A_247 : vector<1x16xf32> to vector<16xf32>
        %mul3A_249 = arith.mulf %get3A_248, %max3A_243 : vector<16xf32>
        %add3A_250 = arith.addf %add3A_230, %mul3A_249 : vector<16xf32>
        %get3A_251 = arith.index_cast %scan3A_149 : i32 to index
        %get3A_252 = arith.constant 80 : index
        %get3A_253 = tpu.vector_load %arg20[%get3A_251, %get3A_252] {strides = array<i32>} : memref<80x128xf32, #tpu.memory_space<vmem>>, vector<1x16xf32>,
        %get3A_254 = vector.shape_cast %get3A_253 : vector<1x16xf32> to vector<16xf32>
        %get3A_255 = arith.index_cast %scan3A_149 : i32 to index
        %get3A_256 = arith.constant 80 : index
        %get3A_257 = tpu.vector_load %arg21[%get3A_255, %get3A_256] {strides = array<i32>} : memref<80x128xf32, #tpu.memory_space<vmem>>, vector<1x16xf32>,
        %get3A_258 = vector.shape_cast %get3A_257 : vector<1x16xf32> to vector<16xf32>
        %add3A_259 = arith.addf %get3A_254, %get3A_258 : vector<16xf32>
        %mul3A_260 = arith.constant 2.000000e-01 : f32
        %mul3A_261 = vector.broadcast %mul3A_260 : f32 to vector<16xf32>
        %mul3A_262 = arith.mulf %mul3A_261, %add3A_259 : vector<16xf32>
        %max3A_263 = arith.maximumf %add3A_259, %mul3A_262 : vector<16xf32>
        %get3A_264 = arith.constant 3 : i32
        %get3A_265 = arith.index_cast %get3A_264 : i32 to index
        %get3A_266 = arith.constant 80 : index
        %get3A_267 = tpu.vector_load %arg23[%get3A_265, %get3A_266] {strides = array<i32>} : memref<4x128xf32, #tpu.memory_space<vmem>>, vector<1x16xf32>,
        %get3A_268 = vector.shape_cast %get3A_267 : vector<1x16xf32> to vector<16xf32>
        %mul3A_269 = arith.mulf %get3A_268, %max3A_263 : vector<16xf32>
        %add3A_270 = arith.addf %add3A_250, %mul3A_269 : vector<16xf32>
        %get3A_271 = arith.index_cast %scan3A_149 : i32 to index
        %get3A_272 = arith.constant 96 : index
        %get3A_273 = tpu.vector_load %arg20[%get3A_271, %get3A_272] {strides = array<i32>} : memref<80x128xf32, #tpu.memory_space<vmem>>, vector<1x16xf32>,
        %get3A_274 = vector.shape_cast %get3A_273 : vector<1x16xf32> to vector<16xf32>
        %get3A_275 = arith.index_cast %scan3A_149 : i32 to index
        %get3A_276 = arith.constant 96 : index
        %get3A_277 = tpu.vector_load %arg21[%get3A_275, %get3A_276] {strides = array<i32>} : memref<80x128xf32, #tpu.memory_space<vmem>>, vector<1x16xf32>,
        %get3A_278 = vector.shape_cast %get3A_277 : vector<1x16xf32> to vector<16xf32>
        %add3A_279 = arith.addf %get3A_274, %get3A_278 : vector<16xf32>
        %mul3A_280 = arith.constant 2.000000e-01 : f32
        %mul3A_281 = vector.broadcast %mul3A_280 : f32 to vector<16xf32>
        %mul3A_282 = arith.mulf %mul3A_281, %add3A_279 : vector<16xf32>
        %max3A_283 = arith.maximumf %add3A_279, %mul3A_282 : vector<16xf32>
        %get3A_284 = arith.constant 3 : i32
        %get3A_285 = arith.index_cast %get3A_284 : i32 to index
        %get3A_286 = arith.constant 96 : index
        %get3A_287 = tpu.vector_load %arg23[%get3A_285, %get3A_286] {strides = array<i32>} : memref<4x128xf32, #tpu.memory_space<vmem>>, vector<1x16xf32>,
        %get3A_288 = vector.shape_cast %get3A_287 : vector<1x16xf32> to vector<16xf32>
        %mul3A_289 = arith.mulf %get3A_288, %max3A_283 : vector<16xf32>
        %add3A_290 = arith.addf %add3A_270, %mul3A_289 : vector<16xf32>
        %get3A_291 = arith.index_cast %scan3A_149 : i32 to index
        %get3A_292 = arith.constant 112 : index
        %get3A_293 = tpu.vector_load %arg20[%get3A_291, %get3A_292] {strides = array<i32>} : memref<80x128xf32, #tpu.memory_space<vmem>>, vector<1x16xf32>,
        %get3A_294 = vector.shape_cast %get3A_293 : vector<1x16xf32> to vector<16xf32>
        %get3A_295 = arith.index_cast %scan3A_149 : i32 to index
        %get3A_296 = arith.constant 112 : index
        %get3A_297 = tpu.vector_load %arg21[%get3A_295, %get3A_296] {strides = array<i32>} : memref<80x128xf32, #tpu.memory_space<vmem>>, vector<1x16xf32>,
        %get3A_298 = vector.shape_cast %get3A_297 : vector<1x16xf32> to vector<16xf32>
        %add3A_299 = arith.addf %get3A_294, %get3A_298 : vector<16xf32>
        %mul3A_300 = arith.constant 2.000000e-01 : f32
        %mul3A_301 = vector.broadcast %mul3A_300 : f32 to vector<16xf32>
        %mul3A_302 = arith.mulf %mul3A_301, %add3A_299 : vector<16xf32>
        %max3A_303 = arith.maximumf %add3A_299, %mul3A_302 : vector<16xf32>
        %get3A_304 = arith.constant 3 : i32
        %get3A_305 = arith.index_cast %get3A_304 : i32 to index
        %get3A_306 = arith.constant 112 : index
        %get3A_307 = tpu.vector_load %arg23[%get3A_305, %get3A_306] {strides = array<i32>} : memref<4x128xf32, #tpu.memory_space<vmem>>, vector<1x16xf32>,
        %get3A_308 = vector.shape_cast %get3A_307 : vector<1x16xf32> to vector<16xf32>
        %mul3A_309 = arith.mulf %get3A_308, %max3A_303 : vector<16xf32>
        %add3A_310 = arith.addf %add3A_290, %mul3A_309 : vector<16xf32>
        %iota3A = tpu.iota {dimensions = array<i32: 0>} : vector<16xi32>
        %xor3A = arith.constant 1 : i32
        %xor3A_311 = vector.broadcast %xor3A : i32 to vector<16xi32>
        %xor3A_312 = arith.xori %iota3A, %xor3A_311 : vector<16xi32>
        %lt3A_313 = arith.constant 0 : i32
        %lt3A_314 = vector.broadcast %lt3A_313 : i32 to vector<16xi32>
        %lt3A_315 = arith.cmpi slt, %xor3A_312, %lt3A_314 : vector<16xi32>
        %add3A_316 = arith.constant 16 : i32
        %add3A_317 = vector.broadcast %add3A_316 : i32 to vector<16xi32>
        %add3A_318 = arith.addi %xor3A_312, %add3A_317 : vector<16xi32>
        %select_n3A_319 = arith.select %lt3A_315, %add3A_318, %xor3A_312 : vector<16xi1>, vector<16xi32>
        %broadcast_in_dim3A_320 = vector.shape_cast %select_n3A_319 : vector<16xi32> to vector<16x1xi32>
        %gather3A = vector.shape_cast %broadcast_in_dim3A_320 : vector<16x1xi32> to vector<16xi32>
        %gather3A_321 = tpu.dynamic_gather %add3A_310[%gather3A] in [0] : vector<16xf32>, vector<16xi32> -> vector<16xf32>
        %add3A_322 = arith.addf %add3A_310, %gather3A_321 : vector<16xf32>
        %xor3A_323 = arith.constant 2 : i32
        %xor3A_324 = vector.broadcast %xor3A_323 : i32 to vector<16xi32>
        %xor3A_325 = arith.xori %iota3A, %xor3A_324 : vector<16xi32>
        %lt3A_326 = arith.constant 0 : i32
        %lt3A_327 = vector.broadcast %lt3A_326 : i32 to vector<16xi32>
        %lt3A_328 = arith.cmpi slt, %xor3A_325, %lt3A_327 : vector<16xi32>
        %add3A_329 = arith.constant 16 : i32
        %add3A_330 = vector.broadcast %add3A_329 : i32 to vector<16xi32>
        %add3A_331 = arith.addi %xor3A_325, %add3A_330 : vector<16xi32>
        %select_n3A_332 = arith.select %lt3A_328, %add3A_331, %xor3A_325 : vector<16xi1>, vector<16xi32>
        %broadcast_in_dim3A_333 = vector.shape_cast %select_n3A_332 : vector<16xi32> to vector<16x1xi32>
        %gather3A_334 = vector.shape_cast %broadcast_in_dim3A_333 : vector<16x1xi32> to vector<16xi32>
        %gather3A_335 = tpu.dynamic_gather %add3A_322[%gather3A_334] in [0] : vector<16xf32>, vector<16xi32> -> vector<16xf32>
        %add3A_336 = arith.addf %add3A_322, %gather3A_335 : vector<16xf32>
        %xor3A_337 = arith.constant 4 : i32
        %xor3A_338 = vector.broadcast %xor3A_337 : i32 to vector<16xi32>
        %xor3A_339 = arith.xori %iota3A, %xor3A_338 : vector<16xi32>
        %lt3A_340 = arith.constant 0 : i32
        %lt3A_341 = vector.broadcast %lt3A_340 : i32 to vector<16xi32>
        %lt3A_342 = arith.cmpi slt, %xor3A_339, %lt3A_341 : vector<16xi32>
        %add3A_343 = arith.constant 16 : i32
        %add3A_344 = vector.broadcast %add3A_343 : i32 to vector<16xi32>
        %add3A_345 = arith.addi %xor3A_339, %add3A_344 : vector<16xi32>
        %select_n3A_346 = arith.select %lt3A_342, %add3A_345, %xor3A_339 : vector<16xi1>, vector<16xi32>
        %broadcast_in_dim3A_347 = vector.shape_cast %select_n3A_346 : vector<16xi32> to vector<16x1xi32>
        %gather3A_348 = vector.shape_cast %broadcast_in_dim3A_347 : vector<16x1xi32> to vector<16xi32>
        %gather3A_349 = tpu.dynamic_gather %add3A_336[%gather3A_348] in [0] : vector<16xf32>, vector<16xi32> -> vector<16xf32>
        %add3A_350 = arith.addf %add3A_336, %gather3A_349 : vector<16xf32>
        %xor3A_351 = arith.constant 8 : i32
        %xor3A_352 = vector.broadcast %xor3A_351 : i32 to vector<16xi32>
        %xor3A_353 = arith.xori %iota3A, %xor3A_352 : vector<16xi32>
        %lt3A_354 = arith.constant 0 : i32
        %lt3A_355 = vector.broadcast %lt3A_354 : i32 to vector<16xi32>
        %lt3A_356 = arith.cmpi slt, %xor3A_353, %lt3A_355 : vector<16xi32>
        %add3A_357 = arith.constant 16 : i32
        %add3A_358 = vector.broadcast %add3A_357 : i32 to vector<16xi32>
        %add3A_359 = arith.addi %xor3A_353, %add3A_358 : vector<16xi32>
        %select_n3A_360 = arith.select %lt3A_356, %add3A_359, %xor3A_353 : vector<16xi1>, vector<16xi32>
        %broadcast_in_dim3A_361 = vector.shape_cast %select_n3A_360 : vector<16xi32> to vector<16x1xi32>
        %gather3A_362 = vector.shape_cast %broadcast_in_dim3A_361 : vector<16x1xi32> to vector<16xi32>
        %gather3A_363 = tpu.dynamic_gather %add3A_350[%gather3A_362] in [0] : vector<16xf32>, vector<16xi32> -> vector<16xf32>
        %add3A_364 = arith.addf %add3A_350, %gather3A_363 : vector<16xf32>
        %exp3A = math.exp %add3A_364 : vector<16xf32>
        %swap3A_365 = arith.index_cast %scan3A_149 : i32 to index
        %swap3A_366 = arith.constant 0 : index
        %swap3A_367 = tpu.vector_load %arg22[%swap3A_365, %swap3A_366] {strides = array<i32>} : memref<80x128xf32, #tpu.memory_space<vmem>>, vector<1x16xf32>,
        %swap3A_368 = vector.shape_cast %swap3A_367 : vector<1x16xf32> to vector<16xf32>
        %swap3A_369 = vector.shape_cast %exp3A : vector<16xf32> to vector<1x16xf32>
        tpu.vector_store %arg22[%swap3A_365, %swap3A_366], %swap3A_369 {strides = array<i32>} : memref<80x128xf32, #tpu.memory_space<vmem>>, vector<1x16xf32>,
        %swap3A_370 = arith.index_cast %scan3A_149 : i32 to index
        %swap3A_371 = arith.constant 16 : index
        %swap3A_372 = tpu.vector_load %arg22[%swap3A_370, %swap3A_371] {strides = array<i32>} : memref<80x128xf32, #tpu.memory_space<vmem>>, vector<1x16xf32>,
        %swap3A_373 = vector.shape_cast %swap3A_372 : vector<1x16xf32> to vector<16xf32>
        %swap3A_374 = vector.shape_cast %exp3A : vector<16xf32> to vector<1x16xf32>
        tpu.vector_store %arg22[%swap3A_370, %swap3A_371], %swap3A_374 {strides = array<i32>} : memref<80x128xf32, #tpu.memory_space<vmem>>, vector<1x16xf32>,
        %swap3A_375 = arith.index_cast %scan3A_149 : i32 to index
        %swap3A_376 = arith.constant 32 : index
        %swap3A_377 = tpu.vector_load %arg22[%swap3A_375, %swap3A_376] {strides = array<i32>} : memref<80x128xf32, #tpu.memory_space<vmem>>, vector<1x16xf32>,
        %swap3A_378 = vector.shape_cast %swap3A_377 : vector<1x16xf32> to vector<16xf32>
        %swap3A_379 = vector.shape_cast %exp3A : vector<16xf32> to vector<1x16xf32>
        tpu.vector_store %arg22[%swap3A_375, %swap3A_376], %swap3A_379 {strides = array<i32>} : memref<80x128xf32, #tpu.memory_space<vmem>>, vector<1x16xf32>,
        %swap3A_380 = arith.index_cast %scan3A_149 : i32 to index
        %swap3A_381 = arith.constant 48 : index
        %swap3A_382 = tpu.vector_load %arg22[%swap3A_380, %swap3A_381] {strides = array<i32>} : memref<80x128xf32, #tpu.memory_space<vmem>>, vector<1x16xf32>,
        %swap3A_383 = vector.shape_cast %swap3A_382 : vector<1x16xf32> to vector<16xf32>
        %swap3A_384 = vector.shape_cast %exp3A : vector<16xf32> to vector<1x16xf32>
        tpu.vector_store %arg22[%swap3A_380, %swap3A_381], %swap3A_384 {strides = array<i32>} : memref<80x128xf32, #tpu.memory_space<vmem>>, vector<1x16xf32>,
        %swap3A_385 = arith.index_cast %scan3A_149 : i32 to index
        %swap3A_386 = arith.constant 64 : index
        %swap3A_387 = tpu.vector_load %arg22[%swap3A_385, %swap3A_386] {strides = array<i32>} : memref<80x128xf32, #tpu.memory_space<vmem>>, vector<1x16xf32>,
        %swap3A_388 = vector.shape_cast %swap3A_387 : vector<1x16xf32> to vector<16xf32>
        %swap3A_389 = vector.shape_cast %exp3A : vector<16xf32> to vector<1x16xf32>
        tpu.vector_store %arg22[%swap3A_385, %swap3A_386], %swap3A_389 {strides = array<i32>} : memref<80x128xf32, #tpu.memory_space<vmem>>, vector<1x16xf32>,
        %swap3A_390 = arith.index_cast %scan3A_149 : i32 to index
        %swap3A_391 = arith.constant 80 : index
        %swap3A_392 = tpu.vector_load %arg22[%swap3A_390, %swap3A_391] {strides = array<i32>} : memref<80x128xf32, #tpu.memory_space<vmem>>, vector<1x16xf32>,
        %swap3A_393 = vector.shape_cast %swap3A_392 : vector<1x16xf32> to vector<16xf32>
        %swap3A_394 = vector.shape_cast %exp3A : vector<16xf32> to vector<1x16xf32>
        tpu.vector_store %arg22[%swap3A_390, %swap3A_391], %swap3A_394 {strides = array<i32>} : memref<80x128xf32, #tpu.memory_space<vmem>>, vector<1x16xf32>,
        %swap3A_395 = arith.index_cast %scan3A_149 : i32 to index
        %swap3A_396 = arith.constant 96 : index
        %swap3A_397 = tpu.vector_load %arg22[%swap3A_395, %swap3A_396] {strides = array<i32>} : memref<80x128xf32, #tpu.memory_space<vmem>>, vector<1x16xf32>,
        %swap3A_398 = vector.shape_cast %swap3A_397 : vector<1x16xf32> to vector<16xf32>
        %swap3A_399 = vector.shape_cast %exp3A : vector<16xf32> to vector<1x16xf32>
        tpu.vector_store %arg22[%swap3A_395, %swap3A_396], %swap3A_399 {strides = array<i32>} : memref<80x128xf32, #tpu.memory_space<vmem>>, vector<1x16xf32>,
        %swap3A_400 = arith.index_cast %scan3A_149 : i32 to index
        %swap3A_401 = arith.constant 112 : index
        %swap3A_402 = tpu.vector_load %arg22[%swap3A_400, %swap3A_401] {strides = array<i32>} : memref<80x128xf32, #tpu.memory_space<vmem>>, vector<1x16xf32>,
        %swap3A_403 = vector.shape_cast %swap3A_402 : vector<1x16xf32> to vector<16xf32>
        %swap3A_404 = vector.shape_cast %exp3A : vector<16xf32> to vector<1x16xf32>
        tpu.vector_store %arg22[%swap3A_400, %swap3A_401], %swap3A_404 {strides = array<i32>} : memref<80x128xf32, #tpu.memory_space<vmem>>, vector<1x16xf32>,
        %get3A_405 = arith.index_cast %scan3A_149 : i32 to index
        %get3A_406 = arith.constant 0 : index
        %get3A_407 = tpu.vector_load %arg20[%get3A_405, %get3A_406] {strides = array<i32>} : memref<80x128xf32, #tpu.memory_space<vmem>>, vector<1x16xf32>,
        %get3A_408 = vector.shape_cast %get3A_407 : vector<1x16xf32> to vector<16xf32>
        %mul3A_409 = arith.mulf %get3A_408, %exp3A : vector<16xf32>
        %swap3A_410 = arith.index_cast %scan3A_149 : i32 to index
        %swap3A_411 = arith.constant 0 : index
        %swap3A_412 = tpu.vector_load %arg21[%swap3A_410, %swap3A_411] {strides = array<i32>} : memref<80x128xf32, #tpu.memory_space<vmem>>, vector<1x16xf32>,
        %swap3A_413 = vector.shape_cast %swap3A_412 : vector<1x16xf32> to vector<16xf32>
        %swap3A_414 = vector.shape_cast %mul3A_409 : vector<16xf32> to vector<1x16xf32>
        tpu.vector_store %arg21[%swap3A_410, %swap3A_411], %swap3A_414 {strides = array<i32>} : memref<80x128xf32, #tpu.memory_space<vmem>>, vector<1x16xf32>,
        %get3A_415 = arith.index_cast %scan3A_149 : i32 to index
        %get3A_416 = arith.constant 16 : index
        %get3A_417 = tpu.vector_load %arg20[%get3A_415, %get3A_416] {strides = array<i32>} : memref<80x128xf32, #tpu.memory_space<vmem>>, vector<1x16xf32>,
        %get3A_418 = vector.shape_cast %get3A_417 : vector<1x16xf32> to vector<16xf32>
        %mul3A_419 = arith.mulf %get3A_418, %exp3A : vector<16xf32>
        %swap3A_420 = arith.index_cast %scan3A_149 : i32 to index
        %swap3A_421 = arith.constant 16 : index
        %swap3A_422 = tpu.vector_load %arg21[%swap3A_420, %swap3A_421] {strides = array<i32>} : memref<80x128xf32, #tpu.memory_space<vmem>>, vector<1x16xf32>,
        %swap3A_423 = vector.shape_cast %swap3A_422 : vector<1x16xf32> to vector<16xf32>
        %swap3A_424 = vector.shape_cast %mul3A_419 : vector<16xf32> to vector<1x16xf32>
        tpu.vector_store %arg21[%swap3A_420, %swap3A_421], %swap3A_424 {strides = array<i32>} : memref<80x128xf32, #tpu.memory_space<vmem>>, vector<1x16xf32>,
        %get3A_425 = arith.index_cast %scan3A_149 : i32 to index
        %get3A_426 = arith.constant 32 : index
        %get3A_427 = tpu.vector_load %arg20[%get3A_425, %get3A_426] {strides = array<i32>} : memref<80x128xf32, #tpu.memory_space<vmem>>, vector<1x16xf32>,
        %get3A_428 = vector.shape_cast %get3A_427 : vector<1x16xf32> to vector<16xf32>
        %mul3A_429 = arith.mulf %get3A_428, %exp3A : vector<16xf32>
        %swap3A_430 = arith.index_cast %scan3A_149 : i32 to index
        %swap3A_431 = arith.constant 32 : index
        %swap3A_432 = tpu.vector_load %arg21[%swap3A_430, %swap3A_431] {strides = array<i32>} : memref<80x128xf32, #tpu.memory_space<vmem>>, vector<1x16xf32>,
        %swap3A_433 = vector.shape_cast %swap3A_432 : vector<1x16xf32> to vector<16xf32>
        %swap3A_434 = vector.shape_cast %mul3A_429 : vector<16xf32> to vector<1x16xf32>
        tpu.vector_store %arg21[%swap3A_430, %swap3A_431], %swap3A_434 {strides = array<i32>} : memref<80x128xf32, #tpu.memory_space<vmem>>, vector<1x16xf32>,
        %get3A_435 = arith.index_cast %scan3A_149 : i32 to index
        %get3A_436 = arith.constant 48 : index
        %get3A_437 = tpu.vector_load %arg20[%get3A_435, %get3A_436] {strides = array<i32>} : memref<80x128xf32, #tpu.memory_space<vmem>>, vector<1x16xf32>,
        %get3A_438 = vector.shape_cast %get3A_437 : vector<1x16xf32> to vector<16xf32>
        %mul3A_439 = arith.mulf %get3A_438, %exp3A : vector<16xf32>
        %swap3A_440 = arith.index_cast %scan3A_149 : i32 to index
        %swap3A_441 = arith.constant 48 : index
        %swap3A_442 = tpu.vector_load %arg21[%swap3A_440, %swap3A_441] {strides = array<i32>} : memref<80x128xf32, #tpu.memory_space<vmem>>, vector<1x16xf32>,
        %swap3A_443 = vector.shape_cast %swap3A_442 : vector<1x16xf32> to vector<16xf32>
        %swap3A_444 = vector.shape_cast %mul3A_439 : vector<16xf32> to vector<1x16xf32>
        tpu.vector_store %arg21[%swap3A_440, %swap3A_441], %swap3A_444 {strides = array<i32>} : memref<80x128xf32, #tpu.memory_space<vmem>>, vector<1x16xf32>,
        %get3A_445 = arith.index_cast %scan3A_149 : i32 to index
        %get3A_446 = arith.constant 64 : index
        %get3A_447 = tpu.vector_load %arg20[%get3A_445, %get3A_446] {strides = array<i32>} : memref<80x128xf32, #tpu.memory_space<vmem>>, vector<1x16xf32>,
        %get3A_448 = vector.shape_cast %get3A_447 : vector<1x16xf32> to vector<16xf32>
        %mul3A_449 = arith.mulf %get3A_448, %exp3A : vector<16xf32>
        %swap3A_450 = arith.index_cast %scan3A_149 : i32 to index
        %swap3A_451 = arith.constant 64 : index
        %swap3A_452 = tpu.vector_load %arg21[%swap3A_450, %swap3A_451] {strides = array<i32>} : memref<80x128xf32, #tpu.memory_space<vmem>>, vector<1x16xf32>,
        %swap3A_453 = vector.shape_cast %swap3A_452 : vector<1x16xf32> to vector<16xf32>
        %swap3A_454 = vector.shape_cast %mul3A_449 : vector<16xf32> to vector<1x16xf32>
        tpu.vector_store %arg21[%swap3A_450, %swap3A_451], %swap3A_454 {strides = array<i32>} : memref<80x128xf32, #tpu.memory_space<vmem>>, vector<1x16xf32>,
        %get3A_455 = arith.index_cast %scan3A_149 : i32 to index
        %get3A_456 = arith.constant 80 : index
        %get3A_457 = tpu.vector_load %arg20[%get3A_455, %get3A_456] {strides = array<i32>} : memref<80x128xf32, #tpu.memory_space<vmem>>, vector<1x16xf32>,
        %get3A_458 = vector.shape_cast %get3A_457 : vector<1x16xf32> to vector<16xf32>
        %mul3A_459 = arith.mulf %get3A_458, %exp3A : vector<16xf32>
        %swap3A_460 = arith.index_cast %scan3A_149 : i32 to index
        %swap3A_461 = arith.constant 80 : index
        %swap3A_462 = tpu.vector_load %arg21[%swap3A_460, %swap3A_461] {strides = array<i32>} : memref<80x128xf32, #tpu.memory_space<vmem>>, vector<1x16xf32>,
        %swap3A_463 = vector.shape_cast %swap3A_462 : vector<1x16xf32> to vector<16xf32>
        %swap3A_464 = vector.shape_cast %mul3A_459 : vector<16xf32> to vector<1x16xf32>
        tpu.vector_store %arg21[%swap3A_460, %swap3A_461], %swap3A_464 {strides = array<i32>} : memref<80x128xf32, #tpu.memory_space<vmem>>, vector<1x16xf32>,
        %get3A_465 = arith.index_cast %scan3A_149 : i32 to index
        %get3A_466 = arith.constant 96 : index
        %get3A_467 = tpu.vector_load %arg20[%get3A_465, %get3A_466] {strides = array<i32>} : memref<80x128xf32, #tpu.memory_space<vmem>>, vector<1x16xf32>,
        %get3A_468 = vector.shape_cast %get3A_467 : vector<1x16xf32> to vector<16xf32>
        %mul3A_469 = arith.mulf %get3A_468, %exp3A : vector<16xf32>
        %swap3A_470 = arith.index_cast %scan3A_149 : i32 to index
        %swap3A_471 = arith.constant 96 : index
        %swap3A_472 = tpu.vector_load %arg21[%swap3A_470, %swap3A_471] {strides = array<i32>} : memref<80x128xf32, #tpu.memory_space<vmem>>, vector<1x16xf32>,
        %swap3A_473 = vector.shape_cast %swap3A_472 : vector<1x16xf32> to vector<16xf32>
        %swap3A_474 = vector.shape_cast %mul3A_469 : vector<16xf32> to vector<1x16xf32>
        tpu.vector_store %arg21[%swap3A_470, %swap3A_471], %swap3A_474 {strides = array<i32>} : memref<80x128xf32, #tpu.memory_space<vmem>>, vector<1x16xf32>,
        %get3A_475 = arith.index_cast %scan3A_149 : i32 to index
        %get3A_476 = arith.constant 112 : index
        %get3A_477 = tpu.vector_load %arg20[%get3A_475, %get3A_476] {strides = array<i32>} : memref<80x128xf32, #tpu.memory_space<vmem>>, vector<1x16xf32>,
        %get3A_478 = vector.shape_cast %get3A_477 : vector<1x16xf32> to vector<16xf32>
        %mul3A_479 = arith.mulf %get3A_478, %exp3A : vector<16xf32>
        %swap3A_480 = arith.index_cast %scan3A_149 : i32 to index
        %swap3A_481 = arith.constant 112 : index
        %swap3A_482 = tpu.vector_load %arg21[%swap3A_480, %swap3A_481] {strides = array<i32>} : memref<80x128xf32, #tpu.memory_space<vmem>>, vector<1x16xf32>,
        %swap3A_483 = vector.shape_cast %swap3A_482 : vector<1x16xf32> to vector<16xf32>
        %swap3A_484 = vector.shape_cast %mul3A_479 : vector<16xf32> to vector<1x16xf32>
        tpu.vector_store %arg21[%swap3A_480, %swap3A_481], %swap3A_484 {strides = array<i32>} : memref<80x128xf32, #tpu.memory_space<vmem>>, vector<1x16xf32>,
      }
      %scan3A_148 = arith.constant 80 : i32
      "tpu.region"() ({
        %run_scoped3A_149 = tpu.sem_alloc : memref<!tpu.dma_semaphore, #tpu.memory_space<semaphore_mem>>
        %dma_start3A_150 = arith.constant 0 : i32
        %dma_start3A_151 = arith.constant 0 : i32
        %dma_start3A_152 = tpu.memref_slice %arg26[%dma_start3A_150, %dma_start3A_151] : memref<5008x128xf32, #tpu.memory_space<vmem_shared>> -> memref<5008x128xf32, #tpu.memory_space<vmem_shared>>
        tpu.enqueue_indirect_dma source(%arg21 : memref<80x128xf32, #tpu.memory_space<vmem>>) target(%dma_start3A_152 : memref<5008x128xf32, #tpu.memory_space<vmem_shared>>) offsets(%arg19 : memref<80xi32, #tpu.memory_space<vmem>>) semaphore(%run_scoped3A_149 : memref<!tpu.dma_semaphore, #tpu.memory_space<semaphore_mem>>) {add = true}
        %dma_wait3A_153 = arith.constant 0 : i32
        %dma_wait3A_154 = arith.constant 0 : i32
        %dma_wait3A_155 = tpu.memref_slice %arg26[%dma_wait3A_153, %dma_wait3A_154] : memref<5008x128xf32, #tpu.memory_space<vmem_shared>> -> memref<5008x128xf32, #tpu.memory_space<vmem_shared>>
        tpu.wait_indirect_dma semaphore(%run_scoped3A_149 : memref<!tpu.dma_semaphore, #tpu.memory_space<semaphore_mem>>) src(%arg21 : memref<80x128xf32, #tpu.memory_space<vmem>>) dst(%dma_wait3A_155 : memref<5008x128xf32, #tpu.memory_space<vmem_shared>>)
        tpu.yield
      }) : () -> ()
      "tpu.region"() ({
        %run_scoped3A_149 = tpu.sem_alloc : memref<!tpu.dma_semaphore, #tpu.memory_space<semaphore_mem>>
        %dma_start3A_150 = arith.constant 0 : i32
        %dma_start3A_151 = arith.constant 0 : i32
        %dma_start3A_152 = tpu.memref_slice %arg27[%dma_start3A_150, %dma_start3A_151] : memref<5008x128xf32, #tpu.memory_space<vmem_shared>> -> memref<5008x128xf32, #tpu.memory_space<vmem_shared>>
        tpu.enqueue_indirect_dma source(%arg22 : memref<80x128xf32, #tpu.memory_space<vmem>>) target(%dma_start3A_152 : memref<5008x128xf32, #tpu.memory_space<vmem_shared>>) offsets(%arg19 : memref<80xi32, #tpu.memory_space<vmem>>) semaphore(%run_scoped3A_149 : memref<!tpu.dma_semaphore, #tpu.memory_space<semaphore_mem>>) {add = true}
        %dma_wait3A_153 = arith.constant 0 : i32
        %dma_wait3A_154 = arith.constant 0 : i32
        %dma_wait3A_155 = tpu.memref_slice %arg27[%dma_wait3A_153, %dma_wait3A_154] : memref<5008x128xf32, #tpu.memory_space<vmem_shared>> -> memref<5008x128xf32, #tpu.memory_space<vmem_shared>>
        tpu.wait_indirect_dma semaphore(%run_scoped3A_149 : memref<!tpu.dma_semaphore, #tpu.memory_space<semaphore_mem>>) src(%arg22 : memref<80x128xf32, #tpu.memory_space<vmem>>) dst(%dma_wait3A_155 : memref<5008x128xf32, #tpu.memory_space<vmem_shared>>)
        tpu.yield
      }) : () -> ()
    }
    %scan3A_37 = arith.constant 250 : i32
    %barrier3A_38 = arith.constant 0 : index
    tpu.barrier barrier_id(%barrier3A_38)
    %run_scoped3A_39 = arith.constant 3 : i32
    "tpu.region"() ({
      %run_scoped3A_42 = tpu.sem_alloc : memref<!tpu.dma_semaphore, #tpu.memory_space<semaphore_mem>>
      %dma_start3A = arith.constant 0 : i32
      %dma_start3A_43 = tpu.memref_slice %arg15[%run_scoped3A_39, %mul3A_0, %dma_start3A] : memref<4x10000x128xf32, #tpu.memory_space<hbm>> -> memref<1x5000x128xf32, #tpu.memory_space<hbm>>
      %dma_start3A_44 = tpu.memref_squeeze %dma_start3A_43 : memref<1x5000x128xf32, #tpu.memory_space<hbm>> -> memref<5000x128xf32, #tpu.memory_space<hbm>>
      %dma_start3A_45 = arith.constant 0 : i32
      %dma_start3A_46 = arith.constant 0 : i32
      %dma_start3A_47 = tpu.memref_slice %arg26[%dma_start3A_45, %dma_start3A_46] : memref<5008x128xf32, #tpu.memory_space<vmem_shared>> -> memref<5000x128xf32, #tpu.memory_space<vmem_shared>>
      tpu.enqueue_dma source(%dma_start3A_47 : memref<5000x128xf32, #tpu.memory_space<vmem_shared>>) target(%dma_start3A_44 : memref<5000x128xf32, #tpu.memory_space<hbm>>) target_semaphore(%run_scoped3A_42 : memref<!tpu.dma_semaphore, #tpu.memory_space<semaphore_mem>>)
      %dma_wait3A = arith.constant 0 : i32
      %dma_wait3A_48 = tpu.memref_slice %arg15[%run_scoped3A_39, %mul3A_0, %dma_wait3A] : memref<4x10000x128xf32, #tpu.memory_space<hbm>> -> memref<1x5000x128xf32, #tpu.memory_space<hbm>>
      %dma_wait3A_49 = tpu.memref_squeeze %dma_wait3A_48 : memref<1x5000x128xf32, #tpu.memory_space<hbm>> -> memref<5000x128xf32, #tpu.memory_space<hbm>>
      %dma_wait3A_50 = arith.constant 0 : i32
      %dma_wait3A_51 = arith.constant 0 : i32
      %dma_wait3A_52 = tpu.memref_slice %arg26[%dma_wait3A_50, %dma_wait3A_51] : memref<5008x128xf32, #tpu.memory_space<vmem_shared>> -> memref<5000x128xf32, #tpu.memory_space<vmem_shared>>
      tpu.wait_dma2 semaphore(%run_scoped3A_42 : memref<!tpu.dma_semaphore, #tpu.memory_space<semaphore_mem>>) src(%dma_wait3A_52 : memref<5000x128xf32, #tpu.memory_space<vmem_shared>>) dst(%dma_wait3A_49 : memref<5000x128xf32, #tpu.memory_space<hbm>>)
      tpu.yield
    }) : () -> ()
    %run_scoped3A_40 = arith.constant 3 : i32
    "tpu.region"() ({
      %run_scoped3A_42 = tpu.sem_alloc : memref<!tpu.dma_semaphore, #tpu.memory_space<semaphore_mem>>
      %dma_start3A = arith.constant 0 : i32
      %dma_start3A_43 = tpu.memref_slice %arg16[%run_scoped3A_40, %mul3A_0, %dma_start3A] : memref<4x10000x128xf32, #tpu.memory_space<hbm>> -> memref<1x5000x128xf32, #tpu.memory_space<hbm>>
      %dma_start3A_44 = tpu.memref_squeeze %dma_start3A_43 : memref<1x5000x128xf32, #tpu.memory_space<hbm>> -> memref<5000x128xf32, #tpu.memory_space<hbm>>
      %dma_start3A_45 = arith.constant 0 : i32
      %dma_start3A_46 = arith.constant 0 : i32
      %dma_start3A_47 = tpu.memref_slice %arg27[%dma_start3A_45, %dma_start3A_46] : memref<5008x128xf32, #tpu.memory_space<vmem_shared>> -> memref<5000x128xf32, #tpu.memory_space<vmem_shared>>
      tpu.enqueue_dma source(%dma_start3A_47 : memref<5000x128xf32, #tpu.memory_space<vmem_shared>>) target(%dma_start3A_44 : memref<5000x128xf32, #tpu.memory_space<hbm>>) target_semaphore(%run_scoped3A_42 : memref<!tpu.dma_semaphore, #tpu.memory_space<semaphore_mem>>)
      %dma_wait3A = arith.constant 0 : i32
      %dma_wait3A_48 = tpu.memref_slice %arg16[%run_scoped3A_40, %mul3A_0, %dma_wait3A] : memref<4x10000x128xf32, #tpu.memory_space<hbm>> -> memref<1x5000x128xf32, #tpu.memory_space<hbm>>
      %dma_wait3A_49 = tpu.memref_squeeze %dma_wait3A_48 : memref<1x5000x128xf32, #tpu.memory_space<hbm>> -> memref<5000x128xf32, #tpu.memory_space<hbm>>
      %dma_wait3A_50 = arith.constant 0 : i32
      %dma_wait3A_51 = arith.constant 0 : i32
      %dma_wait3A_52 = tpu.memref_slice %arg27[%dma_wait3A_50, %dma_wait3A_51] : memref<5008x128xf32, #tpu.memory_space<vmem_shared>> -> memref<5000x128xf32, #tpu.memory_space<vmem_shared>>
      tpu.wait_dma2 semaphore(%run_scoped3A_42 : memref<!tpu.dma_semaphore, #tpu.memory_space<semaphore_mem>>) src(%dma_wait3A_52 : memref<5000x128xf32, #tpu.memory_space<vmem_shared>>) dst(%dma_wait3A_49 : memref<5000x128xf32, #tpu.memory_space<hbm>>)
      tpu.yield
    }) : () -> ()
    %barrier3A_41 = arith.constant 0 : index
    tpu.barrier barrier_id(%barrier3A_41)
    return
  }
}

module attributes {stable_mosaic.version = 14 : i64} {
  func.func @_proj_body(%arg0: i32, %arg1: i32, %arg2: memref<2000x128xf32, #tpu.memory_space<vmem>>, %arg3: memref<128x128xf32, #tpu.memory_space<vmem>>, %arg4: memref<1x1x128xf32, #tpu.memory_space<vmem>>, %arg5: memref<128x128xf32, #tpu.memory_space<vmem>>, %arg6: memref<1x1x128xf32, #tpu.memory_space<vmem>>, %arg7: memref<1x2000x128xf32, #tpu.memory_space<vmem>>, %arg8: memref<1x2000x128xf32, #tpu.memory_space<vmem>>) attributes {dimension_semantics = [#tpu.dimension_semantics<arbitrary>, #tpu.dimension_semantics<arbitrary>], iteration_bounds = array<i64: 4, 5>, scalar_prefetch = 0 : i64, scratch_operands = 0 : i64, tpu.core_type = #tpu.core_type<tc>, window_params = [{transform_indices = @transform_0, window_bounds = array<i64: 2000, 128>}, {transform_indices = @transform_1, window_bounds = array<i64: 128, 128>}, {transform_indices = @transform_2, window_bounds = array<i64: 1, 1, 128>}, {transform_indices = @transform_3, window_bounds = array<i64: 128, 128>}, {transform_indices = @transform_4, window_bounds = array<i64: 1, 1, 128>}, {transform_indices = @transform_5, window_bounds = array<i64: 1, 2000, 128>}, {transform_indices = @transform_6, window_bounds = array<i64: 1, 2000, 128>}]} {
    %get3A = arith.constant 0 : index
    %get3A_0 = arith.constant 0 : index
    %get3A_1 = vector.load %arg2[%get3A, %get3A_0] : memref<2000x128xf32, #tpu.memory_space<vmem>>, vector<2000x128xf32>
    %get3A_2 = arith.constant 0 : index
    %get3A_3 = arith.constant 0 : index
    %get3A_4 = vector.load %arg3[%get3A_2, %get3A_3] : memref<128x128xf32, #tpu.memory_space<vmem>>, vector<128x128xf32>
    %dot_general3A = arith.constant dense<0.000000e+00> : vector<2000x128xf32>
    %dot_general3A_5 = tpu.matmul %get3A_1, %get3A_4, %dot_general3A {dimension_numbers = #tpu.dot_dimension_numbers<[1], [1], [0], [0], [0, 0, 1, 0], [], []>, transpose_lhs_hint = false} : vector<2000x128xf32>, vector<128x128xf32>, vector<2000x128xf32> -> vector<2000x128xf32>
    %get3A_6 = arith.constant 0 : index
    %get3A_7 = arith.constant 0 : index
    %get3A_8 = vector.load %arg5[%get3A_6, %get3A_7] : memref<128x128xf32, #tpu.memory_space<vmem>>, vector<128x128xf32>
    %dot_general3A_9 = arith.constant dense<0.000000e+00> : vector<2000x128xf32>
    %dot_general3A_10 = tpu.matmul %get3A_1, %get3A_8, %dot_general3A_9 {dimension_numbers = #tpu.dot_dimension_numbers<[1], [1], [0], [0], [0, 0, 1, 0], [], []>, transpose_lhs_hint = false} : vector<2000x128xf32>, vector<128x128xf32>, vector<2000x128xf32> -> vector<2000x128xf32>
    %get3A_11 = arith.constant 0 : index
    %get3A_12 = arith.constant 0 : index
    %get3A_13 = arith.constant 0 : index
    %get3A_14 = vector.load %arg4[%get3A_11, %get3A_12, %get3A_13] : memref<1x1x128xf32, #tpu.memory_space<vmem>>, vector<1x1x128xf32>
    %get3A_15 = vector.shape_cast %get3A_14 : vector<1x1x128xf32> to vector<1x128xf32>
    %add3A = vector.broadcast %get3A_15 : vector<1x128xf32> to vector<2000x128xf32>
    %add3A_16 = arith.addf %dot_general3A_5, %add3A : vector<2000x128xf32>
    %broadcast_in_dim3A = vector.shape_cast %add3A_16 : vector<2000x128xf32> to vector<1x2000x128xf32>
    %swap3A = arith.constant 0 : index
    %swap3A_17 = arith.constant 0 : index
    %swap3A_18 = arith.constant 0 : index
    %swap3A_19 = vector.load %arg7[%swap3A, %swap3A_17, %swap3A_18] : memref<1x2000x128xf32, #tpu.memory_space<vmem>>, vector<1x2000x128xf32>
    tpu.vector_store %arg7[%swap3A, %swap3A_17, %swap3A_18], %broadcast_in_dim3A {strides = array<i32>} : memref<1x2000x128xf32, #tpu.memory_space<vmem>>, vector<1x2000x128xf32>,
    %get3A_20 = arith.constant 0 : index
    %get3A_21 = arith.constant 0 : index
    %get3A_22 = arith.constant 0 : index
    %get3A_23 = vector.load %arg6[%get3A_20, %get3A_21, %get3A_22] : memref<1x1x128xf32, #tpu.memory_space<vmem>>, vector<1x1x128xf32>
    %get3A_24 = vector.shape_cast %get3A_23 : vector<1x1x128xf32> to vector<1x128xf32>
    %add3A_25 = vector.broadcast %get3A_24 : vector<1x128xf32> to vector<2000x128xf32>
    %add3A_26 = arith.addf %dot_general3A_10, %add3A_25 : vector<2000x128xf32>
    %broadcast_in_dim3A_27 = vector.shape_cast %add3A_26 : vector<2000x128xf32> to vector<1x2000x128xf32>
    %swap3A_28 = arith.constant 0 : index
    %swap3A_29 = arith.constant 0 : index
    %swap3A_30 = arith.constant 0 : index
    %swap3A_31 = vector.load %arg8[%swap3A_28, %swap3A_29, %swap3A_30] : memref<1x2000x128xf32, #tpu.memory_space<vmem>>, vector<1x2000x128xf32>
    tpu.vector_store %arg8[%swap3A_28, %swap3A_29, %swap3A_30], %broadcast_in_dim3A_27 {strides = array<i32>} : memref<1x2000x128xf32, #tpu.memory_space<vmem>>, vector<1x2000x128xf32>,
    return
  }
  func.func @transform_0(%arg0: i32, %arg1: i32) -> (i32, i32) {
    %c0_i32 = arith.constant 0 : i32
    %c0_i32_0 = arith.constant 0 : i32
    return %arg1, %c0_i32 : i32, i32
  }
  func.func @transform_1(%arg0: i32, %arg1: i32) -> (i32, i32) {
    %c0_i32 = arith.constant 0 : i32
    %c0_i32_0 = arith.constant 0 : i32
    return %arg0, %c0_i32 : i32, i32
  }
  func.func @transform_2(%arg0: i32, %arg1: i32) -> (i32, i32, i32) {
    %c0_i32 = arith.constant 0 : i32
    %c0_i32_0 = arith.constant 0 : i32
    %c0_i32_1 = arith.constant 0 : i32
    return %arg0, %c0_i32, %c0_i32_0 : i32, i32, i32
  }
  func.func @transform_3(%arg0: i32, %arg1: i32) -> (i32, i32) {
    %c0_i32 = arith.constant 0 : i32
    %c0_i32_0 = arith.constant 0 : i32
    return %arg0, %c0_i32 : i32, i32
  }
  func.func @transform_4(%arg0: i32, %arg1: i32) -> (i32, i32, i32) {
    %c0_i32 = arith.constant 0 : i32
    %c0_i32_0 = arith.constant 0 : i32
    %c0_i32_1 = arith.constant 0 : i32
    return %arg0, %c0_i32, %c0_i32_0 : i32, i32, i32
  }
  func.func @transform_5(%arg0: i32, %arg1: i32) -> (i32, i32, i32) {
    %c0_i32 = arith.constant 0 : i32
    %c0_i32_0 = arith.constant 0 : i32
    return %arg0, %arg1, %c0_i32 : i32, i32, i32
  }
  func.func @transform_6(%arg0: i32, %arg1: i32) -> (i32, i32, i32) {
    %c0_i32 = arith.constant 0 : i32
    %c0_i32_0 = arith.constant 0 : i32
    return %arg0, %arg1, %c0_i32 : i32, i32, i32
  }
}

module attributes {stable_mosaic.version = 14 : i64} {
  func.func @_final_body(%arg0: i32, %arg1: memref<4x1000x128xf32, #tpu.memory_space<vmem>>, %arg2: memref<4x1000x128xf32, #tpu.memory_space<vmem>>, %arg3: memref<1x128xf32, #tpu.memory_space<vmem>>, %arg4: memref<460x128xf32, #tpu.memory_space<vmem>>, %arg5: memref<1x460xf32, #tpu.memory_space<vmem>>, %arg6: memref<1000x460xf32, #tpu.memory_space<vmem>>) attributes {dimension_semantics = [#tpu.dimension_semantics<arbitrary>], iteration_bounds = array<i64: 10>, scalar_prefetch = 0 : i64, scratch_operands = 0 : i64, tpu.core_type = #tpu.core_type<tc>, window_params = [{transform_indices = @transform_0, window_bounds = array<i64: 4, 1000, 128>}, {transform_indices = @transform_1, window_bounds = array<i64: 4, 1000, 128>}, {pipeline_mode = #tpu.pipeline_mode<synchronous>, transform_indices = @transform_2, window_bounds = array<i64: 1, 128>}, {pipeline_mode = #tpu.pipeline_mode<synchronous>, transform_indices = @transform_3, window_bounds = array<i64: 460, 128>}, {pipeline_mode = #tpu.pipeline_mode<synchronous>, transform_indices = @transform_4, window_bounds = array<i64: 1, 460>}, {transform_indices = @transform_5, window_bounds = array<i64: 1000, 460>}]} {
    %broadcast_in_dim3A = arith.constant 0.000000e+00 : f32
    %broadcast_in_dim3A_0 = vector.broadcast %broadcast_in_dim3A : f32 to vector<1000x128xf32>
    %get3A = arith.constant 0 : index
    %get3A_1 = arith.constant 0 : index
    %get3A_2 = arith.constant 0 : index
    %get3A_3 = vector.load %arg1[%get3A, %get3A_1, %get3A_2] : memref<4x1000x128xf32, #tpu.memory_space<vmem>>, vector<1x1000x128xf32>
    %get3A_4 = vector.shape_cast %get3A_3 : vector<1x1000x128xf32> to vector<1000x128xf32>
    %get3A_5 = arith.constant 0 : index
    %get3A_6 = arith.constant 0 : index
    %get3A_7 = arith.constant 0 : index
    %get3A_8 = vector.load %arg2[%get3A_5, %get3A_6, %get3A_7] : memref<4x1000x128xf32, #tpu.memory_space<vmem>>, vector<1x1000x128xf32>
    %get3A_9 = vector.shape_cast %get3A_8 : vector<1x1000x128xf32> to vector<1000x128xf32>
    %slice3A = vector.extract_strided_slice %get3A_9 {offsets = [0, 0], sizes = [1000, 1], strides = [1, 1]} : vector<1000x128xf32> to vector<1000x1xf32>
    %add3A = arith.constant 1.000000e-16 : f32
    %add3A_10 = vector.broadcast %add3A : f32 to vector<1000x1xf32>
    %add3A_11 = arith.addf %slice3A, %add3A_10 : vector<1000x1xf32>
    %div3A = vector.broadcast %add3A_11 : vector<1000x1xf32> to vector<1000x128xf32>
    %div3A_12 = arith.divf %get3A_4, %div3A : vector<1000x128xf32>
    %add3A_13 = arith.addf %broadcast_in_dim3A_0, %div3A_12 : vector<1000x128xf32>
    %get3A_14 = arith.constant 1 : index
    %get3A_15 = arith.constant 0 : index
    %get3A_16 = arith.constant 0 : index
    %get3A_17 = vector.load %arg1[%get3A_14, %get3A_15, %get3A_16] : memref<4x1000x128xf32, #tpu.memory_space<vmem>>, vector<1x1000x128xf32>
    %get3A_18 = vector.shape_cast %get3A_17 : vector<1x1000x128xf32> to vector<1000x128xf32>
    %get3A_19 = arith.constant 1 : index
    %get3A_20 = arith.constant 0 : index
    %get3A_21 = arith.constant 0 : index
    %get3A_22 = vector.load %arg2[%get3A_19, %get3A_20, %get3A_21] : memref<4x1000x128xf32, #tpu.memory_space<vmem>>, vector<1x1000x128xf32>
    %get3A_23 = vector.shape_cast %get3A_22 : vector<1x1000x128xf32> to vector<1000x128xf32>
    %slice3A_24 = vector.extract_strided_slice %get3A_23 {offsets = [0, 0], sizes = [1000, 1], strides = [1, 1]} : vector<1000x128xf32> to vector<1000x1xf32>
    %add3A_25 = arith.constant 1.000000e-16 : f32
    %add3A_26 = vector.broadcast %add3A_25 : f32 to vector<1000x1xf32>
    %add3A_27 = arith.addf %slice3A_24, %add3A_26 : vector<1000x1xf32>
    %div3A_28 = vector.broadcast %add3A_27 : vector<1000x1xf32> to vector<1000x128xf32>
    %div3A_29 = arith.divf %get3A_18, %div3A_28 : vector<1000x128xf32>
    %add3A_30 = arith.addf %add3A_13, %div3A_29 : vector<1000x128xf32>
    %get3A_31 = arith.constant 2 : index
    %get3A_32 = arith.constant 0 : index
    %get3A_33 = arith.constant 0 : index
    %get3A_34 = vector.load %arg1[%get3A_31, %get3A_32, %get3A_33] : memref<4x1000x128xf32, #tpu.memory_space<vmem>>, vector<1x1000x128xf32>
    %get3A_35 = vector.shape_cast %get3A_34 : vector<1x1000x128xf32> to vector<1000x128xf32>
    %get3A_36 = arith.constant 2 : index
    %get3A_37 = arith.constant 0 : index
    %get3A_38 = arith.constant 0 : index
    %get3A_39 = vector.load %arg2[%get3A_36, %get3A_37, %get3A_38] : memref<4x1000x128xf32, #tpu.memory_space<vmem>>, vector<1x1000x128xf32>
    %get3A_40 = vector.shape_cast %get3A_39 : vector<1x1000x128xf32> to vector<1000x128xf32>
    %slice3A_41 = vector.extract_strided_slice %get3A_40 {offsets = [0, 0], sizes = [1000, 1], strides = [1, 1]} : vector<1000x128xf32> to vector<1000x1xf32>
    %add3A_42 = arith.constant 1.000000e-16 : f32
    %add3A_43 = vector.broadcast %add3A_42 : f32 to vector<1000x1xf32>
    %add3A_44 = arith.addf %slice3A_41, %add3A_43 : vector<1000x1xf32>
    %div3A_45 = vector.broadcast %add3A_44 : vector<1000x1xf32> to vector<1000x128xf32>
    %div3A_46 = arith.divf %get3A_35, %div3A_45 : vector<1000x128xf32>
    %add3A_47 = arith.addf %add3A_30, %div3A_46 : vector<1000x128xf32>
    %get3A_48 = arith.constant 3 : index
    %get3A_49 = arith.constant 0 : index
    %get3A_50 = arith.constant 0 : index
    %get3A_51 = vector.load %arg1[%get3A_48, %get3A_49, %get3A_50] : memref<4x1000x128xf32, #tpu.memory_space<vmem>>, vector<1x1000x128xf32>
    %get3A_52 = vector.shape_cast %get3A_51 : vector<1x1000x128xf32> to vector<1000x128xf32>
    %get3A_53 = arith.constant 3 : index
    %get3A_54 = arith.constant 0 : index
    %get3A_55 = arith.constant 0 : index
    %get3A_56 = vector.load %arg2[%get3A_53, %get3A_54, %get3A_55] : memref<4x1000x128xf32, #tpu.memory_space<vmem>>, vector<1x1000x128xf32>
    %get3A_57 = vector.shape_cast %get3A_56 : vector<1x1000x128xf32> to vector<1000x128xf32>
    %slice3A_58 = vector.extract_strided_slice %get3A_57 {offsets = [0, 0], sizes = [1000, 1], strides = [1, 1]} : vector<1000x128xf32> to vector<1000x1xf32>
    %add3A_59 = arith.constant 1.000000e-16 : f32
    %add3A_60 = vector.broadcast %add3A_59 : f32 to vector<1000x1xf32>
    %add3A_61 = arith.addf %slice3A_58, %add3A_60 : vector<1000x1xf32>
    %div3A_62 = vector.broadcast %add3A_61 : vector<1000x1xf32> to vector<1000x128xf32>
    %div3A_63 = arith.divf %get3A_52, %div3A_62 : vector<1000x128xf32>
    %add3A_64 = arith.addf %add3A_47, %div3A_63 : vector<1000x128xf32>
    %mul3A = arith.constant 2.500000e-01 : f32
    %mul3A_65 = vector.broadcast %mul3A : f32 to vector<1000x128xf32>
    %mul3A_66 = arith.mulf %add3A_64, %mul3A_65 : vector<1000x128xf32>
    %get3A_67 = arith.constant 0 : index
    %get3A_68 = arith.constant 0 : index
    %get3A_69 = vector.load %arg3[%get3A_67, %get3A_68] : memref<1x128xf32, #tpu.memory_space<vmem>>, vector<1x128xf32>
    %add3A_70 = vector.broadcast %get3A_69 : vector<1x128xf32> to vector<1000x128xf32>
    %add3A_71 = arith.addf %mul3A_66, %add3A_70 : vector<1000x128xf32>
    %get3A_72 = arith.constant 0 : index
    %get3A_73 = arith.constant 0 : index
    %get3A_74 = vector.load %arg4[%get3A_72, %get3A_73] : memref<460x128xf32, #tpu.memory_space<vmem>>, vector<460x128xf32>
    %dot_general3A = arith.constant dense<0.000000e+00> : vector<1000x460xf32>
    %dot_general3A_75 = tpu.matmul %add3A_71, %get3A_74, %dot_general3A {dimension_numbers = #tpu.dot_dimension_numbers<[1], [1], [0], [0], [0, 0, 1, 0], [], []>, transpose_lhs_hint = false} : vector<1000x128xf32>, vector<460x128xf32>, vector<1000x460xf32> -> vector<1000x460xf32>
    %get3A_76 = arith.constant 0 : index
    %get3A_77 = arith.constant 0 : index
    %get3A_78 = vector.load %arg5[%get3A_76, %get3A_77] : memref<1x460xf32, #tpu.memory_space<vmem>>, vector<1x460xf32>
    %add3A_79 = vector.broadcast %get3A_78 : vector<1x460xf32> to vector<1000x460xf32>
    %add3A_80 = arith.addf %dot_general3A_75, %add3A_79 : vector<1000x460xf32>
    %swap3A = arith.constant 0 : index
    %swap3A_81 = arith.constant 0 : index
    %swap3A_82 = vector.load %arg6[%swap3A, %swap3A_81] : memref<1000x460xf32, #tpu.memory_space<vmem>>, vector<1000x460xf32>
    tpu.vector_store %arg6[%swap3A, %swap3A_81], %add3A_80 {strides = array<i32>} : memref<1000x460xf32, #tpu.memory_space<vmem>>, vector<1000x460xf32>,
    return
  }
  func.func @transform_0(%arg0: i32) -> (i32, i32, i32) {
    %c0_i32 = arith.constant 0 : i32
    %c0_i32_0 = arith.constant 0 : i32
    %c0_i32_1 = arith.constant 0 : i32
    return %c0_i32, %arg0, %c0_i32_0 : i32, i32, i32
  }
  func.func @transform_1(%arg0: i32) -> (i32, i32, i32) {
    %c0_i32 = arith.constant 0 : i32
    %c0_i32_0 = arith.constant 0 : i32
    %c0_i32_1 = arith.constant 0 : i32
    return %c0_i32, %arg0, %c0_i32_0 : i32, i32, i32
  }
  func.func @transform_2(%arg0: i32) -> (i32, i32) {
    %c0_i32 = arith.constant 0 : i32
    %c0_i32_0 = arith.constant 0 : i32
    %c0_i32_1 = arith.constant 0 : i32
    return %c0_i32, %c0_i32_0 : i32, i32
  }
  func.func @transform_3(%arg0: i32) -> (i32, i32) {
    %c0_i32 = arith.constant 0 : i32
    %c0_i32_0 = arith.constant 0 : i32
    %c0_i32_1 = arith.constant 0 : i32
    return %c0_i32, %c0_i32_0 : i32, i32
  }
  func.func @transform_4(%arg0: i32) -> (i32, i32) {
    %c0_i32 = arith.constant 0 : i32
    %c0_i32_0 = arith.constant 0 : i32
    %c0_i32_1 = arith.constant 0 : i32
    return %c0_i32, %c0_i32_0 : i32, i32
  }
  func.func @transform_5(%arg0: i32) -> (i32, i32) {
    %c0_i32 = arith.constant 0 : i32
    %c0_i32_0 = arith.constant 0 : i32
    return %arg0, %c0_i32 : i32, i32
  }
}

</mosaic_0001>

<sc_bundles>
// kernel: kernel.5.cloned.1.call-start
scs
__scs_entry_jumppad:
0x0: {  	(pc) =	sbr.rel $0x88, $3  }
0x1: {  	(tag) =	ssettag $0x0;
	lr =	simm.s32 $0x1  }
0x2: {  	[smem:$0x3F95] =	sst lr;
	_ =	strace $0xD0000000  }
0x3: {  	_ = 	snop  }
0x4: {  	_ = 	snop  }
0x5: {  	_ = 	snop  }
0x6: {  	_ = 	snop  }
0x7: {  	_ = 	snop  }
__scs_overlays_trampoline_lowered:
0x8: {  	[smem:$0x3FA4] =	sst s0  }
0x9: {  	[smem:$0x3FA5] =	sst s1  }
0xa: {  	[smem:$0x3FA6] =	sst s2  }
0xb: {  	[smem:$0x3FA7] =	sst s3  }
0xc: {  	[smem:$0x3FA8] =	sst s4  }
0xd: {  	[smem:$0x3FA9] =	sst s5  }
0xe: {  	[smem:$0x3FAA] =	sst s6  }
0xf: {  	[smem:$0x3FAB] =	sst s7  }
0x10: {  	[smem:$0x3FAC] =	sst s8  }
0x11: {  	[smem:$0x3FAD] =	sst s9;
	s0 =	simm.s32 @!p0 $0x0  }
0x12: {  	s1 =	sld [smem:$0x3F93];
	s0 =	simm.s32 @p0 $0x1  }
0x13: {  	[smem:$0x3FAE] =	sst s0;
	s0 =	simm.s32 @!p1 $0x0  }
0x14: {  	s2 =	sld [smem:$0x3F92];
	s0 =	simm.s32 @p1 $0x1  }
0x15: {  	[smem:$0x3FAF] =	sst s0;
	s0 =	simm.s32 @!p2 $0x0  }
0x16: {  	s3 =	sld [smem:$0x3FDB];
	s0 =	simm.s32 @p2 $0x1  }
0x17: {  	s4 =	simm.s32 $0x1BF5;
	[smem:$0x3FB1] =	sst s0  }
0x18: {  	s0 =	sld [smem:$0x3F94];
	_ =	swait.ge [sflag:s4], $0x0  }
0x19: {  	s7 =	sld [smem:$0x3F95]  }
0x1a: {  	s8 =	sadd.s32 $0xFFFFE003, lr  }
0x1b: {  	s9 =	sadd.s32 $0xFFFFFEF7, lr;
	s5 =	simm.s32 $0xFFFFFFFF;
	p2 =	slt.u32 s8, $0xFFFFF086  }
0x1c: {  	p1 =	slt.u32 s9, $0xF7A;
	s5 =	simm.s32 @!p2 $0x0  }
0x1d: {  	s5 =	simm.s32 @p1 $0x1;
	p0 =	seq.s32 s7, s2  }
0x1e: {  	s7 =	smul.u32 @!p0 $0xF7A, s2;
	p2 =	seq.s32 @!p0 s5, $0x0  }
0x1f: {  	s9 =	smul.u32 $0xF7A, s1;
	s8 =	simm.s32 @!p0 $0x1BF5;
	p2 =	por !p2, p0  }
0x20: {  	[sflag:s8] =	ssyncset.s32 @!p0 $0xFFFFF086;
	s6 =	sadd.s32 @!p0 s3, s7;
	s7 =	simm.s32 @!p0 $0x108  }
0x21: {  	s3 =	sadd.s32 s3, s9;
	s6 =	sadd.s32 @!p0 $0x88, s6;
	s7 =	simm.s32 @p2 $0x1082  }
0x22: {  	[simem:s7], [sflag:s8] =	dma.local @!p0 [hbm:s6], $0xF7A  }
0x23: {  	s9 =	sor.u32 $0xD0000000, s2;
	s6 =	simm.s32 $0x108;
	_ =	swait.ge @!p0 [sflag:s8], $0x0  }
0x24: {  	s3 =	sadd.s32 $0x88, s3;
	s6 =	simm.s32 @!p1 $0x1082;
	[sflag:s4] =	ssyncset.s32 $0xFFFFF086  }
0x25: {  	[simem:s6], [sflag:s4] =	dma.local [hbm:s3], $0xF7A  }
0x26: {  	[smem:$0x3F95] =	sst s1;
	(tag) =	ssettag s2;
	_ =	strace s9  }
0x27: {  	s1 =	sld [smem:$0x3FA5]  }
0x28: {  	s2 =	sld [smem:$0x3FA6]  }
0x29: {  	s4 =	sld [smem:$0x3FA8]  }
0x2a: {  	p0 =	seq.s32 s5, $0x0;
	s5 =	sld [smem:$0x3FA9]  }
0x2b: {  	s6 =	sld [smem:$0x3FAA]  }
0x2c: {  	s7 =	sld [smem:$0x3FAB]  }
0x2d: {  	s3 =	simm.s32 $0x108;
	s8 =	sld [smem:$0x3FAC]  }
0x2e: {  	s3 =	simm.s32 @!p0 $0x1082;
	s9 =	sld [smem:$0x3FAD]  }
0x2f: {  	lr =	sadd.s32 s0, s3;
	s0 =	sld [smem:$0x3FA4]  }
0x30: {  	s3 =	sld [smem:$0x3FA7]  }
0x31: {  	[smem:$0x3FB0] =	sst s10  }
0x32: {  	s10 =	sld [smem:$0x3FAE];
	_ =	sdelay $0x3  }
0x33: {  	p0 =	seq.s32 s10, $0x1;
	s10 =	sld [smem:$0x3FB0];
	_ =	sdelay $0x3  }
0x34: {  	[smem:$0x3FB0] =	sst s10  }
0x35: {  	s10 =	sld [smem:$0x3FAF];
	_ =	sdelay $0x3  }
0x36: {  	p1 =	seq.s32 s10, $0x1;
	s10 =	sld [smem:$0x3FB0];
	_ =	sdelay $0x3  }
0x37: {  	[smem:$0x3FB0] =	sst s10  }
0x38: {  	s10 =	sld [smem:$0x3FB1]  }
0x39: {  	_ = 	snop;
	(pc) =	sbr.ind lr, $3  }
0x3a: {  	_ = 	snop  }
0x3b: {  	_ = 	snop  }
0x3c: {  	p2 =	seq.s32 s10, $0x1;
	s10 =	sld [smem:$0x3FB0]  }
0x3d: {  	_ =	shalt  }
0x3e: {  	_ =	shalt  }
0x3f: {  	_ =	shalt  }
0x40: {  	_ =	shalt  }
0x41: {  	_ =	shalt  }
0x42: {  	_ =	shalt  }
0x43: {  	_ =	shalt  }
0x44: {  	_ =	shalt  }
0x45: {  	_ =	shalt  }
0x46: {  	_ =	shalt  }
0x47: {  	_ =	shalt  }
0x48: {  	_ =	shalt  }
0x49: {  	_ =	shalt  }
0x4a: {  	_ =	shalt  }
0x4b: {  	_ =	shalt  }
0x4c: {  	_ =	shalt  }
0x4d: {  	_ =	shalt  }
0x4e: {  	_ =	shalt  }
0x4f: {  	_ =	shalt  }
0x50: {  	_ =	shalt  }
0x51: {  	_ =	shalt  }
0x52: {  	_ =	shalt  }
0x53: {  	_ =	shalt  }
0x54: {  	_ =	shalt  }
0x55: {  	_ =	shalt  }
0x56: {  	_ =	shalt  }
0x57: {  	_ =	shalt  }
0x58: {  	_ =	shalt  }
0x59: {  	_ =	shalt  }
0x5a: {  	_ =	shalt  }
0x5b: {  	_ =	shalt  }
0x5c: {  	_ =	shalt  }
0x5d: {  	_ =	shalt  }
0x5e: {  	_ =	shalt  }
0x5f: {  	_ =	shalt  }
0x60: {  	_ =	shalt  }
0x61: {  	_ =	shalt  }
0x62: {  	_ =	shalt  }
0x63: {  	_ =	shalt  }
0x64: {  	_ =	shalt  }
0x65: {  	_ =	shalt  }
0x66: {  	_ =	shalt  }
0x67: {  	_ =	shalt  }
0x68: {  	_ =	shalt  }
0x69: {  	_ =	shalt  }
0x6a: {  	_ =	shalt  }
0x6b: {  	_ =	shalt  }
0x6c: {  	_ =	shalt  }
0x6d: {  	_ =	shalt  }
0x6e: {  	_ =	shalt  }
0x6f: {  	_ =	shalt  }
0x70: {  	_ =	shalt  }
0x71: {  	_ =	shalt  }
0x72: {  	_ =	shalt  }
0x73: {  	_ =	shalt  }
0x74: {  	_ =	shalt  }
0x75: {  	_ =	shalt  }
0x76: {  	_ =	shalt  }
0x77: {  	_ =	shalt  }
0x78: {  	_ =	shalt  }
0x79: {  	_ =	shalt  }
0x7a: {  	_ =	shalt  }
0x7b: {  	_ =	shalt  }
0x7c: {  	_ =	shalt  }
0x7d: {  	_ =	shalt  }
0x7e: {  	_ =	shalt  }
0x7f: {  	_ =	shalt  }
0x80: {  	_ =	shalt  }
0x81: {  	_ =	shalt  }
0x82: {  	_ =	shalt  }
0x83: {  	_ =	shalt  }
0x84: {  	_ =	shalt  }
0x85: {  	_ =	shalt  }
0x86: {  	_ =	shalt  }
0x87: {  	_ =	shalt  }
.Lfunc_end0:
.L_simem_size_0:
called_computation_lowered:
.L_overlay_start_0:
0x88: {  	s2 =	sld [smem:$0x3FD9]  }
0x89: {  	s3 =	sld [smem:$0x3FFE];
	_ =	sdelay $0x1  }
0x8a: {  	s1 =	srdreg.scid  }
0x8b: {  	s0 =	sand.u32 $0x1, s1  }
0x8c: {  	s14 =	sshll.u32 s0, $0xA;
	s2 =	sadd.s32 s3, s2  }
0x8d: {  	s2 =	sadd.s32 s2, s14  }
0x8e: {  	[smem:$0x3FBC] =	sst s2  }
0x8f: {  	_ = 	snop  }
0x90: {  	s2 =	sld [smem:$0x3FD0];
	_ =	sdelay $0x2  }
0x91: {  	s4 =	simm.s32 $0xA;
	s5 =	simm.s32 $0x10;
	s15 =	sld [smem:$0x3FC1]  }
0x92: {  	[smem:s5], [sflag:s4] =	dma.local [hbm:s2], $0x1  }
0x93: {  	_ =	swait.eq [sflag:s4], $0x1  }
0x94: {  	[sflag:s4] =	ssyncset.done $0x0  }
0x95: {  	s16 =	sld [smem:$0x10];
	[sflag:s4] =	ssyncadd.s32 $0xFFFFFFFF  }
0x96: {  	s17 =	sld [smem:$0x11];
	(tm) =	ssettm $0x1  }
0x97: {  	s18 =	sld [smem:$0x3FFB];
	_ =	sdelay $0x3  }
0x98: {  	_ =	strace s18  }
0x99: {  	s5 =	sld [smem:$0x3FFC];
	_ =	sdelay $0x3  }
0x9a: {  	_ =	strace s5  }
0x9b: {  	s5 =	sld [smem:$0x3FFD];
	_ =	sdelay $0x3  }
0x9c: {  	_ =	strace s5  }
0x9d: {  	_ =	strace $0x8FFFFFFF  }
0x9e: {  	s19 =	sld [smem:$0x3FDB];
	_ =	sdelay $0x1  }
0x9f: {  	s6 =	simm.s32 $_scs_section_size  }
0xa0: {  	s7 =	simm.s32 $_size__tile_overlayer_lowered;
	s8 =	simm.s32 $_tile_overlayer_lowered  }
0xa1: {  	s22 =	simm.s32 $0x1BFF;
	s21 =	sshll.u32 s8, $0x1;
	s5 =	sadd.s32 s6, s19  }
0xa2: {  	s9 =	simm.s32 $0x0;
	s20 =	sshll.u32 s7, $0x1;
	s7 =	sadd.s32 s21, s5  }
0xa3: {  	[timem:s9], [sflag:s22] =	dma.local [hbm:s7], s20  }
0xa4: {  	_ =	swait.ge [sflag:s22], s20  }
0xa5: {  	s6 =	ssub.s32 $0x0, s20;
	[sflag:s22] =	ssyncset.done $0x0  }
0xa6: {  	[sflag:s22] =	ssyncadd.s32 s6;
	_ =	sdelay $0x1  }
0xa7: {  	s23 =	simm.s32 $0x1B8B  }
0xa8: {  	_ =	swait.ge [sflag:s23], $0x1  }
0xa9: {  	[sflag:s23] =	ssyncset.done $0x0  }
0xaa: {  	s25 =	simm.s32 $0x1B8E;
	s24 =	sld [smem:$0x3FFE];
	[sflag:s23] =	ssyncadd.s32 $0xFFFFFFFF  }
0xab: {  	s26 =	simm.s32 $execute0_lowered;
	[smem:$0x3FD2] =	sst s25  }
0xac: {  	s7 =	sshll.u32 s26, $0x1;
	_ =	strace $0x80000046;
	[dreg:$0x1] =	wrdreg $0xFFFFFFFF  }
0xad: {  	s28 =	simm.s32 $_size_execute0_lowered;
	s5 =	sadd.s32 s5, s7;
	[dreg:$0x0] =	wrdreg $0x0  }
0xae: {  	s7 =	sshll.u32 s28, $0x1;
	[dreg:$0x2] =	wrdreg s5  }
0xaf: {  	[dreg:$0x3] =	wrdreg s7  }
0xb0: {  	[dreg:$0x4] =	wrdreg $0xC0  }
0xb1: {  	_ =	task [dreg:s9], $0x5FFFF  }
0xb2: {  	[dreg:$0x1] =	wrdreg $0xFFFFFFFF  }
0xb3: {  	[dreg:$0x0] =	wrdreg $0x60  }
0xb4: {  	[dreg:$0x2] =	wrdreg s24  }
0xb5: {  	[dreg:$0x3] =	wrdreg s15  }
0xb6: {  	[dreg:$0x4] =	wrdreg s16  }
0xb7: {  	[dreg:$0x5] =	wrdreg s17  }
0xb8: {  	[dreg:$0x6] =	wrdreg $0x7B800  }
0xb9: {  	[dreg:$0x7] =	wrdreg $0x118000  }
0xba: {  	[dreg:$0x8] =	wrdreg $0x9  }
0xbb: {  	_ =	task.clear_ibuf [dreg:s9], $0x9FFFF;
	_ =	strace $0x90000046  }
0xbc: {  	s29 =	simm.s32 $0x9;
	_ =	strace $0x80000048  }
0xbd: {  	_ =	swait.ge [sflag:s29], $0x1  }
0xbe: {  	[sflag:s29] =	ssyncadd.s32 $0xFFFFFFFF  }
0xbf: {  	_ =	strace $0x90000048  }
0xc0: {  	_ =	sfence  }
0xc1: {  	s30 =	sld [smem:$0x0];
	_ =	sdelay $0x2  }
0xc2: {  	s31 =	sshll.u32 s1, $0xD;
	s1 =	sshrl.u32 s1, $0x2  }
0xc3: {  	s3 =	sand.u32 $0x4000, s31;
	s1 =	sadd.s32 s1, s30  }
0xc4: {  	s0 =	sor.u32 s3, s0;
	s1 =	sshll.u32 s1, $0x11  }
0xc5: {  	s0 =	sor.u32 s1, s0  }
0xc6: {  	s0 =	sadd.s32 $0x8F2B, s0  }
0xc7: {  	[sflag:s0] =	ssyncadd.remote.s32 $0x1  }
0xc8: {  	_ =	sfence.sel $0xFFFF  }
0xc9: {  	[dreg:$0x0] =	wrdreg $0xFFFFFFFF;
	(pc) =	sbr.abs _section_cstart, $3  }
0xca: {  	[dreg:$0x1] =	wrdreg $0xFFFFFFFF  }
0xcb: {  	_ =	task.clear_ibuf [dreg:s9], $0x2FFFF;
	_ =	strace $0x9FFFFFFF  }
0xcc: {  	(tm) =	ssettm $0x7FFFFFFF  }
0xcd: {  	_ =	shalt  }
tec
execute0_lowered:
.L_overlay_start_1:
0x0: {  	(tag) =	ssettag $0x1  }
0x1: {  	s0 =	rddreg [dreg:$0x0]  }
0x2: {  	s2 =	rddreg [dreg:$0x2]  }
0x3: {  	s3 =	rddreg [dreg:$0x3]  }
0x4: {  	s4 =	rddreg [dreg:$0x4]  }
0x5: {  	s5 =	rddreg [dreg:$0x5];
	s1 =	simm.s32 $0x0  }
0x6: {  	s18 =	srdreg.scid;
	s26 =	stileid.u32;
	s29 =	simm.s32 $0x3  }
0x7: {  	s30 =	simm.s32 $0x80;
	s31 =	simm.s32 $0x50;
	s28 =	simm.s32 $0x2  }
0x8: {  	[smem:$0x7FF] =	sst s1;
	s7 =	sadd.s32 $0xB400, s0;
	s8 =	sadd.s32 $0x1600, s0  }
0x9: {  	s9 =	sadd.s32 $0x15200, s0;
	s10 =	sadd.s32 $0x19BE00, s0;
	s11 =	sadd.s32 $0x1C3000, s0  }
0xa: {  	s1 =	sand.u32 $0x1, s18;
	s12 =	sadd.s32 $0x1EA200, s0;
	s13 =	sadd.s32 $0x211400, s0  }
0xb: {  	v0 =	vimm.s32 $0xEFCDAB89;
	s15 =	sadd.s32 $0x28C00, s0;
	s17 =	sadd.s32 $0x238600, s0;
	s6 =	smul.u32 $0x9C400, s1  }
0xc: {  	v1 =	vimm.s32 $0x67452301;
	s26 =	smul.u32 $0x4E20, s26;
	_ =	strace $0x80000047;
	s14 =	ssub.s32 $0x2, s1  }
0xd: {  	v2 =	vimm.s32 $0xDCFE98BA;
	v3 =	vimm.s32 $0x54761032;
	v0 =	vunpack.c.l.s4.s8 v0;
	s24 =	smul.u32 $0x1388, s1;
	s16 =	sshrl.u32 s14, $0x1;
	s6 =	sshrl.u32 s6, $0x3  }
0xe: {  	v1 =	vunpack.c.l.s4.s8 v1;
	v2 =	vunpack.c.l.s4.s8 v2;
	v3 =	vunpack.c.l.s4.s8 v3;
	s1 =	simm.s32 $0x2980;
	s14 =	ssub.s32 s14, s16;
	s18 =	sadd.s32 s15, s6  }
0xf: {  	v4 =	vimm.s32 $0xBA98FEDC;
	v5 =	vimm.s32 $0xFEDCBA98;
	v0 =	vunpack.c.0.s8.s32 v0;
	s19 =	sadd.s32 $0x27100, s6;
	s20 =	sadd.s32 s17, s6;
	[dreg:$0x7] =	wrdreg s18  }
0x10: {  	v1 =	vunpack.c.0.s8.s32 v1;
	v2 =	vunpack.c.0.s8.s32 v2;
	v3 =	vunpack.c.0.s8.s32 v3;
	s22 =	sadd.s32 $0x4E200, s6;
	s25 =	smax.u32 s14, $0x1;
	[dreg:$0x8] =	wrdreg s20  }
0x11: {  	v6 =	vimm.s32 $0x32107654;
	v7 =	vimm.s32 $0x76543210;
	v5 =	vunpack.c.l.s4.s8 v5;
	s6 =	sadd.s32 $0x75300, s6;
	s21 =	sadd.s32 s15, s19;
	[dreg:$0xf] =	wrdreg s25  }
0x12: {  	v0 =	vcombine.low v1, v0;
	v1 =	vcombine.low v3, v2;
	v2 =	vmov s24;
	s24 =	simm.s32 $0x100;
	s16 =	sadd.s32 s17, s19;
	[dreg:$0x9] =	wrdreg s21  }
0x13: {  	v4 =	vunpack.c.l.s4.s8 v4;
	v6 =	vunpack.c.l.s4.s8 v6;
	v7 =	vunpack.c.l.s4.s8 v7;
	s14 =	simm.s32 $0x5180;
	s23 =	sadd.s32 s15, s22;
	[dreg:$0xa] =	wrdreg s16  }
0x14: {  	v5 =	vunpack.c.0.s8.s32 v5;
	s20 =	sadd.s32 $0x174C00, s0;
	s15 =	sadd.s32 s15, s6;
	[dreg:$0xb] =	wrdreg s23  }
0x15: {  	v4 =	vunpack.c.0.s8.s32 v4;
	v6 =	vunpack.c.0.s8.s32 v6;
	v7 =	vunpack.c.0.s8.s32 v7;
	s6 =	sadd.s32 s17, s6;
	s16 =	sadd.s32 s17, s22;
	[dreg:$0xd] =	wrdreg s15  }
0x16: {  	v5 =	vand.u32 $0xF, v5;
	[dreg:$0xe] =	wrdreg s6;
	s23 =	sadd.s32 $0x14DA00, s0;
	s0 =	simm.s32 $0x180  }
0x17: {  	v3 =	vcombine.low v6, v4;
	v4 =	vcombine.low v5, v7;
	s6 =	simm.s32 $0x1;
	[dreg:$0xc] =	wrdreg s16;
	s16 =	simm.s32 $0x0  }
.LBB2_1:
0x18: {  	[dreg:$0x10] =	wrdreg s16  }
0x19: {  	s15 =	rddreg [dreg:$0x1];
	s22 =	simm.s32 $0x0;
	s17 =	simm.s32 $0x7980  }
0x1a: {  	[tilespmem:s17], [sflag:$0x3] =	stream.linear.gather [hbm4b:s15+s22], $0x200, $0x38;
	[tilespmem:$0x1B480] =	vst v63  }
0x1b: {  	s25 =	stileid.u32;
	_ =	swait.ge [sflag:s29], $0x200  }
0x1c: {  	s15 =	sshll.u32 s25, $0x6;
	[sflag:s29] =	ssyncset.done $0x0  }
0x1d: {  	s17 =	sshrl.u32 s4, $0x3;
	s16 =	sor.u32 $0x1C03, s15;
	[sflag:s29] =	ssyncadd.s32 $0xFFFFFE00  }
0x1e: {  	[spmem:s17], [sflag:s16] =	dma.local [hbm:s9], $0x13900  }
0x1f: {  	_ =	swait.ge [sflag:s29], $0x13900  }
0x20: {  	[sflag:s29] =	ssyncset.done $0x0  }
0x21: {  	s18 =	sshrl.u32 s5, $0x3;
	[sflag:s29] =	ssyncadd.s32 $0xFFFEC700  }
0x22: {  	[spmem:s18], [sflag:s16] =	dma.local [hbm:s9], $0x13900  }
0x23: {  	_ =	swait.ge [sflag:s29], $0x13900  }
0x24: {  	[sflag:s29] =	ssyncset.done $0x0  }
0x25: {  	[sflag:s29] =	ssyncadd.s32 $0xFFFEC700  }
0x26: {  	s19 =	simm.s32 $0x0;
	[bflag:$0x0] =	sbarrier.arrive $0xFFFF  }
.LBB2_2:
0x27: {  	s15 =	smul.u32 $0x50, s19;
	_ =	sdelay $0x1  }
0x28: {  	s15 =	sadd.s32 s26, s15  }
0x29: {  	s15 =	sshrl.u32 s15, $0x3  }
0x2a: {  	s22 =	simm.s32 $0x0;
	s21 =	sadd.s32 s7, s15  }
0x2b: {  	[tilespmem:s22], [sflag:$0x3] =	stream.linear.gather [hbm4b:s21+s22], $0x50, $0x38;
	[tilespmem:$0x1B480] =	vst v63  }
0x2c: {  	_ =	swait.ge [sflag:s29], $0x50  }
0x2d: {  	[sflag:s29] =	ssyncset.done $0x0  }
0x2e: {  	s15 =	sadd.s32 s8, s15;
	[sflag:s29] =	ssyncadd.s32 $0xFFFFFFB0  }
0x2f: {  	[tilespmem:s30], [sflag:$0x3] =	stream.linear.gather [hbm4b:s15+s22], $0x50, $0x38;
	[tilespmem:$0x1B480] =	vst v63  }
0x30: {  	_ =	swait.ge [sflag:s29], $0x50  }
0x31: {  	[sflag:s29] =	ssyncset.done $0x0  }
0x32: {  	[sflag:s29] =	ssyncadd.s32 $0xFFFFFFB0  }
0x33: {  	[tilespmem:s0], [sflag:$0x1] =	stream.indirect.gather [hbm4b:s10+s31], $0x80, s22, s31, $0xb8;
	[tilespmem:$0x1B480] =	vst v63  }
0x34: {  	_ = 	snop  }
0x35: {  	[tilespmem:s1], [sflag:$0x2] =	stream.indirect.gather [hbm4b:s20+s31], $0x80, s30, s31, $0xb8;
	[tilespmem:$0x1B480] =	vst v63  }
0x36: {  	_ =	swait.ge [sflag:s6], $0x2800  }
0x37: {  	[sflag:s6] =	ssyncset.done $0x0  }
0x38: {  	[sflag:s6] =	ssyncadd.s32 $0xFFFFD800  }
0x39: {  	_ =	swait.ge [sflag:s28], $0x2800  }
0x3a: {  	[sflag:s28] =	ssyncset.done $0x0  }
0x3b: {  	[sflag:s28] =	ssyncadd.s32 $0xFFFFD800  }
0x3c: {  	v5 =	vld [tilespmem:$0x80]  }
0x3d: {  	v6 =	vld [tilespmem:$0x90]  }
0x3e: {  	v7 =	vld [tilespmem:$0xA0]  }
0x3f: {  	v8 =	vld [tilespmem:$0xB0]  }
0x40: {  	v9 =	vld [tilespmem:$0xC0]  }
0x41: {  	v5 =	vsub.s32 v5, v2  }
0x42: {  	v6 =	vsub.s32 v6, v2;
	v5 =	vmin.u32 v5, $0x1388  }
0x43: {  	[tilespmem:$0x100] =	vst v5;
	v5 =	vmin.u32 v6, $0x1388;
	v6 =	vsub.s32 v7, v2  }
0x44: {  	[tilespmem:$0x110] =	vst v5;
	v5 =	vmin.u32 v6, $0x1388;
	v6 =	vsub.s32 v8, v2  }
0x45: {  	[tilespmem:$0x120] =	vst v5;
	v5 =	vmin.u32 v6, $0x1388;
	v6 =	vsub.s32 v9, v2  }
0x46: {  	[tilespmem:$0x130] =	vst v5;
	v5 =	vmin.u32 v6, $0x1388  }
0x47: {  	s21 =	simm.s32 $0x0;
	v17 =	vld [tilespmem:$0x7980];
	[tilespmem:$0x140] =	vst v5  }
0x48: {  	v6 =	vld [tilespmem:s21+$0x190]  }
0x49: {  	v7 =	vld [tilespmem:s21+$0x180]  }
0x4a: {  	v8 =	vld [tilespmem:s21+$0x1A0]  }
0x4b: {  	v9 =	vld [tilespmem:s21+$0x1F0]  }
0x4c: {  	v10 =	vld [tilespmem:s21+$0x2990]  }
0x4d: {  	v11 =	vld [tilespmem:s21+$0x29F0]  }
0x4e: {  	v12 =	vld [tilespmem:s21+$0x29A0]  }
0x4f: {  	v14 =	vld [tilespmem:s21+$0x1C0]  }
0x50: {  	v15 =	vld [tilespmem:s21+$0x29C0]  }
0x51: {  	v13 =	vld [tilespmem:s21+$0x2980]  }
0x52: {  	v18 =	vld [tilespmem:s21+$0x29D0]  }
0x53: {  	v19 =	vld [tilespmem:s21+$0x1E0]  }
0x54: {  	v20 =	vld [tilespmem:s21+$0x1D0];
	v6 =	vadd.f32 v10, v6;
	v9 =	vadd.f32 v11, v9  }
0x55: {  	v10 =	vld [tilespmem:s21+$0x29E0];
	v11 =	vadd.f32 v12, v8;
	v14 =	vadd.f32 v15, v14  }
0x56: {  	v16 =	vld [tilespmem:$0x7990];
	v12 =	vadd.f32 v13, v7;
	v7 =	vmul.f32 $2.000000030e-01, v6;
	v21 =	vmul.f32 $2.000000030e-01, v9  }
0x57: {  	v5 =	vld [tilespmem:s21+$0x1B0];
	v15 =	vmul.f32 $2.000000030e-01, v11;
	v23 =	vmul.f32 $2.000000030e-01, v14  }
0x58: {  	v13 =	vld [tilespmem:s21+$0x29B0];
	v22 =	vmul.f32 $2.000000030e-01, v12;
	v8 =	vmax.f32 v6, v7;
	v6 =	vmax.f32 v9, v21  }
0x59: {  	v7 =	vmax.f32 v11, v15;
	v11 =	vld [tilespmem:$0x79D0];
	v9 =	vmax.f32 v14, v23;
	v14 =	vadd.f32 v18, v20  }
0x5a: {  	s22 =	simm.s32 $0x200;
	v15 =	vmax.f32 v12, v22;
	v12 =	vld [tilespmem:$0x79E0];
	v10 =	vadd.f32 v10, v19  }
.LBB2_3:
0x5b: {  	p0 =	sne.s32 s22, $0x9E00;
	v18 =	vld [tilespmem:$0x79A0];
	v19 =	vmul.f32 $2.000000030e-01, v14;
	s15 =	smov.u32 s22;
	s22 =	sadd.s32 $0x200, s22  }
0x5c: {  	v20 =	vmul.f32 $2.000000030e-01, v10;
	v15 =	vmul.f32 v15, v17;
	v17 =	vld [tilespmem:$0x79C0]  }
0x5d: {  	v5 =	vadd.f32 v13, v5;
	v8 =	vmul.f32 v8, v16;
	v13 =	vld [tilespmem:$0x79B0];
	v14 =	vmax.f32 v14, v19  }
0x5e: {  	v10 =	vmax.f32 v10, v20;
	v15 =	vadd.f32 $0.0e+00, v15;
	v11 =	vmul.f32 v14, v11  }
0x5f: {  	v14 =	vmul.f32 $2.000000030e-01, v5;
	v10 =	vmul.f32 v10, v12;
	v12 =	vld [tilespmem:$0x79F0]  }
0x60: {  	v8 =	vadd.f32 v8, v15;
	v7 =	vmul.f32 v7, v18  }
0x61: {  	v5 =	vmax.f32 v5, v14;
	v9 =	vmul.f32 v9, v17  }
0x62: {  	v7 =	vadd.f32 v7, v8;
	v5 =	vmul.f32 v5, v13;
	_ =	sdelay $0x1  }
0x63: {  	s25 =	sshra.s32 s15, $0x2;
	v5 =	vadd.f32 v5, v7;
	v6 =	vmul.f32 v6, v12  }
0x64: {  	v7 =	vld [tilespmem:s25+$0x190]  }
0x65: {  	v8 =	vld [tilespmem:s25+$0x180];
	v9 =	vadd.f32 v9, v5;
	_ =	sdelay $0x1  }
0x66: {  	v5 =	vld [tilespmem:s25+$0x1B0];
	v9 =	vadd.f32 v11, v9  }
0x67: {  	v11 =	vld [tilespmem:s25+$0x1A0]  }
0x68: {  	v9 =	vadd.f32 v10, v9;
	_ =	sdelay $0x1  }
0x69: {  	v6 =	vadd.f32 v6, v9;
	_ =	sdelay $0x1  }
0x6a: {  	v9 =	vperm.xlane v6, v0;
	_ =	sdelay $0x1  }
0x6b: {  	v6 =	vadd.f32 v6, v9;
	_ =	sdelay $0x1  }
0x6c: {  	v9 =	vperm.xlane v6, v1;
	_ =	sdelay $0x1  }
0x6d: {  	v6 =	vadd.f32 v6, v9;
	_ =	sdelay $0x1  }
0x6e: {  	v9 =	vperm.xlane v6, v3;
	_ =	sdelay $0x1  }
0x6f: {  	v6 =	vadd.f32 v6, v9;
	_ =	sdelay $0x1  }
0x70: {  	v9 =	vperm.xlane v6, v4;
	_ =	sdelay $0x1  }
0x71: {  	v6 =	vadd.f32 v6, v9;
	_ =	sdelay $0x1  }
0x72: {  	v6 =	vmul.f32 $1.442695020e+00, v6;
	_ =	sdelay $0x1  }
0x73: {  	(erf) = vpow2.f32 v6  }
0x74: {  	v6 =	vld [tilespmem:s21+$0x1E0]  }
0x75: {  	v9 =	vld [tilespmem:s21+$0x1D0]  }
0x76: {  	v10 =	vld [tilespmem:s21+$0x1A0]  }
0x77: {  	v12 =	vld [tilespmem:s21+$0x1F0]  }
0x78: {  	v13 =	vld [tilespmem:s21+$0x190]  }
0x79: {  	v14 =	vld [tilespmem:s21+$0x180]  }
0x7a: {  	v15 =	vld [tilespmem:s21+$0x1C0]  }
0x7b: {  	v16 =	vld [tilespmem:s21+$0x1B0]  }
0x7c: {  	v17 =	vpop (erf)  }
0x7d: {  	[tilespmem:s21+$0x5180] =	vst v17;
	v13 =	vmul.f32 v13, v17;
	v12 =	vmul.f32 v12, v17  }
0x7e: {  	v10 =	vmul.f32 v10, v17;
	[tilespmem:s21+$0x5190] =	vst v17;
	v14 =	vmul.f32 v14, v17  }
0x7f: {  	v9 =	vmul.f32 v9, v17;
	v18 =	vld [tilespmem:s25+$0x1F0];
	[tilespmem:s21+$0x2990] =	vst v13;
	v13 =	vmul.f32 v15, v17  }
0x80: {  	v6 =	vmul.f32 v6, v17;
	v15 =	vld [tilespmem:s25+$0x2990];
	v16 =	vmul.f32 v16, v17;
	[tilespmem:s21+$0x29F0] =	vst v12  }
0x81: {  	v12 =	vld [tilespmem:s25+$0x29F0];
	[tilespmem:s21+$0x29A0] =	vst v10  }
0x82: {  	v10 =	vld [tilespmem:s25+$0x29A0];
	[tilespmem:s21+$0x2980] =	vst v14  }
0x83: {  	v14 =	vld [tilespmem:s25+$0x2980];
	[tilespmem:s21+$0x29C0] =	vst v13  }
0x84: {  	v13 =	vld [tilespmem:s25+$0x1C0];
	[tilespmem:s21+$0x29D0] =	vst v9  }
0x85: {  	v7 =	vadd.f32 v15, v7;
	v9 =	vld [tilespmem:s25+$0x29C0];
	[tilespmem:s21+$0x29E0] =	vst v6  }
0x86: {  	v6 =	vadd.f32 v12, v18;
	[tilespmem:s21+$0x29B0] =	vst v16  }
0x87: {  	v12 =	vmul.f32 $2.000000030e-01, v7;
	v10 =	vadd.f32 v10, v11;
	[tilespmem:s21+$0x51A0] =	vst v17  }
0x88: {  	v11 =	vadd.f32 v14, v8;
	v14 =	vld [tilespmem:s25+$0x29D0];
	v15 =	vmul.f32 $2.000000030e-01, v6;
	[tilespmem:s21+$0x51B0] =	vst v17  }
0x89: {  	v8 =	vmax.f32 v7, v12;
	v7 =	vmul.f32 $2.000000030e-01, v10;
	v12 =	vld [tilespmem:s25+$0x1E0];
	[tilespmem:s21+$0x51C0] =	vst v17  }
0x8a: {  	v16 =	vmul.f32 $2.000000030e-01, v11;
	v9 =	vadd.f32 v9, v13;
	v18 =	vld [tilespmem:s25+$0x29E0];
	v6 =	vmax.f32 v6, v15;
	[tilespmem:s21+$0x51D0] =	vst v17  }
0x8b: {  	v7 =	vmax.f32 v10, v7;
	v19 =	vld [tilespmem:s25+$0x1D0];
	[tilespmem:s21+$0x51E0] =	vst v17  }
0x8c: {  	v15 =	vmax.f32 v11, v16;
	v10 =	vmul.f32 $2.000000030e-01, v9;
	[tilespmem:s21+$0x51F0] =	vst v17;
	s21 =	smov.u32 s25  }
.Ltmp0:
0x8d: {  	v13 =	vld [tilespmem:s21+$0x29B0];
	(pc) =	sbr.rel @p0 .LBB2_3-.Ltmp0, $4  }
0x8e: {  	v17 =	vld [tilespmem:$0x7980];
	v9 =	vmax.f32 v9, v10  }
0x8f: {  	v16 =	vld [tilespmem:$0x7990];
	v10 =	vadd.f32 v18, v12  }
0x90: {  	v14 =	vadd.f32 v14, v19;
	v11 =	vld [tilespmem:$0x79D0]  }
0x91: {  	v12 =	vld [tilespmem:$0x79E0]  }
0x92: {  	v18 =	vld [tilespmem:$0x79A0]  }
0x93: {  	v15 =	vmul.f32 v15, v17  }
0x94: {  	v5 =	vadd.f32 v13, v5;
	v51 =	vld [tilespmem:$0x79B0]  }
0x95: {  	v8 =	vmul.f32 v8, v16;
	v15 =	vadd.f32 $0.0e+00, v15  }
0x96: {  	v52 =	vld [tilespmem:$0x79C0];
	v53 =	vmul.f32 $2.000000030e-01, v5  }
0x97: {  	v8 =	vadd.f32 v8, v15;
	v7 =	vmul.f32 v7, v18  }
0x98: {  	v5 =	vmax.f32 v5, v53  }
0x99: {  	v5 =	vmul.f32 v5, v51;
	v7 =	vadd.f32 v7, v8  }
0x9a: {  	v54 =	vmul.f32 $2.000000030e-01, v14  }
0x9b: {  	v9 =	vmul.f32 v9, v52;
	v5 =	vadd.f32 v5, v7  }
0x9c: {  	v55 =	vld [tilespmem:$0x79F0];
	v8 =	vmax.f32 v14, v54;
	v7 =	vmul.f32 $2.000000030e-01, v10  }
0x9d: {  	v8 =	vmul.f32 v8, v11;
	v5 =	vadd.f32 v9, v5  }
0x9e: {  	v7 =	vmax.f32 v10, v7  }
0x9f: {  	v7 =	vmul.f32 v7, v12;
	v5 =	vadd.f32 v8, v5;
	_ =	sdelay $0x1  }
0xa0: {  	v6 =	vmul.f32 v6, v55;
	v5 =	vadd.f32 v7, v5;
	_ =	sdelay $0x1  }
0xa1: {  	v5 =	vadd.f32 v6, v5;
	_ =	sdelay $0x1  }
0xa2: {  	v6 =	vperm.xlane v5, v0;
	_ =	sdelay $0x1  }
0xa3: {  	v5 =	vadd.f32 v5, v6;
	_ =	sdelay $0x1  }
0xa4: {  	v6 =	vperm.xlane v5, v1;
	_ =	sdelay $0x1  }
0xa5: {  	v5 =	vadd.f32 v5, v6;
	_ =	sdelay $0x1  }
0xa6: {  	v6 =	vperm.xlane v5, v3;
	_ =	sdelay $0x1  }
0xa7: {  	v5 =	vadd.f32 v5, v6;
	_ =	sdelay $0x1  }
0xa8: {  	v6 =	vperm.xlane v5, v4;
	_ =	sdelay $0x1  }
0xa9: {  	v5 =	vadd.f32 v5, v6;
	_ =	sdelay $0x1  }
0xaa: {  	v5 =	vmul.f32 $1.442695020e+00, v5;
	_ =	sdelay $0x1  }
0xab: {  	(erf) = vpow2.f32 v5;
	_ =	sdelay $0x8  }
0xac: {  	v61 =	vpop (erf)  }
0xad: {  	[tilespmem:s21+$0x5180] =	vst v61  }
0xae: {  	v56 =	vld [tilespmem:s21+$0x190];
	[tilespmem:s21+$0x5190] =	vst v61  }
0xaf: {  	v57 =	vld [tilespmem:s21+$0x1F0];
	[tilespmem:s21+$0x51A0] =	vst v61  }
0xb0: {  	v7 =	vld [tilespmem:s21+$0x1A0];
	[tilespmem:s21+$0x51B0] =	vst v61  }
0xb1: {  	v58 =	vld [tilespmem:s21+$0x180];
	[tilespmem:s21+$0x51C0] =	vst v61  }
0xb2: {  	v59 =	vld [tilespmem:s21+$0x1C0];
	[tilespmem:s21+$0x51D0] =	vst v61  }
0xb3: {  	v6 =	vld [tilespmem:s21+$0x1D0];
	v8 =	vmul.f32 v56, v61;
	[tilespmem:s21+$0x51E0] =	vst v61  }
0xb4: {  	v5 =	vld [tilespmem:s21+$0x1E0];
	v9 =	vmul.f32 v57, v61;
	[tilespmem:s21+$0x51F0] =	vst v61  }
0xb5: {  	v60 =	vld [tilespmem:s21+$0x1B0];
	v7 =	vmul.f32 v7, v61;
	[tilespmem:s21+$0x2990] =	vst v8  }
0xb6: {  	v62 =	vmul.f32 v58, v61;
	[tilespmem:s21+$0x29F0] =	vst v9  }
0xb7: {  	v63 =	vmul.f32 v59, v61;
	[tilespmem:s21+$0x29A0] =	vst v7  }
0xb8: {  	v6 =	vmul.f32 v6, v61;
	[tilespmem:s21+$0x2980] =	vst v62  }
0xb9: {  	v5 =	vmul.f32 v5, v61;
	[tilespmem:s21+$0x29C0] =	vst v63  }
0xba: {  	v7 =	vmul.f32 v60, v61;
	[tilespmem:s21+$0x29D0] =	vst v6  }
0xbb: {  	[tilespmem:s21+$0x29E0] =	vst v5  }
0xbc: {  	[tilespmem:s21+$0x29B0] =	vst v7  }
0xbd: {  	[spmem:s4] =	stream.indirect.scatter.add.f32 [tilespmem:s1], [sflag:$0x3], $0x80, s24, s31, $0xb8;
	[tilespmem:$0x1B480] =	vst v63  }
0xbe: {  	s19 =	sadd.s32 $0x1, s19;
	_ =	swait.ge [sflag:s29], $0x2800  }
0xbf: {  	p0 =	sne.s32 s19, $0xFA;
	[sflag:s29] =	ssyncset.done $0x0  }
.Ltmp1:
0xc0: {  	[sflag:s29] =	ssyncadd.s32 $0xFFFFD800;
	(pc) =	sbr.rel @p0 .LBB2_2-.Ltmp1, $4  }
0xc1: {  	[spmem:s5] =	stream.indirect.scatter.add.f32 [tilespmem:s14], [sflag:$0x3], $0x80, s24, s31, $0xb8;
	[tilespmem:$0x1B480] =	vst v63  }
0xc2: {  	_ =	swait.ge [sflag:s29], $0x2800  }
0xc3: {  	[sflag:s29] =	ssyncset.done $0x0  }
0xc4: {  	[sflag:s29] =	ssyncadd.s32 $0xFFFFD800  }
0xc5: {  	[bflag:$0x0] =	sbarrier.arrive $0xFFFF  }
0xc6: {  	s15 =	rddreg [dreg:$0x7]  }
0xc7: {  	[hbm:s15], [sflag:s16] =	dma.local [spmem:s17], $0x13880  }
0xc8: {  	_ =	swait.ge [sflag:s29], $0x13880  }
0xc9: {  	[sflag:s29] =	ssyncset.done $0x0  }
0xca: {  	s25 =	rddreg [dreg:$0x8];
	[sflag:s29] =	ssyncadd.s32 $0xFFFEC780  }
0xcb: {  	[hbm:s25], [sflag:s16] =	dma.local [spmem:s18], $0x13880  }
0xcc: {  	_ =	swait.ge [sflag:s29], $0x13880  }
0xcd: {  	[sflag:s29] =	ssyncset.done $0x0  }
0xce: {  	[sflag:s29] =	ssyncadd.s32 $0xFFFEC780  }
0xcf: {  	[bflag:$0x0] =	sbarrier.arrive $0xFFFF  }
0xd0: {  	[spmem:s17], [sflag:s16] =	dma.local [hbm:s9], $0x13900  }
0xd1: {  	_ =	swait.ge [sflag:s29], $0x13900  }
0xd2: {  	[sflag:s29] =	ssyncset.done $0x0  }
0xd3: {  	[sflag:s29] =	ssyncadd.s32 $0xFFFEC700  }
0xd4: {  	[spmem:s18], [sflag:s16] =	dma.local [hbm:s9], $0x13900  }
0xd5: {  	_ =	swait.ge [sflag:s29], $0x13900  }
0xd6: {  	[sflag:s29] =	ssyncset.done $0x0  }
0xd7: {  	[sflag:s29] =	ssyncadd.s32 $0xFFFEC700  }
0xd8: {  	s19 =	simm.s32 $0x0;
	s21 =	simm.s32 $0x0;
	[bflag:$0x0] =	sbarrier.arrive $0xFFFF  }
.LBB2_6:
0xd9: {  	s15 =	smul.u32 $0x50, s21;
	_ =	sdelay $0x1  }
0xda: {  	s15 =	sadd.s32 s26, s15  }
0xdb: {  	s15 =	sshrl.u32 s15, $0x3  }
0xdc: {  	s22 =	sadd.s32 s7, s15  }
0xdd: {  	[tilespmem:s19], [sflag:$0x3] =	stream.linear.gather [hbm4b:s22+s19], $0x50, $0x38;
	[tilespmem:$0x1B480] =	vst v63  }
0xde: {  	_ =	swait.ge [sflag:s29], $0x50  }
0xdf: {  	[sflag:s29] =	ssyncset.done $0x0  }
0xe0: {  	s15 =	sadd.s32 s8, s15;
	[sflag:s29] =	ssyncadd.s32 $0xFFFFFFB0  }
0xe1: {  	[tilespmem:s30], [sflag:$0x3] =	stream.linear.gather [hbm4b:s15+s19], $0x50, $0x38;
	[tilespmem:$0x1B480] =	vst v63  }
0xe2: {  	_ =	swait.ge [sflag:s29], $0x50  }
0xe3: {  	[sflag:s29] =	ssyncset.done $0x0  }
0xe4: {  	[sflag:s29] =	ssyncadd.s32 $0xFFFFFFB0  }
0xe5: {  	[tilespmem:s0], [sflag:$0x1] =	stream.indirect.gather [hbm4b:s11+s31], $0x80, s19, s31, $0xb8;
	[tilespmem:$0x1B480] =	vst v63  }
0xe6: {  	_ = 	snop  }
0xe7: {  	[tilespmem:s1], [sflag:$0x2] =	stream.indirect.gather [hbm4b:s23+s31], $0x80, s30, s31, $0xb8;
	[tilespmem:$0x1B480] =	vst v63  }
0xe8: {  	_ =	swait.ge [sflag:s6], $0x2800  }
0xe9: {  	[sflag:s6] =	ssyncset.done $0x0  }
0xea: {  	[sflag:s6] =	ssyncadd.s32 $0xFFFFD800  }
0xeb: {  	_ =	swait.ge [sflag:s28], $0x2800  }
0xec: {  	[sflag:s28] =	ssyncset.done $0x0  }
0xed: {  	[sflag:s28] =	ssyncadd.s32 $0xFFFFD800  }
0xee: {  	v5 =	vld [tilespmem:$0x80]  }
0xef: {  	v6 =	vld [tilespmem:$0x90]  }
0xf0: {  	v7 =	vld [tilespmem:$0xA0]  }
0xf1: {  	v8 =	vld [tilespmem:$0xB0]  }
0xf2: {  	v9 =	vld [tilespmem:$0xC0]  }
0xf3: {  	v5 =	vsub.s32 v5, v2  }
0xf4: {  	v6 =	vsub.s32 v6, v2;
	v5 =	vmin.u32 v5, $0x1388  }
0xf5: {  	[tilespmem:$0x100] =	vst v5;
	v5 =	vmin.u32 v6, $0x1388;
	v6 =	vsub.s32 v7, v2  }
0xf6: {  	[tilespmem:$0x110] =	vst v5;
	v5 =	vmin.u32 v6, $0x1388;
	v6 =	vsub.s32 v8, v2  }
0xf7: {  	[tilespmem:$0x120] =	vst v5;
	v5 =	vmin.u32 v6, $0x1388;
	v6 =	vsub.s32 v9, v2  }
0xf8: {  	[tilespmem:$0x130] =	vst v5;
	v5 =	vmin.u32 v6, $0x1388  }
0xf9: {  	s22 =	simm.s32 $0x0;
	v17 =	vld [tilespmem:$0x7A00];
	[tilespmem:$0x140] =	vst v5  }
0xfa: {  	v6 =	vld [tilespmem:s22+$0x190]  }
0xfb: {  	v7 =	vld [tilespmem:s22+$0x180]  }
0xfc: {  	v8 =	vld [tilespmem:s22+$0x1A0]  }
0xfd: {  	v9 =	vld [tilespmem:s22+$0x1F0]  }
0xfe: {  	v10 =	vld [tilespmem:s22+$0x2990]  }
0xff: {  	v11 =	vld [tilespmem:s22+$0x29F0]  }
0x100: {  	v12 =	vld [tilespmem:s22+$0x29A0]  }
0x101: {  	v14 =	vld [tilespmem:s22+$0x1C0]  }
0x102: {  	v15 =	vld [tilespmem:s22+$0x29C0]  }
0x103: {  	v13 =	vld [tilespmem:s22+$0x2980]  }
0x104: {  	v18 =	vld [tilespmem:s22+$0x29D0]  }
0x105: {  	v19 =	vld [tilespmem:s22+$0x1E0]  }
0x106: {  	v20 =	vld [tilespmem:s22+$0x1D0];
	v6 =	vadd.f32 v10, v6;
	v9 =	vadd.f32 v11, v9  }
0x107: {  	v10 =	vld [tilespmem:s22+$0x29E0];
	v11 =	vadd.f32 v12, v8;
	v14 =	vadd.f32 v15, v14  }
0x108: {  	v16 =	vld [tilespmem:$0x7A10];
	v12 =	vadd.f32 v13, v7;
	v7 =	vmul.f32 $2.000000030e-01, v6;
	v21 =	vmul.f32 $2.000000030e-01, v9  }
0x109: {  	v5 =	vld [tilespmem:s22+$0x1B0];
	v15 =	vmul.f32 $2.000000030e-01, v11;
	v23 =	vmul.f32 $2.000000030e-01, v14  }
0x10a: {  	v13 =	vld [tilespmem:s22+$0x29B0];
	v22 =	vmul.f32 $2.000000030e-01, v12;
	v8 =	vmax.f32 v6, v7;
	v6 =	vmax.f32 v9, v21  }
0x10b: {  	v7 =	vmax.f32 v11, v15;
	v11 =	vld [tilespmem:$0x7A50];
	v9 =	vmax.f32 v14, v23;
	v14 =	vadd.f32 v18, v20  }
0x10c: {  	s25 =	simm.s32 $0x200;
	v15 =	vmax.f32 v12, v22;
	v12 =	vld [tilespmem:$0x7A60];
	v10 =	vadd.f32 v10, v19  }
.LBB2_7:
0x10d: {  	p0 =	sne.s32 s25, $0x9E00;
	v18 =	vld [tilespmem:$0x7A20];
	v19 =	vmul.f32 $2.000000030e-01, v14;
	s15 =	smov.u32 s25;
	s25 =	sadd.s32 $0x200, s25  }
0x10e: {  	v20 =	vmul.f32 $2.000000030e-01, v10;
	v15 =	vmul.f32 v15, v17;
	v17 =	vld [tilespmem:$0x7A40]  }
0x10f: {  	v5 =	vadd.f32 v13, v5;
	v8 =	vmul.f32 v8, v16;
	v13 =	vld [tilespmem:$0x7A30];
	v14 =	vmax.f32 v14, v19  }
0x110: {  	v10 =	vmax.f32 v10, v20;
	v15 =	vadd.f32 $0.0e+00, v15;
	v11 =	vmul.f32 v14, v11  }
0x111: {  	v14 =	vmul.f32 $2.000000030e-01, v5;
	v10 =	vmul.f32 v10, v12;
	v12 =	vld [tilespmem:$0x7A70]  }
0x112: {  	v8 =	vadd.f32 v8, v15;
	v7 =	vmul.f32 v7, v18  }
0x113: {  	v5 =	vmax.f32 v5, v14;
	v9 =	vmul.f32 v9, v17  }
0x114: {  	v7 =	vadd.f32 v7, v8;
	v5 =	vmul.f32 v5, v13;
	_ =	sdelay $0x1  }
0x115: {  	s15 =	sshra.s32 s15, $0x2;
	v5 =	vadd.f32 v5, v7;
	v6 =	vmul.f32 v6, v12  }
0x116: {  	v7 =	vld [tilespmem:s15+$0x190]  }
0x117: {  	v8 =	vld [tilespmem:s15+$0x180];
	v9 =	vadd.f32 v9, v5;
	_ =	sdelay $0x1  }
0x118: {  	v5 =	vld [tilespmem:s15+$0x1B0];
	v9 =	vadd.f32 v11, v9  }
0x119: {  	v11 =	vld [tilespmem:s15+$0x1A0]  }
0x11a: {  	v9 =	vadd.f32 v10, v9;
	_ =	sdelay $0x1  }
0x11b: {  	v6 =	vadd.f32 v6, v9;
	_ =	sdelay $0x1  }
0x11c: {  	v9 =	vperm.xlane v6, v0;
	_ =	sdelay $0x1  }
0x11d: {  	v6 =	vadd.f32 v6, v9;
	_ =	sdelay $0x1  }
0x11e: {  	v9 =	vperm.xlane v6, v1;
	_ =	sdelay $0x1  }
0x11f: {  	v6 =	vadd.f32 v6, v9;
	_ =	sdelay $0x1  }
0x120: {  	v9 =	vperm.xlane v6, v3;
	_ =	sdelay $0x1  }
0x121: {  	v6 =	vadd.f32 v6, v9;
	_ =	sdelay $0x1  }
0x122: {  	v9 =	vperm.xlane v6, v4;
	_ =	sdelay $0x1  }
0x123: {  	v6 =	vadd.f32 v6, v9;
	_ =	sdelay $0x1  }
0x124: {  	v6 =	vmul.f32 $1.442695020e+00, v6;
	_ =	sdelay $0x1  }
0x125: {  	(erf) = vpow2.f32 v6  }
0x126: {  	v6 =	vld [tilespmem:s22+$0x1E0]  }
0x127: {  	v9 =	vld [tilespmem:s22+$0x1D0]  }
0x128: {  	v10 =	vld [tilespmem:s22+$0x1A0]  }
0x129: {  	v12 =	vld [tilespmem:s22+$0x1F0]  }
0x12a: {  	v13 =	vld [tilespmem:s22+$0x190]  }
0x12b: {  	v14 =	vld [tilespmem:s22+$0x180]  }
0x12c: {  	v15 =	vld [tilespmem:s22+$0x1C0]  }
0x12d: {  	v16 =	vld [tilespmem:s22+$0x1B0]  }
0x12e: {  	v17 =	vpop (erf)  }
0x12f: {  	[tilespmem:s22+$0x5180] =	vst v17;
	v13 =	vmul.f32 v13, v17;
	v12 =	vmul.f32 v12, v17  }
0x130: {  	v10 =	vmul.f32 v10, v17;
	[tilespmem:s22+$0x5190] =	vst v17;
	v14 =	vmul.f32 v14, v17  }
0x131: {  	v9 =	vmul.f32 v9, v17;
	v18 =	vld [tilespmem:s15+$0x1F0];
	[tilespmem:s22+$0x2990] =	vst v13;
	v13 =	vmul.f32 v15, v17  }
0x132: {  	v6 =	vmul.f32 v6, v17;
	v15 =	vld [tilespmem:s15+$0x2990];
	v16 =	vmul.f32 v16, v17;
	[tilespmem:s22+$0x29F0] =	vst v12  }
0x133: {  	v12 =	vld [tilespmem:s15+$0x29F0];
	[tilespmem:s22+$0x29A0] =	vst v10  }
0x134: {  	v10 =	vld [tilespmem:s15+$0x29A0];
	[tilespmem:s22+$0x2980] =	vst v14  }
0x135: {  	v14 =	vld [tilespmem:s15+$0x2980];
	[tilespmem:s22+$0x29C0] =	vst v13  }
0x136: {  	v13 =	vld [tilespmem:s15+$0x1C0];
	[tilespmem:s22+$0x29D0] =	vst v9  }
0x137: {  	v7 =	vadd.f32 v15, v7;
	v9 =	vld [tilespmem:s15+$0x29C0];
	[tilespmem:s22+$0x29E0] =	vst v6  }
0x138: {  	v6 =	vadd.f32 v12, v18;
	[tilespmem:s22+$0x29B0] =	vst v16  }
0x139: {  	v12 =	vmul.f32 $2.000000030e-01, v7;
	v10 =	vadd.f32 v10, v11;
	[tilespmem:s22+$0x51A0] =	vst v17  }
0x13a: {  	v11 =	vadd.f32 v14, v8;
	v14 =	vld [tilespmem:s15+$0x29D0];
	v15 =	vmul.f32 $2.000000030e-01, v6;
	[tilespmem:s22+$0x51B0] =	vst v17  }
0x13b: {  	v8 =	vmax.f32 v7, v12;
	v7 =	vmul.f32 $2.000000030e-01, v10;
	v12 =	vld [tilespmem:s15+$0x1E0];
	[tilespmem:s22+$0x51C0] =	vst v17  }
0x13c: {  	v16 =	vmul.f32 $2.000000030e-01, v11;
	v9 =	vadd.f32 v9, v13;
	v18 =	vld [tilespmem:s15+$0x29E0];
	v6 =	vmax.f32 v6, v15;
	[tilespmem:s22+$0x51D0] =	vst v17  }
0x13d: {  	v7 =	vmax.f32 v10, v7;
	v19 =	vld [tilespmem:s15+$0x1D0];
	[tilespmem:s22+$0x51E0] =	vst v17  }
0x13e: {  	v15 =	vmax.f32 v11, v16;
	v10 =	vmul.f32 $2.000000030e-01, v9;
	[tilespmem:s22+$0x51F0] =	vst v17;
	s22 =	smov.u32 s15  }
.Ltmp2:
0x13f: {  	v13 =	vld [tilespmem:s22+$0x29B0];
	(pc) =	sbr.rel @p0 .LBB2_7-.Ltmp2, $4  }
0x140: {  	v17 =	vld [tilespmem:$0x7A00];
	v9 =	vmax.f32 v9, v10  }
0x141: {  	v16 =	vld [tilespmem:$0x7A10];
	v10 =	vadd.f32 v18, v12  }
0x142: {  	v14 =	vadd.f32 v14, v19;
	v11 =	vld [tilespmem:$0x7A50]  }
0x143: {  	v12 =	vld [tilespmem:$0x7A60]  }
0x144: {  	v18 =	vld [tilespmem:$0x7A20]  }
0x145: {  	v15 =	vmul.f32 v15, v17  }
0x146: {  	v5 =	vadd.f32 v13, v5;
	v51 =	vld [tilespmem:$0x7A30]  }
0x147: {  	v8 =	vmul.f32 v8, v16;
	v15 =	vadd.f32 $0.0e+00, v15  }
0x148: {  	v52 =	vld [tilespmem:$0x7A40];
	v53 =	vmul.f32 $2.000000030e-01, v5  }
0x149: {  	v8 =	vadd.f32 v8, v15;
	v7 =	vmul.f32 v7, v18  }
0x14a: {  	v5 =	vmax.f32 v5, v53  }
0x14b: {  	v5 =	vmul.f32 v5, v51;
	v7 =	vadd.f32 v7, v8  }
0x14c: {  	v54 =	vmul.f32 $2.000000030e-01, v14  }
0x14d: {  	v9 =	vmul.f32 v9, v52;
	v5 =	vadd.f32 v5, v7  }
0x14e: {  	v55 =	vld [tilespmem:$0x7A70];
	v8 =	vmax.f32 v14, v54;
	v7 =	vmul.f32 $2.000000030e-01, v10  }
0x14f: {  	v8 =	vmul.f32 v8, v11;
	v5 =	vadd.f32 v9, v5  }
0x150: {  	v7 =	vmax.f32 v10, v7  }
0x151: {  	v7 =	vmul.f32 v7, v12;
	v5 =	vadd.f32 v8, v5;
	_ =	sdelay $0x1  }
0x152: {  	v6 =	vmul.f32 v6, v55;
	v5 =	vadd.f32 v7, v5;
	_ =	sdelay $0x1  }
0x153: {  	v5 =	vadd.f32 v6, v5;
	_ =	sdelay $0x1  }
0x154: {  	v6 =	vperm.xlane v5, v0;
	_ =	sdelay $0x1  }
0x155: {  	v5 =	vadd.f32 v5, v6;
	_ =	sdelay $0x1  }
0x156: {  	v6 =	vperm.xlane v5, v1;
	_ =	sdelay $0x1  }
0x157: {  	v5 =	vadd.f32 v5, v6;
	_ =	sdelay $0x1  }
0x158: {  	v6 =	vperm.xlane v5, v3;
	_ =	sdelay $0x1  }
0x159: {  	v5 =	vadd.f32 v5, v6;
	_ =	sdelay $0x1  }
0x15a: {  	v6 =	vperm.xlane v5, v4;
	_ =	sdelay $0x1  }
0x15b: {  	v5 =	vadd.f32 v5, v6;
	_ =	sdelay $0x1  }
0x15c: {  	v5 =	vmul.f32 $1.442695020e+00, v5;
	_ =	sdelay $0x1  }
0x15d: {  	(erf) = vpow2.f32 v5;
	_ =	sdelay $0x8  }
0x15e: {  	v61 =	vpop (erf)  }
0x15f: {  	[tilespmem:s22+$0x5180] =	vst v61  }
0x160: {  	v56 =	vld [tilespmem:s22+$0x190];
	[tilespmem:s22+$0x5190] =	vst v61  }
0x161: {  	v57 =	vld [tilespmem:s22+$0x1F0];
	[tilespmem:s22+$0x51A0] =	vst v61  }
0x162: {  	v7 =	vld [tilespmem:s22+$0x1A0];
	[tilespmem:s22+$0x51B0] =	vst v61  }
0x163: {  	v58 =	vld [tilespmem:s22+$0x180];
	[tilespmem:s22+$0x51C0] =	vst v61  }
0x164: {  	v59 =	vld [tilespmem:s22+$0x1C0];
	[tilespmem:s22+$0x51D0] =	vst v61  }
0x165: {  	v6 =	vld [tilespmem:s22+$0x1D0];
	v8 =	vmul.f32 v56, v61;
	[tilespmem:s22+$0x51E0] =	vst v61  }
0x166: {  	v5 =	vld [tilespmem:s22+$0x1E0];
	v9 =	vmul.f32 v57, v61;
	[tilespmem:s22+$0x51F0] =	vst v61  }
0x167: {  	v60 =	vld [tilespmem:s22+$0x1B0];
	v7 =	vmul.f32 v7, v61;
	[tilespmem:s22+$0x2990] =	vst v8  }
0x168: {  	v62 =	vmul.f32 v58, v61;
	[tilespmem:s22+$0x29F0] =	vst v9  }
0x169: {  	v63 =	vmul.f32 v59, v61;
	[tilespmem:s22+$0x29A0] =	vst v7  }
0x16a: {  	v6 =	vmul.f32 v6, v61;
	[tilespmem:s22+$0x2980] =	vst v62  }
0x16b: {  	v5 =	vmul.f32 v5, v61;
	[tilespmem:s22+$0x29C0] =	vst v63  }
0x16c: {  	v7 =	vmul.f32 v60, v61;
	[tilespmem:s22+$0x29D0] =	vst v6  }
0x16d: {  	[tilespmem:s22+$0x29E0] =	vst v5  }
0x16e: {  	[tilespmem:s22+$0x29B0] =	vst v7  }
0x16f: {  	[spmem:s4] =	stream.indirect.scatter.add.f32 [tilespmem:s1], [sflag:$0x3], $0x80, s24, s31, $0xb8;
	[tilespmem:$0x1B480] =	vst v63  }
0x170: {  	s21 =	sadd.s32 $0x1, s21;
	_ =	swait.ge [sflag:s29], $0x2800  }
0x171: {  	p0 =	sne.s32 s21, $0xFA;
	[sflag:s29] =	ssyncset.done $0x0  }
.Ltmp3:
0x172: {  	[sflag:s29] =	ssyncadd.s32 $0xFFFFD800;
	(pc) =	sbr.rel @p0 .LBB2_6-.Ltmp3, $4  }
0x173: {  	[spmem:s5] =	stream.indirect.scatter.add.f32 [tilespmem:s14], [sflag:$0x3], $0x80, s24, s31, $0xb8;
	[tilespmem:$0x1B480] =	vst v63  }
0x174: {  	_ =	swait.ge [sflag:s29], $0x2800  }
0x175: {  	[sflag:s29] =	ssyncset.done $0x0  }
0x176: {  	[sflag:s29] =	ssyncadd.s32 $0xFFFFD800  }
0x177: {  	[bflag:$0x0] =	sbarrier.arrive $0xFFFF  }
0x178: {  	s15 =	rddreg [dreg:$0x9]  }
0x179: {  	[hbm:s15], [sflag:s16] =	dma.local [spmem:s17], $0x13880  }
0x17a: {  	_ =	swait.ge [sflag:s29], $0x13880  }
0x17b: {  	[sflag:s29] =	ssyncset.done $0x0  }
0x17c: {  	s25 =	rddreg [dreg:$0xa];
	[sflag:s29] =	ssyncadd.s32 $0xFFFEC780  }
0x17d: {  	[hbm:s25], [sflag:s16] =	dma.local [spmem:s18], $0x13880  }
0x17e: {  	_ =	swait.ge [sflag:s29], $0x13880  }
0x17f: {  	[sflag:s29] =	ssyncset.done $0x0  }
0x180: {  	[sflag:s29] =	ssyncadd.s32 $0xFFFEC780  }
0x181: {  	[bflag:$0x0] =	sbarrier.arrive $0xFFFF  }
0x182: {  	[spmem:s17], [sflag:s16] =	dma.local [hbm:s9], $0x13900  }
0x183: {  	_ =	swait.ge [sflag:s29], $0x13900  }
0x184: {  	[sflag:s29] =	ssyncset.done $0x0  }
0x185: {  	[sflag:s29] =	ssyncadd.s32 $0xFFFEC700  }
0x186: {  	[spmem:s18], [sflag:s16] =	dma.local [hbm:s9], $0x13900  }
0x187: {  	_ =	swait.ge [sflag:s29], $0x13900  }
0x188: {  	[sflag:s29] =	ssyncset.done $0x0  }
0x189: {  	[sflag:s29] =	ssyncadd.s32 $0xFFFEC700  }
0x18a: {  	s19 =	simm.s32 $0x0;
	s21 =	simm.s32 $0x0;
	[bflag:$0x0] =	sbarrier.arrive $0xFFFF  }
.LBB2_10:
0x18b: {  	s15 =	smul.u32 $0x50, s21;
	_ =	sdelay $0x1  }
0x18c: {  	s15 =	sadd.s32 s26, s15  }
0x18d: {  	s15 =	sshrl.u32 s15, $0x3  }
0x18e: {  	s22 =	sadd.s32 s7, s15  }
0x18f: {  	[tilespmem:s19], [sflag:$0x3] =	stream.linear.gather [hbm4b:s22+s19], $0x50, $0x38;
	[tilespmem:$0x1B480] =	vst v63  }
0x190: {  	_ =	swait.ge [sflag:s29], $0x50  }
0x191: {  	[sflag:s29] =	ssyncset.done $0x0  }
0x192: {  	s15 =	sadd.s32 s8, s15;
	[sflag:s29] =	ssyncadd.s32 $0xFFFFFFB0  }
0x193: {  	[tilespmem:s30], [sflag:$0x3] =	stream.linear.gather [hbm4b:s15+s19], $0x50, $0x38;
	[tilespmem:$0x1B480] =	vst v63  }
0x194: {  	_ =	swait.ge [sflag:s29], $0x50  }
0x195: {  	[sflag:s29] =	ssyncset.done $0x0  }
0x196: {  	[sflag:s29] =	ssyncadd.s32 $0xFFFFFFB0  }
0x197: {  	[tilespmem:s0], [sflag:$0x1] =	stream.indirect.gather [hbm4b:s12+s31], $0x80, s19, s31, $0xb8;
	[tilespmem:$0x1B480] =	vst v63  }
0x198: {  	_ = 	snop  }
0x199: {  	[tilespmem:s1], [sflag:$0x2] =	stream.indirect.gather [hbm4b:s2+s31], $0x80, s30, s31, $0xb8;
	[tilespmem:$0x1B480] =	vst v63  }
0x19a: {  	_ =	swait.ge [sflag:s6], $0x2800  }
0x19b: {  	[sflag:s6] =	ssyncset.done $0x0  }
0x19c: {  	[sflag:s6] =	ssyncadd.s32 $0xFFFFD800  }
0x19d: {  	_ =	swait.ge [sflag:s28], $0x2800  }
0x19e: {  	[sflag:s28] =	ssyncset.done $0x0  }
0x19f: {  	[sflag:s28] =	ssyncadd.s32 $0xFFFFD800  }
0x1a0: {  	v5 =	vld [tilespmem:$0x80]  }
0x1a1: {  	v6 =	vld [tilespmem:$0x90]  }
0x1a2: {  	v7 =	vld [tilespmem:$0xA0]  }
0x1a3: {  	v8 =	vld [tilespmem:$0xB0]  }
0x1a4: {  	v9 =	vld [tilespmem:$0xC0]  }
0x1a5: {  	v5 =	vsub.s32 v5, v2  }
0x1a6: {  	v6 =	vsub.s32 v6, v2;
	v5 =	vmin.u32 v5, $0x1388  }
0x1a7: {  	[tilespmem:$0x100] =	vst v5;
	v5 =	vmin.u32 v6, $0x1388;
	v6 =	vsub.s32 v7, v2  }
0x1a8: {  	[tilespmem:$0x110] =	vst v5;
	v5 =	vmin.u32 v6, $0x1388;
	v6 =	vsub.s32 v8, v2  }
0x1a9: {  	[tilespmem:$0x120] =	vst v5;
	v5 =	vmin.u32 v6, $0x1388;
	v6 =	vsub.s32 v9, v2  }
0x1aa: {  	[tilespmem:$0x130] =	vst v5;
	v5 =	vmin.u32 v6, $0x1388  }
0x1ab: {  	s22 =	simm.s32 $0x0;
	v17 =	vld [tilespmem:$0x7A80];
	[tilespmem:$0x140] =	vst v5  }
0x1ac: {  	v6 =	vld [tilespmem:s22+$0x190]  }
0x1ad: {  	v7 =	vld [tilespmem:s22+$0x180]  }
0x1ae: {  	v8 =	vld [tilespmem:s22+$0x1A0]  }
0x1af: {  	v9 =	vld [tilespmem:s22+$0x1F0]  }
0x1b0: {  	v10 =	vld [tilespmem:s22+$0x2990]  }
0x1b1: {  	v11 =	vld [tilespmem:s22+$0x29F0]  }
0x1b2: {  	v12 =	vld [tilespmem:s22+$0x29A0]  }
0x1b3: {  	v14 =	vld [tilespmem:s22+$0x1C0]  }
0x1b4: {  	v15 =	vld [tilespmem:s22+$0x29C0]  }
0x1b5: {  	v13 =	vld [tilespmem:s22+$0x2980]  }
0x1b6: {  	v18 =	vld [tilespmem:s22+$0x29D0]  }
0x1b7: {  	v19 =	vld [tilespmem:s22+$0x1E0]  }
0x1b8: {  	v20 =	vld [tilespmem:s22+$0x1D0];
	v6 =	vadd.f32 v10, v6;
	v9 =	vadd.f32 v11, v9  }
0x1b9: {  	v10 =	vld [tilespmem:s22+$0x29E0];
	v11 =	vadd.f32 v12, v8;
	v14 =	vadd.f32 v15, v14  }
0x1ba: {  	v16 =	vld [tilespmem:$0x7A90];
	v12 =	vadd.f32 v13, v7;
	v7 =	vmul.f32 $2.000000030e-01, v6;
	v21 =	vmul.f32 $2.000000030e-01, v9  }
0x1bb: {  	v5 =	vld [tilespmem:s22+$0x1B0];
	v15 =	vmul.f32 $2.000000030e-01, v11;
	v23 =	vmul.f32 $2.000000030e-01, v14  }
0x1bc: {  	v13 =	vld [tilespmem:s22+$0x29B0];
	v22 =	vmul.f32 $2.000000030e-01, v12;
	v8 =	vmax.f32 v6, v7;
	v6 =	vmax.f32 v9, v21  }
0x1bd: {  	v7 =	vmax.f32 v11, v15;
	v11 =	vld [tilespmem:$0x7AD0];
	v9 =	vmax.f32 v14, v23;
	v14 =	vadd.f32 v18, v20  }
0x1be: {  	s25 =	simm.s32 $0x200;
	v15 =	vmax.f32 v12, v22;
	v12 =	vld [tilespmem:$0x7AE0];
	v10 =	vadd.f32 v10, v19  }
.LBB2_11:
0x1bf: {  	p0 =	sne.s32 s25, $0x9E00;
	v18 =	vld [tilespmem:$0x7AA0];
	v19 =	vmul.f32 $2.000000030e-01, v14;
	s15 =	smov.u32 s25;
	s25 =	sadd.s32 $0x200, s25  }
0x1c0: {  	v20 =	vmul.f32 $2.000000030e-01, v10;
	v15 =	vmul.f32 v15, v17;
	v17 =	vld [tilespmem:$0x7AC0]  }
0x1c1: {  	v5 =	vadd.f32 v13, v5;
	v8 =	vmul.f32 v8, v16;
	v13 =	vld [tilespmem:$0x7AB0];
	v14 =	vmax.f32 v14, v19  }
0x1c2: {  	v10 =	vmax.f32 v10, v20;
	v15 =	vadd.f32 $0.0e+00, v15;
	v11 =	vmul.f32 v14, v11  }
0x1c3: {  	v14 =	vmul.f32 $2.000000030e-01, v5;
	v10 =	vmul.f32 v10, v12;
	v12 =	vld [tilespmem:$0x7AF0]  }
0x1c4: {  	v8 =	vadd.f32 v8, v15;
	v7 =	vmul.f32 v7, v18  }
0x1c5: {  	v5 =	vmax.f32 v5, v14;
	v9 =	vmul.f32 v9, v17  }
0x1c6: {  	v7 =	vadd.f32 v7, v8;
	v5 =	vmul.f32 v5, v13;
	_ =	sdelay $0x1  }
0x1c7: {  	s15 =	sshra.s32 s15, $0x2;
	v5 =	vadd.f32 v5, v7;
	v6 =	vmul.f32 v6, v12  }
0x1c8: {  	v7 =	vld [tilespmem:s15+$0x190]  }
0x1c9: {  	v8 =	vld [tilespmem:s15+$0x180];
	v9 =	vadd.f32 v9, v5;
	_ =	sdelay $0x1  }
0x1ca: {  	v5 =	vld [tilespmem:s15+$0x1B0];
	v9 =	vadd.f32 v11, v9  }
0x1cb: {  	v11 =	vld [tilespmem:s15+$0x1A0]  }
0x1cc: {  	v9 =	vadd.f32 v10, v9;
	_ =	sdelay $0x1  }
0x1cd: {  	v6 =	vadd.f32 v6, v9;
	_ =	sdelay $0x1  }
0x1ce: {  	v9 =	vperm.xlane v6, v0;
	_ =	sdelay $0x1  }
0x1cf: {  	v6 =	vadd.f32 v6, v9;
	_ =	sdelay $0x1  }
0x1d0: {  	v9 =	vperm.xlane v6, v1;
	_ =	sdelay $0x1  }
0x1d1: {  	v6 =	vadd.f32 v6, v9;
	_ =	sdelay $0x1  }
0x1d2: {  	v9 =	vperm.xlane v6, v3;
	_ =	sdelay $0x1  }
0x1d3: {  	v6 =	vadd.f32 v6, v9;
	_ =	sdelay $0x1  }
0x1d4: {  	v9 =	vperm.xlane v6, v4;
	_ =	sdelay $0x1  }
0x1d5: {  	v6 =	vadd.f32 v6, v9;
	_ =	sdelay $0x1  }
0x1d6: {  	v6 =	vmul.f32 $1.442695020e+00, v6;
	_ =	sdelay $0x1  }
0x1d7: {  	(erf) = vpow2.f32 v6  }
0x1d8: {  	v6 =	vld [tilespmem:s22+$0x1E0]  }
0x1d9: {  	v9 =	vld [tilespmem:s22+$0x1D0]  }
0x1da: {  	v10 =	vld [tilespmem:s22+$0x1A0]  }
0x1db: {  	v12 =	vld [tilespmem:s22+$0x1F0]  }
0x1dc: {  	v13 =	vld [tilespmem:s22+$0x190]  }
0x1dd: {  	v14 =	vld [tilespmem:s22+$0x180]  }
0x1de: {  	v15 =	vld [tilespmem:s22+$0x1C0]  }
0x1df: {  	v16 =	vld [tilespmem:s22+$0x1B0]  }
0x1e0: {  	v17 =	vpop (erf)  }
0x1e1: {  	[tilespmem:s22+$0x5180] =	vst v17;
	v13 =	vmul.f32 v13, v17;
	v12 =	vmul.f32 v12, v17  }
0x1e2: {  	v10 =	vmul.f32 v10, v17;
	[tilespmem:s22+$0x5190] =	vst v17;
	v14 =	vmul.f32 v14, v17  }
0x1e3: {  	v9 =	vmul.f32 v9, v17;
	v18 =	vld [tilespmem:s15+$0x1F0];
	[tilespmem:s22+$0x2990] =	vst v13;
	v13 =	vmul.f32 v15, v17  }
0x1e4: {  	v6 =	vmul.f32 v6, v17;
	v15 =	vld [tilespmem:s15+$0x2990];
	v16 =	vmul.f32 v16, v17;
	[tilespmem:s22+$0x29F0] =	vst v12  }
0x1e5: {  	v12 =	vld [tilespmem:s15+$0x29F0];
	[tilespmem:s22+$0x29A0] =	vst v10  }
0x1e6: {  	v10 =	vld [tilespmem:s15+$0x29A0];
	[tilespmem:s22+$0x2980] =	vst v14  }
0x1e7: {  	v14 =	vld [tilespmem:s15+$0x2980];
	[tilespmem:s22+$0x29C0] =	vst v13  }
0x1e8: {  	v13 =	vld [tilespmem:s15+$0x1C0];
	[tilespmem:s22+$0x29D0] =	vst v9  }
0x1e9: {  	v7 =	vadd.f32 v15, v7;
	v9 =	vld [tilespmem:s15+$0x29C0];
	[tilespmem:s22+$0x29E0] =	vst v6  }
0x1ea: {  	v6 =	vadd.f32 v12, v18;
	[tilespmem:s22+$0x29B0] =	vst v16  }
0x1eb: {  	v12 =	vmul.f32 $2.000000030e-01, v7;
	v10 =	vadd.f32 v10, v11;
	[tilespmem:s22+$0x51A0] =	vst v17  }
0x1ec: {  	v11 =	vadd.f32 v14, v8;
	v14 =	vld [tilespmem:s15+$0x29D0];
	v15 =	vmul.f32 $2.000000030e-01, v6;
	[tilespmem:s22+$0x51B0] =	vst v17  }
0x1ed: {  	v8 =	vmax.f32 v7, v12;
	v7 =	vmul.f32 $2.000000030e-01, v10;
	v12 =	vld [tilespmem:s15+$0x1E0];
	[tilespmem:s22+$0x51C0] =	vst v17  }
0x1ee: {  	v16 =	vmul.f32 $2.000000030e-01, v11;
	v9 =	vadd.f32 v9, v13;
	v18 =	vld [tilespmem:s15+$0x29E0];
	v6 =	vmax.f32 v6, v15;
	[tilespmem:s22+$0x51D0] =	vst v17  }
0x1ef: {  	v7 =	vmax.f32 v10, v7;
	v19 =	vld [tilespmem:s15+$0x1D0];
	[tilespmem:s22+$0x51E0] =	vst v17  }
0x1f0: {  	v15 =	vmax.f32 v11, v16;
	v10 =	vmul.f32 $2.000000030e-01, v9;
	[tilespmem:s22+$0x51F0] =	vst v17;
	s22 =	smov.u32 s15  }
.Ltmp4:
0x1f1: {  	v13 =	vld [tilespmem:s22+$0x29B0];
	(pc) =	sbr.rel @p0 .LBB2_11-.Ltmp4, $4  }
0x1f2: {  	v17 =	vld [tilespmem:$0x7A80];
	v9 =	vmax.f32 v9, v10  }
0x1f3: {  	v16 =	vld [tilespmem:$0x7A90];
	v10 =	vadd.f32 v18, v12  }
0x1f4: {  	v14 =	vadd.f32 v14, v19;
	v11 =	vld [tilespmem:$0x7AD0]  }
0x1f5: {  	v12 =	vld [tilespmem:$0x7AE0]  }
0x1f6: {  	v18 =	vld [tilespmem:$0x7AA0]  }
0x1f7: {  	v15 =	vmul.f32 v15, v17  }
0x1f8: {  	v5 =	vadd.f32 v13, v5;
	v51 =	vld [tilespmem:$0x7AB0]  }
0x1f9: {  	v8 =	vmul.f32 v8, v16;
	v15 =	vadd.f32 $0.0e+00, v15  }
0x1fa: {  	v52 =	vld [tilespmem:$0x7AC0];
	v53 =	vmul.f32 $2.000000030e-01, v5  }
0x1fb: {  	v8 =	vadd.f32 v8, v15;
	v7 =	vmul.f32 v7, v18  }
0x1fc: {  	v5 =	vmax.f32 v5, v53  }
0x1fd: {  	v5 =	vmul.f32 v5, v51;
	v7 =	vadd.f32 v7, v8  }
0x1fe: {  	v54 =	vmul.f32 $2.000000030e-01, v14  }
0x1ff: {  	v9 =	vmul.f32 v9, v52;
	v5 =	vadd.f32 v5, v7  }
0x200: {  	v55 =	vld [tilespmem:$0x7AF0];
	v8 =	vmax.f32 v14, v54;
	v7 =	vmul.f32 $2.000000030e-01, v10  }
0x201: {  	v8 =	vmul.f32 v8, v11;
	v5 =	vadd.f32 v9, v5  }
0x202: {  	v7 =	vmax.f32 v10, v7  }
0x203: {  	v7 =	vmul.f32 v7, v12;
	v5 =	vadd.f32 v8, v5;
	_ =	sdelay $0x1  }
0x204: {  	v6 =	vmul.f32 v6, v55;
	v5 =	vadd.f32 v7, v5;
	_ =	sdelay $0x1  }
0x205: {  	v5 =	vadd.f32 v6, v5;
	_ =	sdelay $0x1  }
0x206: {  	v6 =	vperm.xlane v5, v0;
	_ =	sdelay $0x1  }
0x207: {  	v5 =	vadd.f32 v5, v6;
	_ =	sdelay $0x1  }
0x208: {  	v6 =	vperm.xlane v5, v1;
	_ =	sdelay $0x1  }
0x209: {  	v5 =	vadd.f32 v5, v6;
	_ =	sdelay $0x1  }
0x20a: {  	v6 =	vperm.xlane v5, v3;
	_ =	sdelay $0x1  }
0x20b: {  	v5 =	vadd.f32 v5, v6;
	_ =	sdelay $0x1  }
0x20c: {  	v6 =	vperm.xlane v5, v4;
	_ =	sdelay $0x1  }
0x20d: {  	v5 =	vadd.f32 v5, v6;
	_ =	sdelay $0x1  }
0x20e: {  	v5 =	vmul.f32 $1.442695020e+00, v5;
	_ =	sdelay $0x1  }
0x20f: {  	(erf) = vpow2.f32 v5;
	_ =	sdelay $0x8  }
0x210: {  	v61 =	vpop (erf)  }
0x211: {  	[tilespmem:s22+$0x5180] =	vst v61  }
0x212: {  	v56 =	vld [tilespmem:s22+$0x190];
	[tilespmem:s22+$0x5190] =	vst v61  }
0x213: {  	v57 =	vld [tilespmem:s22+$0x1F0];
	[tilespmem:s22+$0x51A0] =	vst v61  }
0x214: {  	v7 =	vld [tilespmem:s22+$0x1A0];
	[tilespmem:s22+$0x51B0] =	vst v61  }
0x215: {  	v58 =	vld [tilespmem:s22+$0x180];
	[tilespmem:s22+$0x51C0] =	vst v61  }
0x216: {  	v59 =	vld [tilespmem:s22+$0x1C0];
	[tilespmem:s22+$0x51D0] =	vst v61  }
0x217: {  	v6 =	vld [tilespmem:s22+$0x1D0];
	v8 =	vmul.f32 v56, v61;
	[tilespmem:s22+$0x51E0] =	vst v61  }
0x218: {  	v5 =	vld [tilespmem:s22+$0x1E0];
	v9 =	vmul.f32 v57, v61;
	[tilespmem:s22+$0x51F0] =	vst v61  }
0x219: {  	v60 =	vld [tilespmem:s22+$0x1B0];
	v7 =	vmul.f32 v7, v61;
	[tilespmem:s22+$0x2990] =	vst v8  }
0x21a: {  	v62 =	vmul.f32 v58, v61;
	[tilespmem:s22+$0x29F0] =	vst v9  }
0x21b: {  	v63 =	vmul.f32 v59, v61;
	[tilespmem:s22+$0x29A0] =	vst v7  }
0x21c: {  	v6 =	vmul.f32 v6, v61;
	[tilespmem:s22+$0x2980] =	vst v62  }
0x21d: {  	v5 =	vmul.f32 v5, v61;
	[tilespmem:s22+$0x29C0] =	vst v63  }
0x21e: {  	v7 =	vmul.f32 v60, v61;
	[tilespmem:s22+$0x29D0] =	vst v6  }
0x21f: {  	[tilespmem:s22+$0x29E0] =	vst v5  }
0x220: {  	[tilespmem:s22+$0x29B0] =	vst v7  }
0x221: {  	[spmem:s4] =	stream.indirect.scatter.add.f32 [tilespmem:s1], [sflag:$0x3], $0x80, s24, s31, $0xb8;
	[tilespmem:$0x1B480] =	vst v63  }
0x222: {  	s21 =	sadd.s32 $0x1, s21;
	_ =	swait.ge [sflag:s29], $0x2800  }
0x223: {  	p0 =	sne.s32 s21, $0xFA;
	[sflag:s29] =	ssyncset.done $0x0  }
.Ltmp5:
0x224: {  	[sflag:s29] =	ssyncadd.s32 $0xFFFFD800;
	(pc) =	sbr.rel @p0 .LBB2_10-.Ltmp5, $4  }
0x225: {  	[spmem:s5] =	stream.indirect.scatter.add.f32 [tilespmem:s14], [sflag:$0x3], $0x80, s24, s31, $0xb8;
	[tilespmem:$0x1B480] =	vst v63  }
0x226: {  	_ =	swait.ge [sflag:s29], $0x2800  }
0x227: {  	[sflag:s29] =	ssyncset.done $0x0  }
0x228: {  	[sflag:s29] =	ssyncadd.s32 $0xFFFFD800  }
0x229: {  	[bflag:$0x0] =	sbarrier.arrive $0xFFFF  }
0x22a: {  	s15 =	rddreg [dreg:$0xb]  }
0x22b: {  	[hbm:s15], [sflag:s16] =	dma.local [spmem:s17], $0x13880  }
0x22c: {  	_ =	swait.ge [sflag:s29], $0x13880  }
0x22d: {  	[sflag:s29] =	ssyncset.done $0x0  }
0x22e: {  	s25 =	rddreg [dreg:$0xc];
	[sflag:s29] =	ssyncadd.s32 $0xFFFEC780  }
0x22f: {  	[hbm:s25], [sflag:s16] =	dma.local [spmem:s18], $0x13880  }
0x230: {  	_ =	swait.ge [sflag:s29], $0x13880  }
0x231: {  	[sflag:s29] =	ssyncset.done $0x0  }
0x232: {  	[sflag:s29] =	ssyncadd.s32 $0xFFFEC780  }
0x233: {  	[bflag:$0x0] =	sbarrier.arrive $0xFFFF  }
0x234: {  	[spmem:s17], [sflag:s16] =	dma.local [hbm:s9], $0x13900  }
0x235: {  	_ =	swait.ge [sflag:s29], $0x13900  }
0x236: {  	[sflag:s29] =	ssyncset.done $0x0  }
0x237: {  	[sflag:s29] =	ssyncadd.s32 $0xFFFEC700  }
0x238: {  	[spmem:s18], [sflag:s16] =	dma.local [hbm:s9], $0x13900  }
0x239: {  	_ =	swait.ge [sflag:s29], $0x13900  }
0x23a: {  	[sflag:s29] =	ssyncset.done $0x0  }
0x23b: {  	[sflag:s29] =	ssyncadd.s32 $0xFFFEC700  }
0x23c: {  	s19 =	simm.s32 $0x0;
	s21 =	simm.s32 $0x0;
	[bflag:$0x0] =	sbarrier.arrive $0xFFFF  }
.LBB2_14:
0x23d: {  	s15 =	smul.u32 $0x50, s21;
	_ =	sdelay $0x1  }
0x23e: {  	s15 =	sadd.s32 s26, s15  }
0x23f: {  	s15 =	sshrl.u32 s15, $0x3  }
0x240: {  	s22 =	sadd.s32 s7, s15  }
0x241: {  	[tilespmem:s19], [sflag:$0x3] =	stream.linear.gather [hbm4b:s22+s19], $0x50, $0x38;
	[tilespmem:$0x1B480] =	vst v63  }
0x242: {  	_ =	swait.ge [sflag:s29], $0x50  }
0x243: {  	[sflag:s29] =	ssyncset.done $0x0  }
0x244: {  	s15 =	sadd.s32 s8, s15;
	[sflag:s29] =	ssyncadd.s32 $0xFFFFFFB0  }
0x245: {  	[tilespmem:s30], [sflag:$0x3] =	stream.linear.gather [hbm4b:s15+s19], $0x50, $0x38;
	[tilespmem:$0x1B480] =	vst v63  }
0x246: {  	_ =	swait.ge [sflag:s29], $0x50  }
0x247: {  	[sflag:s29] =	ssyncset.done $0x0  }
0x248: {  	[sflag:s29] =	ssyncadd.s32 $0xFFFFFFB0  }
0x249: {  	[tilespmem:s0], [sflag:$0x1] =	stream.indirect.gather [hbm4b:s13+s31], $0x80, s19, s31, $0xb8;
	[tilespmem:$0x1B480] =	vst v63  }
0x24a: {  	_ = 	snop  }
0x24b: {  	[tilespmem:s1], [sflag:$0x2] =	stream.indirect.gather [hbm4b:s3+s31], $0x80, s30, s31, $0xb8;
	[tilespmem:$0x1B480] =	vst v63  }
0x24c: {  	_ =	swait.ge [sflag:s6], $0x2800  }
0x24d: {  	[sflag:s6] =	ssyncset.done $0x0  }
0x24e: {  	[sflag:s6] =	ssyncadd.s32 $0xFFFFD800  }
0x24f: {  	_ =	swait.ge [sflag:s28], $0x2800  }
0x250: {  	[sflag:s28] =	ssyncset.done $0x0  }
0x251: {  	[sflag:s28] =	ssyncadd.s32 $0xFFFFD800  }
0x252: {  	v5 =	vld [tilespmem:$0x80]  }
0x253: {  	v6 =	vld [tilespmem:$0x90]  }
0x254: {  	v7 =	vld [tilespmem:$0xA0]  }
0x255: {  	v8 =	vld [tilespmem:$0xB0]  }
0x256: {  	v9 =	vld [tilespmem:$0xC0]  }
0x257: {  	v5 =	vsub.s32 v5, v2  }
0x258: {  	v6 =	vsub.s32 v6, v2;
	v5 =	vmin.u32 v5, $0x1388  }
0x259: {  	[tilespmem:$0x100] =	vst v5;
	v5 =	vmin.u32 v6, $0x1388;
	v6 =	vsub.s32 v7, v2  }
0x25a: {  	[tilespmem:$0x110] =	vst v5;
	v5 =	vmin.u32 v6, $0x1388;
	v6 =	vsub.s32 v8, v2  }
0x25b: {  	[tilespmem:$0x120] =	vst v5;
	v5 =	vmin.u32 v6, $0x1388;
	v6 =	vsub.s32 v9, v2  }
0x25c: {  	[tilespmem:$0x130] =	vst v5;
	v5 =	vmin.u32 v6, $0x1388  }
0x25d: {  	s22 =	simm.s32 $0x0;
	v17 =	vld [tilespmem:$0x7B00];
	[tilespmem:$0x140] =	vst v5  }
0x25e: {  	v6 =	vld [tilespmem:s22+$0x190]  }
0x25f: {  	v7 =	vld [tilespmem:s22+$0x180]  }
0x260: {  	v8 =	vld [tilespmem:s22+$0x1A0]  }
0x261: {  	v9 =	vld [tilespmem:s22+$0x1F0]  }
0x262: {  	v10 =	vld [tilespmem:s22+$0x2990]  }
0x263: {  	v11 =	vld [tilespmem:s22+$0x29F0]  }
0x264: {  	v12 =	vld [tilespmem:s22+$0x29A0]  }
0x265: {  	v14 =	vld [tilespmem:s22+$0x1C0]  }
0x266: {  	v15 =	vld [tilespmem:s22+$0x29C0]  }
0x267: {  	v13 =	vld [tilespmem:s22+$0x2980]  }
0x268: {  	v18 =	vld [tilespmem:s22+$0x29D0]  }
0x269: {  	v19 =	vld [tilespmem:s22+$0x1E0]  }
0x26a: {  	v20 =	vld [tilespmem:s22+$0x1D0];
	v6 =	vadd.f32 v10, v6;
	v9 =	vadd.f32 v11, v9  }
0x26b: {  	v10 =	vld [tilespmem:s22+$0x29E0];
	v11 =	vadd.f32 v12, v8;
	v14 =	vadd.f32 v15, v14  }
0x26c: {  	v16 =	vld [tilespmem:$0x7B10];
	v12 =	vadd.f32 v13, v7;
	v7 =	vmul.f32 $2.000000030e-01, v6;
	v21 =	vmul.f32 $2.000000030e-01, v9  }
0x26d: {  	v5 =	vld [tilespmem:s22+$0x1B0];
	v15 =	vmul.f32 $2.000000030e-01, v11;
	v23 =	vmul.f32 $2.000000030e-01, v14  }
0x26e: {  	v13 =	vld [tilespmem:s22+$0x29B0];
	v22 =	vmul.f32 $2.000000030e-01, v12;
	v8 =	vmax.f32 v6, v7;
	v6 =	vmax.f32 v9, v21  }
0x26f: {  	v7 =	vmax.f32 v11, v15;
	v11 =	vld [tilespmem:$0x7B50];
	v9 =	vmax.f32 v14, v23;
	v14 =	vadd.f32 v18, v20  }
0x270: {  	s25 =	simm.s32 $0x200;
	v15 =	vmax.f32 v12, v22;
	v12 =	vld [tilespmem:$0x7B60];
	v10 =	vadd.f32 v10, v19  }
.LBB2_15:
0x271: {  	p0 =	sne.s32 s25, $0x9E00;
	v18 =	vld [tilespmem:$0x7B20];
	v19 =	vmul.f32 $2.000000030e-01, v14;
	s15 =	smov.u32 s25;
	s25 =	sadd.s32 $0x200, s25  }
0x272: {  	v20 =	vmul.f32 $2.000000030e-01, v10;
	v15 =	vmul.f32 v15, v17;
	v17 =	vld [tilespmem:$0x7B40]  }
0x273: {  	v5 =	vadd.f32 v13, v5;
	v8 =	vmul.f32 v8, v16;
	v13 =	vld [tilespmem:$0x7B30];
	v14 =	vmax.f32 v14, v19  }
0x274: {  	v10 =	vmax.f32 v10, v20;
	v15 =	vadd.f32 $0.0e+00, v15;
	v11 =	vmul.f32 v14, v11  }
0x275: {  	v14 =	vmul.f32 $2.000000030e-01, v5;
	v10 =	vmul.f32 v10, v12;
	v12 =	vld [tilespmem:$0x7B70]  }
0x276: {  	v8 =	vadd.f32 v8, v15;
	v7 =	vmul.f32 v7, v18  }
0x277: {  	v5 =	vmax.f32 v5, v14;
	v9 =	vmul.f32 v9, v17  }
0x278: {  	v7 =	vadd.f32 v7, v8;
	v5 =	vmul.f32 v5, v13;
	_ =	sdelay $0x1  }
0x279: {  	s15 =	sshra.s32 s15, $0x2;
	v5 =	vadd.f32 v5, v7;
	v6 =	vmul.f32 v6, v12  }
0x27a: {  	v7 =	vld [tilespmem:s15+$0x190]  }
0x27b: {  	v8 =	vld [tilespmem:s15+$0x180];
	v9 =	vadd.f32 v9, v5;
	_ =	sdelay $0x1  }
0x27c: {  	v5 =	vld [tilespmem:s15+$0x1B0];
	v9 =	vadd.f32 v11, v9  }
0x27d: {  	v11 =	vld [tilespmem:s15+$0x1A0]  }
0x27e: {  	v9 =	vadd.f32 v10, v9;
	_ =	sdelay $0x1  }
0x27f: {  	v6 =	vadd.f32 v6, v9;
	_ =	sdelay $0x1  }
0x280: {  	v9 =	vperm.xlane v6, v0;
	_ =	sdelay $0x1  }
0x281: {  	v6 =	vadd.f32 v6, v9;
	_ =	sdelay $0x1  }
0x282: {  	v9 =	vperm.xlane v6, v1;
	_ =	sdelay $0x1  }
0x283: {  	v6 =	vadd.f32 v6, v9;
	_ =	sdelay $0x1  }
0x284: {  	v9 =	vperm.xlane v6, v3;
	_ =	sdelay $0x1  }
0x285: {  	v6 =	vadd.f32 v6, v9;
	_ =	sdelay $0x1  }
0x286: {  	v9 =	vperm.xlane v6, v4;
	_ =	sdelay $0x1  }
0x287: {  	v6 =	vadd.f32 v6, v9;
	_ =	sdelay $0x1  }
0x288: {  	v6 =	vmul.f32 $1.442695020e+00, v6;
	_ =	sdelay $0x1  }
0x289: {  	(erf) = vpow2.f32 v6  }
0x28a: {  	v6 =	vld [tilespmem:s22+$0x1E0]  }
0x28b: {  	v9 =	vld [tilespmem:s22+$0x1D0]  }
0x28c: {  	v10 =	vld [tilespmem:s22+$0x1A0]  }
0x28d: {  	v12 =	vld [tilespmem:s22+$0x1F0]  }
0x28e: {  	v13 =	vld [tilespmem:s22+$0x190]  }
0x28f: {  	v14 =	vld [tilespmem:s22+$0x180]  }
0x290: {  	v15 =	vld [tilespmem:s22+$0x1C0]  }
0x291: {  	v16 =	vld [tilespmem:s22+$0x1B0]  }
0x292: {  	v17 =	vpop (erf)  }
0x293: {  	[tilespmem:s22+$0x5180] =	vst v17;
	v13 =	vmul.f32 v13, v17;
	v12 =	vmul.f32 v12, v17  }
0x294: {  	v10 =	vmul.f32 v10, v17;
	[tilespmem:s22+$0x5190] =	vst v17;
	v14 =	vmul.f32 v14, v17  }
0x295: {  	v9 =	vmul.f32 v9, v17;
	v18 =	vld [tilespmem:s15+$0x1F0];
	[tilespmem:s22+$0x2990] =	vst v13;
	v13 =	vmul.f32 v15, v17  }
0x296: {  	v6 =	vmul.f32 v6, v17;
	v15 =	vld [tilespmem:s15+$0x2990];
	v16 =	vmul.f32 v16, v17;
	[tilespmem:s22+$0x29F0] =	vst v12  }
0x297: {  	v12 =	vld [tilespmem:s15+$0x29F0];
	[tilespmem:s22+$0x29A0] =	vst v10  }
0x298: {  	v10 =	vld [tilespmem:s15+$0x29A0];
	[tilespmem:s22+$0x2980] =	vst v14  }
0x299: {  	v14 =	vld [tilespmem:s15+$0x2980];
	[tilespmem:s22+$0x29C0] =	vst v13  }
0x29a: {  	v13 =	vld [tilespmem:s15+$0x1C0];
	[tilespmem:s22+$0x29D0] =	vst v9  }
0x29b: {  	v7 =	vadd.f32 v15, v7;
	v9 =	vld [tilespmem:s15+$0x29C0];
	[tilespmem:s22+$0x29E0] =	vst v6  }
0x29c: {  	v6 =	vadd.f32 v12, v18;
	[tilespmem:s22+$0x29B0] =	vst v16  }
0x29d: {  	v12 =	vmul.f32 $2.000000030e-01, v7;
	v10 =	vadd.f32 v10, v11;
	[tilespmem:s22+$0x51A0] =	vst v17  }
0x29e: {  	v11 =	vadd.f32 v14, v8;
	v14 =	vld [tilespmem:s15+$0x29D0];
	v15 =	vmul.f32 $2.000000030e-01, v6;
	[tilespmem:s22+$0x51B0] =	vst v17  }
0x29f: {  	v8 =	vmax.f32 v7, v12;
	v7 =	vmul.f32 $2.000000030e-01, v10;
	v12 =	vld [tilespmem:s15+$0x1E0];
	[tilespmem:s22+$0x51C0] =	vst v17  }
0x2a0: {  	v16 =	vmul.f32 $2.000000030e-01, v11;
	v9 =	vadd.f32 v9, v13;
	v18 =	vld [tilespmem:s15+$0x29E0];
	v6 =	vmax.f32 v6, v15;
	[tilespmem:s22+$0x51D0] =	vst v17  }
0x2a1: {  	v7 =	vmax.f32 v10, v7;
	v19 =	vld [tilespmem:s15+$0x1D0];
	[tilespmem:s22+$0x51E0] =	vst v17  }
0x2a2: {  	v15 =	vmax.f32 v11, v16;
	v10 =	vmul.f32 $2.000000030e-01, v9;
	[tilespmem:s22+$0x51F0] =	vst v17;
	s22 =	smov.u32 s15  }
.Ltmp6:
0x2a3: {  	v13 =	vld [tilespmem:s22+$0x29B0];
	(pc) =	sbr.rel @p0 .LBB2_15-.Ltmp6, $4  }
0x2a4: {  	v17 =	vld [tilespmem:$0x7B00];
	v9 =	vmax.f32 v9, v10  }
0x2a5: {  	v16 =	vld [tilespmem:$0x7B10];
	v10 =	vadd.f32 v18, v12  }
0x2a6: {  	v14 =	vadd.f32 v14, v19;
	v11 =	vld [tilespmem:$0x7B50]  }
0x2a7: {  	v12 =	vld [tilespmem:$0x7B60]  }
0x2a8: {  	v18 =	vld [tilespmem:$0x7B20]  }
0x2a9: {  	v15 =	vmul.f32 v15, v17  }
0x2aa: {  	v5 =	vadd.f32 v13, v5;
	v51 =	vld [tilespmem:$0x7B30]  }
0x2ab: {  	v8 =	vmul.f32 v8, v16;
	v15 =	vadd.f32 $0.0e+00, v15  }
0x2ac: {  	v52 =	vld [tilespmem:$0x7B40];
	v53 =	vmul.f32 $2.000000030e-01, v5  }
0x2ad: {  	v8 =	vadd.f32 v8, v15;
	v7 =	vmul.f32 v7, v18  }
0x2ae: {  	v5 =	vmax.f32 v5, v53  }
0x2af: {  	v5 =	vmul.f32 v5, v51;
	v7 =	vadd.f32 v7, v8  }
0x2b0: {  	v54 =	vmul.f32 $2.000000030e-01, v14  }
0x2b1: {  	v9 =	vmul.f32 v9, v52;
	v5 =	vadd.f32 v5, v7  }
0x2b2: {  	v55 =	vld [tilespmem:$0x7B70];
	v8 =	vmax.f32 v14, v54;
	v7 =	vmul.f32 $2.000000030e-01, v10  }
0x2b3: {  	v8 =	vmul.f32 v8, v11;
	v5 =	vadd.f32 v9, v5  }
0x2b4: {  	v7 =	vmax.f32 v10, v7  }
0x2b5: {  	v7 =	vmul.f32 v7, v12;
	v5 =	vadd.f32 v8, v5;
	_ =	sdelay $0x1  }
0x2b6: {  	v6 =	vmul.f32 v6, v55;
	v5 =	vadd.f32 v7, v5;
	_ =	sdelay $0x1  }
0x2b7: {  	v5 =	vadd.f32 v6, v5;
	_ =	sdelay $0x1  }
0x2b8: {  	v6 =	vperm.xlane v5, v0;
	_ =	sdelay $0x1  }
0x2b9: {  	v5 =	vadd.f32 v5, v6;
	_ =	sdelay $0x1  }
0x2ba: {  	v6 =	vperm.xlane v5, v1;
	_ =	sdelay $0x1  }
0x2bb: {  	v5 =	vadd.f32 v5, v6;
	_ =	sdelay $0x1  }
0x2bc: {  	v6 =	vperm.xlane v5, v3;
	_ =	sdelay $0x1  }
0x2bd: {  	v5 =	vadd.f32 v5, v6;
	_ =	sdelay $0x1  }
0x2be: {  	v6 =	vperm.xlane v5, v4;
	_ =	sdelay $0x1  }
0x2bf: {  	v5 =	vadd.f32 v5, v6;
	_ =	sdelay $0x1  }
0x2c0: {  	v5 =	vmul.f32 $1.442695020e+00, v5;
	_ =	sdelay $0x1  }
0x2c1: {  	(erf) = vpow2.f32 v5;
	_ =	sdelay $0x8  }
0x2c2: {  	v61 =	vpop (erf)  }
0x2c3: {  	[tilespmem:s22+$0x5180] =	vst v61  }
0x2c4: {  	v56 =	vld [tilespmem:s22+$0x190];
	[tilespmem:s22+$0x5190] =	vst v61  }
0x2c5: {  	v57 =	vld [tilespmem:s22+$0x1F0];
	[tilespmem:s22+$0x51A0] =	vst v61  }
0x2c6: {  	v7 =	vld [tilespmem:s22+$0x1A0];
	[tilespmem:s22+$0x51B0] =	vst v61  }
0x2c7: {  	v58 =	vld [tilespmem:s22+$0x180];
	[tilespmem:s22+$0x51C0] =	vst v61  }
0x2c8: {  	v59 =	vld [tilespmem:s22+$0x1C0];
	[tilespmem:s22+$0x51D0] =	vst v61  }
0x2c9: {  	v6 =	vld [tilespmem:s22+$0x1D0];
	v8 =	vmul.f32 v56, v61;
	[tilespmem:s22+$0x51E0] =	vst v61  }
0x2ca: {  	v5 =	vld [tilespmem:s22+$0x1E0];
	v9 =	vmul.f32 v57, v61;
	[tilespmem:s22+$0x51F0] =	vst v61  }
0x2cb: {  	v60 =	vld [tilespmem:s22+$0x1B0];
	v7 =	vmul.f32 v7, v61;
	[tilespmem:s22+$0x2990] =	vst v8  }
0x2cc: {  	v62 =	vmul.f32 v58, v61;
	[tilespmem:s22+$0x29F0] =	vst v9  }
0x2cd: {  	v63 =	vmul.f32 v59, v61;
	[tilespmem:s22+$0x29A0] =	vst v7  }
0x2ce: {  	v6 =	vmul.f32 v6, v61;
	[tilespmem:s22+$0x2980] =	vst v62  }
0x2cf: {  	v5 =	vmul.f32 v5, v61;
	[tilespmem:s22+$0x29C0] =	vst v63  }
0x2d0: {  	v7 =	vmul.f32 v60, v61;
	[tilespmem:s22+$0x29D0] =	vst v6  }
0x2d1: {  	[tilespmem:s22+$0x29E0] =	vst v5  }
0x2d2: {  	[tilespmem:s22+$0x29B0] =	vst v7  }
0x2d3: {  	[spmem:s4] =	stream.indirect.scatter.add.f32 [tilespmem:s1], [sflag:$0x3], $0x80, s24, s31, $0xb8;
	[tilespmem:$0x1B480] =	vst v63  }
0x2d4: {  	s21 =	sadd.s32 $0x1, s21;
	_ =	swait.ge [sflag:s29], $0x2800  }
0x2d5: {  	p0 =	sne.s32 s21, $0xFA;
	[sflag:s29] =	ssyncset.done $0x0  }
.Ltmp7:
0x2d6: {  	[sflag:s29] =	ssyncadd.s32 $0xFFFFD800;
	(pc) =	sbr.rel @p0 .LBB2_14-.Ltmp7, $4  }
0x2d7: {  	[spmem:s5] =	stream.indirect.scatter.add.f32 [tilespmem:s14], [sflag:$0x3], $0x80, s24, s31, $0xb8;
	[tilespmem:$0x1B480] =	vst v63  }
0x2d8: {  	_ =	swait.ge [sflag:s29], $0x2800  }
0x2d9: {  	[sflag:s29] =	ssyncset.done $0x0  }
0x2da: {  	[sflag:s29] =	ssyncadd.s32 $0xFFFFD800  }
0x2db: {  	[bflag:$0x0] =	sbarrier.arrive $0xFFFF  }
0x2dc: {  	s15 =	rddreg [dreg:$0xd]  }
0x2dd: {  	[hbm:s15], [sflag:s16] =	dma.local [spmem:s17], $0x13880  }
0x2de: {  	_ =	swait.ge [sflag:s29], $0x13880  }
0x2df: {  	[sflag:s29] =	ssyncset.done $0x0  }
0x2e0: {  	s21 =	rddreg [dreg:$0xe];
	[sflag:s29] =	ssyncadd.s32 $0xFFFEC780  }
0x2e1: {  	[hbm:s21], [sflag:s16] =	dma.local [spmem:s18], $0x13880  }
0x2e2: {  	_ =	swait.ge [sflag:s29], $0x13880  }
0x2e3: {  	s22 =	rddreg [dreg:$0x10]  }
0x2e4: {  	s25 =	rddreg [dreg:$0xf];
	s16 =	sadd.s32 $0x1, s22  }
0x2e5: {  	p0 =	sne.s32 s16, s25  }
.Ltmp8:
0x2e6: {  	_ = 	snop;
	(pc) =	sbr.rel @p0 .LBB2_1-.Ltmp8, $3  }
0x2e7: {  	[sflag:s29] =	ssyncset.done $0x0  }
0x2e8: {  	[sflag:s29] =	ssyncadd.s32 $0xFFFEC780  }
0x2e9: {  	[bflag:$0x0] =	sbarrier.arrive $0xFFFF;
	_ =	sdelay $0x1  }
0x2ea: {  	_ =	sfence.sel $0x180000  }
0x2eb: {  	[bflag:$0x0] =	sbarrier.arrive $0xFFFF  }
0x2ec: {  	_ =	strace $0x90000047  }
0x2ed: {  	s0 =	stileid.u32;
	[bflag:$0x2] =	sbarrier.arrive $0xFFFF  }
0x2ee: {  	p0 =	sne.s32 s0, $0x0;
	s0 =	rddreg [dreg:$0x6]  }
0x2ef: {  	s0 =	sadd.s32 @!p0 $0x100000, s0  }
0x2f0: {  	[sflag:s0] =	ssyncadd.tile.s32 @!p0 $0x1;
	_ =	shalt  }
.Lfunc_end2:
_tile_overlayer_lowered:
.L_overlay_start_2:
0x2f1: {  	(tag) =	ssettag $0x2  }
0x2f2: {  	s0 =	rddreg [dreg:$0x0];
	s2 =	stileid.u32  }
0x2f3: {  	s1 =	rddreg [dreg:$0x1];
	p0 =	sne.s32 s2, $0x0  }
0x2f4: {  	s3 =	rddreg [dreg:$0x2];
	[bflag:$0x3] =	sbarrier.arrive $0xFFFF;
	s2 =	simm.s32 @!p0 $0x1C03  }
0x2f5: {  	[timem:s3], [sflag:s2] =	dma.local @!p0 [hbm:s0], s1  }
0x2f6: {  	s0 =	simm.s32 @!p0 $0x3  }
0x2f7: {  	_ =	swait.ge @!p0 [sflag:s0], s1  }
0x2f8: {  	s1 =	ssub.s32 @!p0 $0x0, s1;
	[sflag:s0] =	ssyncset.done @!p0 $0x0  }
0x2f9: {  	[sflag:s0] =	ssyncadd.s32 @!p0 s1  }
0x2fa: {  	[bflag:$0x3] =	sbarrier.arrive $0xFFFF  }
0x2fb: {  	_ =	shalt  }

</sc_bundles>
